<compile_context>
chip_gen: v7x
topology: tpu7x:2x2x1
jax: 0.10.2.dev20260603
libtpu: 0.0.44.dev20260713+nightly
codegen_flags: <defaults>
</compile_context>

<pallas_src>
import functools

import jax
import jax.numpy as jnp
from jax import lax
from jax.experimental import pallas as pl
from jax.experimental.pallas import tpu as pltpu
from jax.experimental.pallas import tpu_sc as plsc

_NC = 2
_NS = 16
_NW = _NC * _NS
_EB = 128
_GRAPHS = 128
_RB = 1000



def _make_sc_agg(npad, nb, emb):
    chunk = npad // _NS
    mesh = plsc.VectorSubcoreMesh(
        core_axis_name="c", subcore_axis_name="s",
        num_cores=_NC, num_subcores=_NS)

    @functools.partial(
        pl.kernel,
        out_type=jax.ShapeDtypeStruct((_NC, npad, emb), jnp.float32),
        mesh=mesh,
        scratch_types=[
            pltpu.VMEM((nb, _EB), jnp.int32),
            pltpu.VMEM((nb, _EB), jnp.int32),
            pltpu.VMEM((_EB, emb), jnp.float32),
            pltpu.VMEM_SHARED((npad, emb), jnp.float32),
            pltpu.SemaphoreType.DMA,
        ],
    )
    def k(table_hbm, src_hbm, dst_hbm, zeros_hbm, out_hbm,
          src_v, dst_v, rows_v, acc_sh, sem):
        c = lax.axis_index("c")
        s = lax.axis_index("s")
        wid = s * _NC + c
        pltpu.sync_copy(zeros_hbm.at[pl.ds(s * chunk, chunk)],
                        acc_sh.at[pl.ds(s * chunk, chunk)])
        pltpu.sync_copy(src_hbm.at[wid], src_v)
        pltpu.sync_copy(dst_hbm.at[wid], dst_v)
        plsc.subcore_barrier()

        def body(j, carry):
            pltpu.async_copy(table_hbm.at[src_v.at[j]], rows_v, sem).wait()
            pltpu.sync_copy(rows_v, acc_sh.at[dst_v.at[j]], add=True)
            return carry

        lax.fori_loop(0, nb, body, 0)
        plsc.subcore_barrier()
        pltpu.sync_copy(acc_sh.at[pl.ds(s * chunk, chunk)],
                        out_hbm.at[c].at[pl.ds(s * chunk, chunk)])

    return k



def _embed_body(x_ref, ea_ref, ec_ref, o_ref):
    io = lax.broadcasted_iota(jnp.int32, (_RB, 128), 1)
    oha = (x_ref[:, 0:1] == io).astype(jnp.float32)
    ohc = (x_ref[:, 1:2] == io).astype(jnp.float32)
    o_ref[...] = (
        jnp.dot(oha, ea_ref[...], preferred_element_type=jnp.float32)
        + jnp.dot(ohc, ec_ref[...], preferred_element_type=jnp.float32))


def _layer_body(relu, h_ref, a_ref, cw_ref, w_ref, m_ref, v_ref, o_ref):
    xs = a_ref[0] + a_ref[1] + h_ref[...]
    z = jnp.dot(xs, w_ref[...], preferred_element_type=jnp.float32)
    z = z + jnp.dot(cw_ref[0] + cw_ref[1], m_ref[...],
                    preferred_element_type=jnp.float32)
    z = (z + v_ref[0:1]) * v_ref[1:2] + v_ref[2:3]
    if relu:
        z = jnp.maximum(z, 0.0)
    o_ref[...] = z


def _pool_body(nsteps, b_ref, h_ref, wf_ref, bf_ref, o_ref, acc_s, cnt_s):
    i = pl.program_id(0)

    @pl.when(i == 0)
    def _():
        acc_s[...] = jnp.zeros_like(acc_s)
        cnt_s[...] = jnp.zeros_like(cnt_s)

    io = lax.broadcasted_iota(jnp.int32, (_RB, _GRAPHS), 1)
    oh = (b_ref[...] == io).astype(jnp.float32)
    dn = (((0,), (0,)), ((), ()))
    acc_s[...] += lax.dot_general(oh, h_ref[...], dn,
                                  preferred_element_type=jnp.float32)
    cnt_s[...] += lax.dot_general(oh, jnp.ones((_RB, 128), jnp.float32), dn,
                                  preferred_element_type=jnp.float32)

    @pl.when(i == nsteps - 1)
    def _():
        pooled = acc_s[...] / jnp.maximum(cnt_s[...], 1.0)
        o_ref[...] = (jnp.dot(pooled, wf_ref[...],
                              preferred_element_type=jnp.float32)
                      + bf_ref[...])



def kernel(x, edge_index, edge_attr, batch, emb_atom, emb_chir, Ws, bs,
           ee1, ee2, bn_gamma, bn_beta, W_feat, b_feat):
    n = x.shape[0]
    e = edge_index.shape[1]
    emb = emb_atom.shape[1]
    feat = W_feat.shape[1]
    nlayer = Ws.shape[0]
    npad = ((n + _NS * 8 - 1) // (_NS * 8) + 1) * (_NS * 8)
    nb = -(-e // (_NW * _EB))
    etot = _NW * nb * _EB
    grid_n = n // _RB

    pad = etot - e
    src = jnp.concatenate([edge_index[0], jnp.zeros((pad,), jnp.int32)])
    dst = jnp.concatenate([edge_index[1],
                           jnp.full((pad,), npad - 1, jnp.int32)])
    kc = edge_attr[:, 0] * 3 + edge_attr[:, 1]
    srcc = jnp.concatenate([kc, jnp.zeros((pad,), jnp.int32)])
    src3 = src.reshape(_NW, nb, _EB)
    dst3 = dst.reshape(_NW, nb, _EB)
    srcc3 = srcc.reshape(_NW, nb, _EB)
    zeros = jnp.zeros((npad, emb), jnp.float32)
    eye16 = jnp.eye(16, emb, dtype=jnp.float32)

    ea_pad = jnp.zeros((128, emb), jnp.float32).at[:emb_atom.shape[0]].set(emb_atom)
    ec_pad = jnp.zeros((128, emb), jnp.float32).at[:emb_chir.shape[0]].set(emb_chir)
    ki = jnp.arange(15)
    lut = ee1[:, ki // 3, 0] + ee2[:, ki % 3, 0]
    M = jnp.zeros((nlayer, 128, emb), jnp.float32).at[:, :15, :].set(
        lut[:, :, None] * jnp.ones((1, 1, emb), jnp.float32))
    beff = bs + (ee1[:, 4, 0] + ee2[:, 0, 0])[:, None]
    vconsts = jnp.stack([beff, bn_gamma, bn_beta], axis=1)

    rows = lambda shape: pl.BlockSpec(
        shape, lambda i: (i,) + (0,) * (len(shape) - 1))
    full = lambda shape: pl.BlockSpec(shape, lambda i: (0,) * len(shape))
    mid = pl.BlockSpec((_NC, _RB, emb), lambda i: (0, i, 0))

    h = pl.pallas_call(
        _embed_body,
        grid=(grid_n,),
        in_specs=[rows((_RB, 2)), full((128, emb)), full((128, emb))],
        out_specs=rows((_RB, emb)),
        out_shape=jax.ShapeDtypeStruct((n, emb), jnp.float32),
    )(x, ea_pad, ec_pad)

    sc_agg = _make_sc_agg(npad, nb, emb)
    cw = sc_agg(eye16, srcc3, dst3, zeros)

    def layer_call(relu):
        return pl.pallas_call(
            functools.partial(_layer_body, relu),
            grid=(grid_n,),
            in_specs=[rows((_RB, emb)), mid, mid, full((emb, emb)),
                      full((128, emb)), full((3, emb))],
            out_specs=rows((_RB, emb)),
            out_shape=jax.ShapeDtypeStruct((n, emb), jnp.float32),
        )

    for l in range(nlayer):
        a = sc_agg(h, src3, dst3, zeros)
        h = layer_call(l < nlayer - 1)(h, a, cw, Ws[l], M[l], vconsts[l])

    out = pl.pallas_call(
        functools.partial(_pool_body, grid_n),
        grid=(grid_n,),
        in_specs=[rows((_RB, 1)), rows((_RB, emb)),
                  full((emb, feat)), full((1, feat))],
        out_specs=full((_GRAPHS, feat)),
        out_shape=jax.ShapeDtypeStruct((_GRAPHS, feat), jnp.float32),
        scratch_shapes=[pltpu.VMEM((_GRAPHS, emb), jnp.float32),
                        pltpu.VMEM((_GRAPHS, 128), jnp.float32)],
    )(batch.reshape(n, 1), h, W_feat, b_feat.reshape(1, feat))
    return out

# --- scband reference (transcript-rebuilt; emitter-appended) ---
"""Pipeline reference for scband-gcn-74663711473765 (READ-ONLY COPY).

The authoritative reference and input builder live on the scoring server;
editing this copy changes nothing except your own understanding.
"""

import jax, jax.numpy as jnp
import numpy as np

NUM_ATOM_TYPE = 119
NUM_CHIRALITY = 3
NUM_BOND_TYPE = 5
NUM_BOND_DIR = 3
N_NODES = 10000
N_EDGES = 320000
EMB_DIM = 128
FEAT_DIM = 512
NUM_LAYER = 5
N_GRAPHS = 128


def setup_inputs(seed: int = 0) -> dict:
    key = jax.random.key(seed)
    ks = jax.random.split(key, 16)
    x = jax.random.randint(ks[0], (N_NODES, 2), 0, 3, dtype=jnp.int64 if jax.config.jax_enable_x64 else jnp.int32).astype(jnp.int32)
    edge_index = jax.random.randint(ks[1], (2, N_EDGES), 0, N_NODES).astype(jnp.int32)
    edge_attr = jax.random.randint(ks[2], (N_EDGES, 2), 0, 3).astype(jnp.int32)
    batch = jnp.sort(jax.random.randint(ks[3], (N_NODES,), 0, N_GRAPHS)).astype(jnp.int32)
    emb_atom = jax.random.normal(ks[4], (NUM_ATOM_TYPE, EMB_DIM), dtype=jnp.float32) * 0.1
    emb_chir = jax.random.normal(ks[5], (NUM_CHIRALITY, EMB_DIM), dtype=jnp.float32) * 0.1
    stdv = np.sqrt(6.0 / (EMB_DIM + EMB_DIM))
    Ws = jax.random.uniform(ks[6], (NUM_LAYER, EMB_DIM, EMB_DIM), dtype=jnp.float32, minval=-stdv, maxval=stdv)
    bs = jnp.zeros((NUM_LAYER, EMB_DIM), dtype=jnp.float32)
    ee1 = jax.random.normal(ks[7], (NUM_LAYER, NUM_BOND_TYPE, 1), dtype=jnp.float32) * 0.1
    ee2 = jax.random.normal(ks[8], (NUM_LAYER, NUM_BOND_DIR, 1), dtype=jnp.float32) * 0.1
    bn_gamma = jnp.ones((NUM_LAYER, EMB_DIM), dtype=jnp.float32)
    bn_beta = jnp.zeros((NUM_LAYER, EMB_DIM), dtype=jnp.float32)
    W_feat = jax.random.normal(ks[9], (EMB_DIM, FEAT_DIM), dtype=jnp.float32) * (1.0 / np.sqrt(EMB_DIM))
    b_feat = jnp.zeros((FEAT_DIM,), dtype=jnp.float32)
    return {
        'x': x, 'edge_index': edge_index, 'edge_attr': edge_attr, 'batch': batch,
        'emb_atom': emb_atom, 'emb_chir': emb_chir, 'Ws': Ws, 'bs': bs,
        'ee1': ee1, 'ee2': ee2, 'bn_gamma': bn_gamma, 'bn_beta': bn_beta,
        'W_feat': W_feat, 'b_feat': b_feat,
    }


def reference(x, edge_index, edge_attr, batch, emb_atom, emb_chir, Ws, bs, ee1, ee2, bn_gamma, bn_beta, W_feat, b_feat):
    N = x.shape[0]
    # node embeddings: atom type + chirality tag
    h = emb_atom[x[:, 0]] + emb_chir[x[:, 1]]
    # add self loops once (same graph every layer)
    loops = jnp.arange(N, dtype=edge_index.dtype)
    ei = jnp.concatenate([edge_index, jnp.stack([loops, loops])], axis=1)
    sl_attr = jnp.zeros((N, 2), dtype=edge_attr.dtype).at[:, 0].set(4)
    ea = jnp.concatenate([edge_attr, sl_attr], axis=0)
    row, col = ei[0], ei[1]
    num_layers = Ws.shape[0]
    for l in range(num_layers):
        # edge embeddings (scalar per edge, broadcast over feature dim)
        ee = ee1[l][ea[:, 0]] + ee2[l][ea[:, 1]]  # [E', 1]
        xw = h @ Ws[l]
        msg = xw[row] + ee  # message = x_j + edge_attr (norm computed but discarded in original)
        out = jax.ops.segment_sum(msg, col, num_segments=N) + bs[l]
        # BatchNorm1d in eval mode with running stats (0, 1): affine only
        out = out * bn_gamma[l] + bn_beta[l]
        if l != num_layers - 1:
            out = jax.nn.relu(out)
        h = out
    # global mean pool over graphs
    sums = jax.ops.segment_sum(h, batch, num_segments=N_GRAPHS)
    cnt = jax.ops.segment_sum(jnp.ones((N,), dtype=h.dtype), batch, num_segments=N_GRAPHS)
    pooled = sums / jnp.clip(cnt, 1.0)[:, None]
    return pooled @ W_feat + b_feat

if __name__ == "__main__":
    import jax
    _d = setup_inputs()
    print(jax.jit(kernel)(*tuple(_d.values())))

</pallas_src>

<mosaic_0001>
#map = affine_map<(d0, d1) -> (0, 0)>
#map1 = affine_map<(d0, d1) -> (0, 0, 0)>
module attributes {stable_mosaic.version = 14 : i64} {
  func.func @k(%arg0: i32, %arg1: i32, %arg2: memref<16x128xf32, #tpu.memory_space<hbm>>, %arg3: memref<32x79x128xi32, #tpu.memory_space<hbm>>, %arg4: memref<32x79x128xi32, #tpu.memory_space<hbm>>, %arg5: memref<10240x128xf32, #tpu.memory_space<hbm>>, %arg6: memref<2x10240x128xf32, #tpu.memory_space<hbm>>, %arg7: memref<79x128xi32, #tpu.memory_space<vmem>>, %arg8: memref<79x128xi32, #tpu.memory_space<vmem>>, %arg9: memref<128x128xf32, #tpu.memory_space<vmem>>, %arg10: memref<10240x128xf32, #tpu.memory_space<vmem_shared>>, %arg11: memref<!tpu.dma_semaphore, #tpu.memory_space<semaphore_mem>>) attributes {dimension_semantics = [#tpu.dimension_semantics<core_parallel>, #tpu.dimension_semantics<subcore_parallel>], iteration_bounds = array<i64: 2, 16>, scalar_prefetch = 0 : i64, scratch_operands = 5 : i64, tpu.core_type = #tpu.core_type<sc_vector_subcore>, window_params = [{transform_indices = #map}, {transform_indices = #map1}, {transform_indices = #map1}, {transform_indices = #map}, {transform_indices = #map1}]} {
    %mul3A = arith.constant 2 : i32
    %mul3A_0 = arith.muli %arg1, %mul3A : i32
    %add3A = arith.addi %mul3A_0, %arg0 : i32
    %mul3A_1 = arith.constant 640 : i32
    %mul3A_2 = arith.muli %arg1, %mul3A_1 : i32
    %mul3A_3 = arith.constant 640 : i32
    %mul3A_4 = arith.muli %arg1, %mul3A_3 : i32
    "tpu.region"() ({
      %run_scoped3A = tpu.sem_alloc : memref<!tpu.dma_semaphore, #tpu.memory_space<semaphore_mem>>
      %dma_start3A = arith.constant 0 : i32
      %dma_start3A_15 = tpu.memref_slice %arg10[%mul3A_4, %dma_start3A] : memref<10240x128xf32, #tpu.memory_space<vmem_shared>> -> memref<640x128xf32, #tpu.memory_space<vmem_shared>>
      %dma_start3A_16 = arith.constant 0 : i32
      %dma_start3A_17 = tpu.memref_slice %arg5[%mul3A_2, %dma_start3A_16] : memref<10240x128xf32, #tpu.memory_space<hbm>> -> memref<640x128xf32, #tpu.memory_space<hbm>>
      tpu.enqueue_dma source(%dma_start3A_17 : memref<640x128xf32, #tpu.memory_space<hbm>>) target(%dma_start3A_15 : memref<640x128xf32, #tpu.memory_space<vmem_shared>>) target_semaphore(%run_scoped3A : memref<!tpu.dma_semaphore, #tpu.memory_space<semaphore_mem>>)
      %dma_wait3A = arith.constant 0 : i32
      %dma_wait3A_18 = tpu.memref_slice %arg10[%mul3A_4, %dma_wait3A] : memref<10240x128xf32, #tpu.memory_space<vmem_shared>> -> memref<640x128xf32, #tpu.memory_space<vmem_shared>>
      %dma_wait3A_19 = arith.constant 0 : i32
      %dma_wait3A_20 = tpu.memref_slice %arg5[%mul3A_2, %dma_wait3A_19] : memref<10240x128xf32, #tpu.memory_space<hbm>> -> memref<640x128xf32, #tpu.memory_space<hbm>>
      tpu.wait_dma2 semaphore(%run_scoped3A : memref<!tpu.dma_semaphore, #tpu.memory_space<semaphore_mem>>) src(%dma_wait3A_20 : memref<640x128xf32, #tpu.memory_space<hbm>>) dst(%dma_wait3A_18 : memref<640x128xf32, #tpu.memory_space<vmem_shared>>)
      tpu.yield
    }) : () -> ()
    "tpu.region"() ({
      %run_scoped3A = tpu.sem_alloc : memref<!tpu.dma_semaphore, #tpu.memory_space<semaphore_mem>>
      %dma_start3A = arith.constant 0 : i32
      %dma_start3A_15 = arith.constant 0 : i32
      %dma_start3A_16 = tpu.memref_slice %arg3[%add3A, %dma_start3A, %dma_start3A_15] : memref<32x79x128xi32, #tpu.memory_space<hbm>> -> memref<1x79x128xi32, #tpu.memory_space<hbm>>
      %dma_start3A_17 = tpu.memref_squeeze %dma_start3A_16 : memref<1x79x128xi32, #tpu.memory_space<hbm>> -> memref<79x128xi32, #tpu.memory_space<hbm>>
      %dma_start3A_18 = arith.constant 0 : i32
      %dma_start3A_19 = arith.constant 0 : i32
      %dma_start3A_20 = tpu.memref_slice %arg3[%add3A, %dma_start3A_18, %dma_start3A_19] : memref<32x79x128xi32, #tpu.memory_space<hbm>> -> memref<1x79x128xi32, #tpu.memory_space<hbm>>
      %dma_start3A_21 = tpu.memref_squeeze %dma_start3A_20 : memref<1x79x128xi32, #tpu.memory_space<hbm>> -> memref<79x128xi32, #tpu.memory_space<hbm>>
      tpu.enqueue_dma source(%dma_start3A_21 : memref<79x128xi32, #tpu.memory_space<hbm>>) target(%arg7 : memref<79x128xi32, #tpu.memory_space<vmem>>) target_semaphore(%run_scoped3A : memref<!tpu.dma_semaphore, #tpu.memory_space<semaphore_mem>>)
      %dma_wait3A = arith.constant 0 : i32
      %dma_wait3A_22 = arith.constant 0 : i32
      %dma_wait3A_23 = tpu.memref_slice %arg3[%add3A, %dma_wait3A, %dma_wait3A_22] : memref<32x79x128xi32, #tpu.memory_space<hbm>> -> memref<1x79x128xi32, #tpu.memory_space<hbm>>
      %dma_wait3A_24 = tpu.memref_squeeze %dma_wait3A_23 : memref<1x79x128xi32, #tpu.memory_space<hbm>> -> memref<79x128xi32, #tpu.memory_space<hbm>>
      %dma_wait3A_25 = arith.constant 0 : i32
      %dma_wait3A_26 = arith.constant 0 : i32
      %dma_wait3A_27 = tpu.memref_slice %arg3[%add3A, %dma_wait3A_25, %dma_wait3A_26] : memref<32x79x128xi32, #tpu.memory_space<hbm>> -> memref<1x79x128xi32, #tpu.memory_space<hbm>>
      %dma_wait3A_28 = tpu.memref_squeeze %dma_wait3A_27 : memref<1x79x128xi32, #tpu.memory_space<hbm>> -> memref<79x128xi32, #tpu.memory_space<hbm>>
      tpu.wait_dma2 semaphore(%run_scoped3A : memref<!tpu.dma_semaphore, #tpu.memory_space<semaphore_mem>>) src(%dma_wait3A_28 : memref<79x128xi32, #tpu.memory_space<hbm>>) dst(%arg7 : memref<79x128xi32, #tpu.memory_space<vmem>>)
      tpu.yield
    }) : () -> ()
    "tpu.region"() ({
      %run_scoped3A = tpu.sem_alloc : memref<!tpu.dma_semaphore, #tpu.memory_space<semaphore_mem>>
      %dma_start3A = arith.constant 0 : i32
      %dma_start3A_15 = arith.constant 0 : i32
      %dma_start3A_16 = tpu.memref_slice %arg4[%add3A, %dma_start3A, %dma_start3A_15] : memref<32x79x128xi32, #tpu.memory_space<hbm>> -> memref<1x79x128xi32, #tpu.memory_space<hbm>>
      %dma_start3A_17 = tpu.memref_squeeze %dma_start3A_16 : memref<1x79x128xi32, #tpu.memory_space<hbm>> -> memref<79x128xi32, #tpu.memory_space<hbm>>
      %dma_start3A_18 = arith.constant 0 : i32
      %dma_start3A_19 = arith.constant 0 : i32
      %dma_start3A_20 = tpu.memref_slice %arg4[%add3A, %dma_start3A_18, %dma_start3A_19] : memref<32x79x128xi32, #tpu.memory_space<hbm>> -> memref<1x79x128xi32, #tpu.memory_space<hbm>>
      %dma_start3A_21 = tpu.memref_squeeze %dma_start3A_20 : memref<1x79x128xi32, #tpu.memory_space<hbm>> -> memref<79x128xi32, #tpu.memory_space<hbm>>
      tpu.enqueue_dma source(%dma_start3A_21 : memref<79x128xi32, #tpu.memory_space<hbm>>) target(%arg8 : memref<79x128xi32, #tpu.memory_space<vmem>>) target_semaphore(%run_scoped3A : memref<!tpu.dma_semaphore, #tpu.memory_space<semaphore_mem>>)
      %dma_wait3A = arith.constant 0 : i32
      %dma_wait3A_22 = arith.constant 0 : i32
      %dma_wait3A_23 = tpu.memref_slice %arg4[%add3A, %dma_wait3A, %dma_wait3A_22] : memref<32x79x128xi32, #tpu.memory_space<hbm>> -> memref<1x79x128xi32, #tpu.memory_space<hbm>>
      %dma_wait3A_24 = tpu.memref_squeeze %dma_wait3A_23 : memref<1x79x128xi32, #tpu.memory_space<hbm>> -> memref<79x128xi32, #tpu.memory_space<hbm>>
      %dma_wait3A_25 = arith.constant 0 : i32
      %dma_wait3A_26 = arith.constant 0 : i32
      %dma_wait3A_27 = tpu.memref_slice %arg4[%add3A, %dma_wait3A_25, %dma_wait3A_26] : memref<32x79x128xi32, #tpu.memory_space<hbm>> -> memref<1x79x128xi32, #tpu.memory_space<hbm>>
      %dma_wait3A_28 = tpu.memref_squeeze %dma_wait3A_27 : memref<1x79x128xi32, #tpu.memory_space<hbm>> -> memref<79x128xi32, #tpu.memory_space<hbm>>
      tpu.wait_dma2 semaphore(%run_scoped3A : memref<!tpu.dma_semaphore, #tpu.memory_space<semaphore_mem>>) src(%dma_wait3A_28 : memref<79x128xi32, #tpu.memory_space<hbm>>) dst(%arg8 : memref<79x128xi32, #tpu.memory_space<vmem>>)
      tpu.yield
    }) : () -> ()
    %barrier3A = arith.constant 0 : index
    tpu.barrier barrier_id(%barrier3A)
    %scan3A = arith.constant 0 : i32
    %scan3A_5 = arith.constant 0 : i32
    %scan3A_6 = arith.constant 79 : i32
    %scan3A_7 = arith.addi %scan3A_5, %scan3A_6 : i32
    %scan3A_8 = arith.constant 1 : i32
    scf.for %scan3A_15 = %scan3A_5 to %scan3A_7 step %scan3A_8  : i32 {
      %dma_start3A = arith.constant 0 : i32
      %dma_start3A_16 = tpu.memref_slice %arg7[%scan3A_15, %dma_start3A] : memref<79x128xi32, #tpu.memory_space<vmem>> -> memref<1x128xi32, #tpu.memory_space<vmem>>
      %dma_start3A_17 = tpu.memref_squeeze %dma_start3A_16 : memref<1x128xi32, #tpu.memory_space<vmem>> -> memref<128xi32, #tpu.memory_space<vmem>>
      %dma_start3A_18 = arith.constant 0 : i32
      %dma_start3A_19 = arith.constant 0 : i32
      %dma_start3A_20 = tpu.memref_slice %arg2[%dma_start3A_18, %dma_start3A_19] : memref<16x128xf32, #tpu.memory_space<hbm>> -> memref<16x128xf32, #tpu.memory_space<hbm>>
      tpu.enqueue_indirect_dma source(%dma_start3A_20 : memref<16x128xf32, #tpu.memory_space<hbm>>) target(%arg9 : memref<128x128xf32, #tpu.memory_space<vmem>>) offsets(%dma_start3A_17 : memref<128xi32, #tpu.memory_space<vmem>>) semaphore(%arg11 : memref<!tpu.dma_semaphore, #tpu.memory_space<semaphore_mem>>)
      %dma_wait3A = arith.constant 0 : i32
      %dma_wait3A_21 = tpu.memref_slice %arg7[%scan3A_15, %dma_wait3A] : memref<79x128xi32, #tpu.memory_space<vmem>> -> memref<1x128xi32, #tpu.memory_space<vmem>>
      %dma_wait3A_22 = tpu.memref_squeeze %dma_wait3A_21 : memref<1x128xi32, #tpu.memory_space<vmem>> -> memref<128xi32, #tpu.memory_space<vmem>>
      %dma_wait3A_23 = arith.constant 0 : i32
      %dma_wait3A_24 = arith.constant 0 : i32
      %dma_wait3A_25 = tpu.memref_slice %arg2[%dma_wait3A_23, %dma_wait3A_24] : memref<16x128xf32, #tpu.memory_space<hbm>> -> memref<16x128xf32, #tpu.memory_space<hbm>>
      tpu.wait_indirect_dma semaphore(%arg11 : memref<!tpu.dma_semaphore, #tpu.memory_space<semaphore_mem>>) src(%dma_wait3A_25 : memref<16x128xf32, #tpu.memory_space<hbm>>) dst(%arg9 : memref<128x128xf32, #tpu.memory_space<vmem>>)
      "tpu.region"() ({
        %run_scoped3A = tpu.sem_alloc : memref<!tpu.dma_semaphore, #tpu.memory_space<semaphore_mem>>
        %dma_start3A_26 = arith.constant 0 : i32
        %dma_start3A_27 = tpu.memref_slice %arg8[%scan3A_15, %dma_start3A_26] : memref<79x128xi32, #tpu.memory_space<vmem>> -> memref<1x128xi32, #tpu.memory_space<vmem>>
        %dma_start3A_28 = tpu.memref_squeeze %dma_start3A_27 : memref<1x128xi32, #tpu.memory_space<vmem>> -> memref<128xi32, #tpu.memory_space<vmem>>
        %dma_start3A_29 = arith.constant 0 : i32
        %dma_start3A_30 = arith.constant 0 : i32
        %dma_start3A_31 = tpu.memref_slice %arg10[%dma_start3A_29, %dma_start3A_30] : memref<10240x128xf32, #tpu.memory_space<vmem_shared>> -> memref<10240x128xf32, #tpu.memory_space<vmem_shared>>
        tpu.enqueue_indirect_dma source(%arg9 : memref<128x128xf32, #tpu.memory_space<vmem>>) target(%dma_start3A_31 : memref<10240x128xf32, #tpu.memory_space<vmem_shared>>) offsets(%dma_start3A_28 : memref<128xi32, #tpu.memory_space<vmem>>) semaphore(%run_scoped3A : memref<!tpu.dma_semaphore, #tpu.memory_space<semaphore_mem>>) {add = true}
        %dma_wait3A_32 = arith.constant 0 : i32
        %dma_wait3A_33 = tpu.memref_slice %arg8[%scan3A_15, %dma_wait3A_32] : memref<79x128xi32, #tpu.memory_space<vmem>> -> memref<1x128xi32, #tpu.memory_space<vmem>>
        %dma_wait3A_34 = tpu.memref_squeeze %dma_wait3A_33 : memref<1x128xi32, #tpu.memory_space<vmem>> -> memref<128xi32, #tpu.memory_space<vmem>>
        %dma_wait3A_35 = arith.constant 0 : i32
        %dma_wait3A_36 = arith.constant 0 : i32
        %dma_wait3A_37 = tpu.memref_slice %arg10[%dma_wait3A_35, %dma_wait3A_36] : memref<10240x128xf32, #tpu.memory_space<vmem_shared>> -> memref<10240x128xf32, #tpu.memory_space<vmem_shared>>
        tpu.wait_indirect_dma semaphore(%run_scoped3A : memref<!tpu.dma_semaphore, #tpu.memory_space<semaphore_mem>>) src(%arg9 : memref<128x128xf32, #tpu.memory_space<vmem>>) dst(%dma_wait3A_37 : memref<10240x128xf32, #tpu.memory_space<vmem_shared>>)
        tpu.yield
      }) : () -> ()
    }
    %scan3A_9 = arith.constant 79 : i32
    %barrier3A_10 = arith.constant 0 : index
    tpu.barrier barrier_id(%barrier3A_10)
    %mul3A_11 = arith.constant 640 : i32
    %mul3A_12 = arith.muli %arg1, %mul3A_11 : i32
    %mul3A_13 = arith.constant 640 : i32
    %mul3A_14 = arith.muli %arg1, %mul3A_13 : i32
    "tpu.region"() ({
      %run_scoped3A = tpu.sem_alloc : memref<!tpu.dma_semaphore, #tpu.memory_space<semaphore_mem>>
      %dma_start3A = arith.constant 0 : i32
      %dma_start3A_15 = arith.constant 0 : i32
      %dma_start3A_16 = tpu.memref_slice %arg6[%arg0, %dma_start3A, %dma_start3A_15] : memref<2x10240x128xf32, #tpu.memory_space<hbm>> -> memref<1x10240x128xf32, #tpu.memory_space<hbm>>
      %dma_start3A_17 = tpu.memref_squeeze %dma_start3A_16 : memref<1x10240x128xf32, #tpu.memory_space<hbm>> -> memref<10240x128xf32, #tpu.memory_space<hbm>>
      %dma_start3A_18 = arith.constant 0 : i32
      %dma_start3A_19 = tpu.memref_slice %dma_start3A_17[%mul3A_14, %dma_start3A_18] : memref<10240x128xf32, #tpu.memory_space<hbm>> -> memref<640x128xf32, #tpu.memory_space<hbm>>
      %dma_start3A_20 = arith.constant 0 : i32
      %dma_start3A_21 = tpu.memref_slice %arg10[%mul3A_12, %dma_start3A_20] : memref<10240x128xf32, #tpu.memory_space<vmem_shared>> -> memref<640x128xf32, #tpu.memory_space<vmem_shared>>
      tpu.enqueue_dma source(%dma_start3A_21 : memref<640x128xf32, #tpu.memory_space<vmem_shared>>) target(%dma_start3A_19 : memref<640x128xf32, #tpu.memory_space<hbm>>) target_semaphore(%run_scoped3A : memref<!tpu.dma_semaphore, #tpu.memory_space<semaphore_mem>>)
      %dma_wait3A = arith.constant 0 : i32
      %dma_wait3A_22 = arith.constant 0 : i32
      %dma_wait3A_23 = tpu.memref_slice %arg6[%arg0, %dma_wait3A, %dma_wait3A_22] : memref<2x10240x128xf32, #tpu.memory_space<hbm>> -> memref<1x10240x128xf32, #tpu.memory_space<hbm>>
      %dma_wait3A_24 = tpu.memref_squeeze %dma_wait3A_23 : memref<1x10240x128xf32, #tpu.memory_space<hbm>> -> memref<10240x128xf32, #tpu.memory_space<hbm>>
      %dma_wait3A_25 = arith.constant 0 : i32
      %dma_wait3A_26 = tpu.memref_slice %dma_wait3A_24[%mul3A_14, %dma_wait3A_25] : memref<10240x128xf32, #tpu.memory_space<hbm>> -> memref<640x128xf32, #tpu.memory_space<hbm>>
      %dma_wait3A_27 = arith.constant 0 : i32
      %dma_wait3A_28 = tpu.memref_slice %arg10[%mul3A_12, %dma_wait3A_27] : memref<10240x128xf32, #tpu.memory_space<vmem_shared>> -> memref<640x128xf32, #tpu.memory_space<vmem_shared>>
      tpu.wait_dma2 semaphore(%run_scoped3A : memref<!tpu.dma_semaphore, #tpu.memory_space<semaphore_mem>>) src(%dma_wait3A_28 : memref<640x128xf32, #tpu.memory_space<vmem_shared>>) dst(%dma_wait3A_26 : memref<640x128xf32, #tpu.memory_space<hbm>>)
      tpu.yield
    }) : () -> ()
    return
  }
}

#map = affine_map<(d0, d1) -> (0, 0)>
#map1 = affine_map<(d0, d1) -> (0, 0, 0)>
module attributes {stable_mosaic.version = 14 : i64} {
  func.func @k(%arg0: i32, %arg1: i32, %arg2: memref<10000x128xf32, #tpu.memory_space<hbm>>, %arg3: memref<32x79x128xi32, #tpu.memory_space<hbm>>, %arg4: memref<32x79x128xi32, #tpu.memory_space<hbm>>, %arg5: memref<10240x128xf32, #tpu.memory_space<hbm>>, %arg6: memref<2x10240x128xf32, #tpu.memory_space<hbm>>, %arg7: memref<79x128xi32, #tpu.memory_space<vmem>>, %arg8: memref<79x128xi32, #tpu.memory_space<vmem>>, %arg9: memref<128x128xf32, #tpu.memory_space<vmem>>, %arg10: memref<10240x128xf32, #tpu.memory_space<vmem_shared>>, %arg11: memref<!tpu.dma_semaphore, #tpu.memory_space<semaphore_mem>>) attributes {dimension_semantics = [#tpu.dimension_semantics<core_parallel>, #tpu.dimension_semantics<subcore_parallel>], iteration_bounds = array<i64: 2, 16>, scalar_prefetch = 0 : i64, scratch_operands = 5 : i64, tpu.core_type = #tpu.core_type<sc_vector_subcore>, window_params = [{transform_indices = #map}, {transform_indices = #map1}, {transform_indices = #map1}, {transform_indices = #map}, {transform_indices = #map1}]} {
    %mul3A = arith.constant 2 : i32
    %mul3A_0 = arith.muli %arg1, %mul3A : i32
    %add3A = arith.addi %mul3A_0, %arg0 : i32
    %mul3A_1 = arith.constant 640 : i32
    %mul3A_2 = arith.muli %arg1, %mul3A_1 : i32
    %mul3A_3 = arith.constant 640 : i32
    %mul3A_4 = arith.muli %arg1, %mul3A_3 : i32
    "tpu.region"() ({
      %run_scoped3A = tpu.sem_alloc : memref<!tpu.dma_semaphore, #tpu.memory_space<semaphore_mem>>
      %dma_start3A = arith.constant 0 : i32
      %dma_start3A_15 = tpu.memref_slice %arg10[%mul3A_4, %dma_start3A] : memref<10240x128xf32, #tpu.memory_space<vmem_shared>> -> memref<640x128xf32, #tpu.memory_space<vmem_shared>>
      %dma_start3A_16 = arith.constant 0 : i32
      %dma_start3A_17 = tpu.memref_slice %arg5[%mul3A_2, %dma_start3A_16] : memref<10240x128xf32, #tpu.memory_space<hbm>> -> memref<640x128xf32, #tpu.memory_space<hbm>>
      tpu.enqueue_dma source(%dma_start3A_17 : memref<640x128xf32, #tpu.memory_space<hbm>>) target(%dma_start3A_15 : memref<640x128xf32, #tpu.memory_space<vmem_shared>>) target_semaphore(%run_scoped3A : memref<!tpu.dma_semaphore, #tpu.memory_space<semaphore_mem>>)
      %dma_wait3A = arith.constant 0 : i32
      %dma_wait3A_18 = tpu.memref_slice %arg10[%mul3A_4, %dma_wait3A] : memref<10240x128xf32, #tpu.memory_space<vmem_shared>> -> memref<640x128xf32, #tpu.memory_space<vmem_shared>>
      %dma_wait3A_19 = arith.constant 0 : i32
      %dma_wait3A_20 = tpu.memref_slice %arg5[%mul3A_2, %dma_wait3A_19] : memref<10240x128xf32, #tpu.memory_space<hbm>> -> memref<640x128xf32, #tpu.memory_space<hbm>>
      tpu.wait_dma2 semaphore(%run_scoped3A : memref<!tpu.dma_semaphore, #tpu.memory_space<semaphore_mem>>) src(%dma_wait3A_20 : memref<640x128xf32, #tpu.memory_space<hbm>>) dst(%dma_wait3A_18 : memref<640x128xf32, #tpu.memory_space<vmem_shared>>)
      tpu.yield
    }) : () -> ()
    "tpu.region"() ({
      %run_scoped3A = tpu.sem_alloc : memref<!tpu.dma_semaphore, #tpu.memory_space<semaphore_mem>>
      %dma_start3A = arith.constant 0 : i32
      %dma_start3A_15 = arith.constant 0 : i32
      %dma_start3A_16 = tpu.memref_slice %arg3[%add3A, %dma_start3A, %dma_start3A_15] : memref<32x79x128xi32, #tpu.memory_space<hbm>> -> memref<1x79x128xi32, #tpu.memory_space<hbm>>
      %dma_start3A_17 = tpu.memref_squeeze %dma_start3A_16 : memref<1x79x128xi32, #tpu.memory_space<hbm>> -> memref<79x128xi32, #tpu.memory_space<hbm>>
      %dma_start3A_18 = arith.constant 0 : i32
      %dma_start3A_19 = arith.constant 0 : i32
      %dma_start3A_20 = tpu.memref_slice %arg3[%add3A, %dma_start3A_18, %dma_start3A_19] : memref<32x79x128xi32, #tpu.memory_space<hbm>> -> memref<1x79x128xi32, #tpu.memory_space<hbm>>
      %dma_start3A_21 = tpu.memref_squeeze %dma_start3A_20 : memref<1x79x128xi32, #tpu.memory_space<hbm>> -> memref<79x128xi32, #tpu.memory_space<hbm>>
      tpu.enqueue_dma source(%dma_start3A_21 : memref<79x128xi32, #tpu.memory_space<hbm>>) target(%arg7 : memref<79x128xi32, #tpu.memory_space<vmem>>) target_semaphore(%run_scoped3A : memref<!tpu.dma_semaphore, #tpu.memory_space<semaphore_mem>>)
      %dma_wait3A = arith.constant 0 : i32
      %dma_wait3A_22 = arith.constant 0 : i32
      %dma_wait3A_23 = tpu.memref_slice %arg3[%add3A, %dma_wait3A, %dma_wait3A_22] : memref<32x79x128xi32, #tpu.memory_space<hbm>> -> memref<1x79x128xi32, #tpu.memory_space<hbm>>
      %dma_wait3A_24 = tpu.memref_squeeze %dma_wait3A_23 : memref<1x79x128xi32, #tpu.memory_space<hbm>> -> memref<79x128xi32, #tpu.memory_space<hbm>>
      %dma_wait3A_25 = arith.constant 0 : i32
      %dma_wait3A_26 = arith.constant 0 : i32
      %dma_wait3A_27 = tpu.memref_slice %arg3[%add3A, %dma_wait3A_25, %dma_wait3A_26] : memref<32x79x128xi32, #tpu.memory_space<hbm>> -> memref<1x79x128xi32, #tpu.memory_space<hbm>>
      %dma_wait3A_28 = tpu.memref_squeeze %dma_wait3A_27 : memref<1x79x128xi32, #tpu.memory_space<hbm>> -> memref<79x128xi32, #tpu.memory_space<hbm>>
      tpu.wait_dma2 semaphore(%run_scoped3A : memref<!tpu.dma_semaphore, #tpu.memory_space<semaphore_mem>>) src(%dma_wait3A_28 : memref<79x128xi32, #tpu.memory_space<hbm>>) dst(%arg7 : memref<79x128xi32, #tpu.memory_space<vmem>>)
      tpu.yield
    }) : () -> ()
    "tpu.region"() ({
      %run_scoped3A = tpu.sem_alloc : memref<!tpu.dma_semaphore, #tpu.memory_space<semaphore_mem>>
      %dma_start3A = arith.constant 0 : i32
      %dma_start3A_15 = arith.constant 0 : i32
      %dma_start3A_16 = tpu.memref_slice %arg4[%add3A, %dma_start3A, %dma_start3A_15] : memref<32x79x128xi32, #tpu.memory_space<hbm>> -> memref<1x79x128xi32, #tpu.memory_space<hbm>>
      %dma_start3A_17 = tpu.memref_squeeze %dma_start3A_16 : memref<1x79x128xi32, #tpu.memory_space<hbm>> -> memref<79x128xi32, #tpu.memory_space<hbm>>
      %dma_start3A_18 = arith.constant 0 : i32
      %dma_start3A_19 = arith.constant 0 : i32
      %dma_start3A_20 = tpu.memref_slice %arg4[%add3A, %dma_start3A_18, %dma_start3A_19] : memref<32x79x128xi32, #tpu.memory_space<hbm>> -> memref<1x79x128xi32, #tpu.memory_space<hbm>>
      %dma_start3A_21 = tpu.memref_squeeze %dma_start3A_20 : memref<1x79x128xi32, #tpu.memory_space<hbm>> -> memref<79x128xi32, #tpu.memory_space<hbm>>
      tpu.enqueue_dma source(%dma_start3A_21 : memref<79x128xi32, #tpu.memory_space<hbm>>) target(%arg8 : memref<79x128xi32, #tpu.memory_space<vmem>>) target_semaphore(%run_scoped3A : memref<!tpu.dma_semaphore, #tpu.memory_space<semaphore_mem>>)
      %dma_wait3A = arith.constant 0 : i32
      %dma_wait3A_22 = arith.constant 0 : i32
      %dma_wait3A_23 = tpu.memref_slice %arg4[%add3A, %dma_wait3A, %dma_wait3A_22] : memref<32x79x128xi32, #tpu.memory_space<hbm>> -> memref<1x79x128xi32, #tpu.memory_space<hbm>>
      %dma_wait3A_24 = tpu.memref_squeeze %dma_wait3A_23 : memref<1x79x128xi32, #tpu.memory_space<hbm>> -> memref<79x128xi32, #tpu.memory_space<hbm>>
      %dma_wait3A_25 = arith.constant 0 : i32
      %dma_wait3A_26 = arith.constant 0 : i32
      %dma_wait3A_27 = tpu.memref_slice %arg4[%add3A, %dma_wait3A_25, %dma_wait3A_26] : memref<32x79x128xi32, #tpu.memory_space<hbm>> -> memref<1x79x128xi32, #tpu.memory_space<hbm>>
      %dma_wait3A_28 = tpu.memref_squeeze %dma_wait3A_27 : memref<1x79x128xi32, #tpu.memory_space<hbm>> -> memref<79x128xi32, #tpu.memory_space<hbm>>
      tpu.wait_dma2 semaphore(%run_scoped3A : memref<!tpu.dma_semaphore, #tpu.memory_space<semaphore_mem>>) src(%dma_wait3A_28 : memref<79x128xi32, #tpu.memory_space<hbm>>) dst(%arg8 : memref<79x128xi32, #tpu.memory_space<vmem>>)
      tpu.yield
    }) : () -> ()
    %barrier3A = arith.constant 0 : index
    tpu.barrier barrier_id(%barrier3A)
    %scan3A = arith.constant 0 : i32
    %scan3A_5 = arith.constant 0 : i32
    %scan3A_6 = arith.constant 79 : i32
    %scan3A_7 = arith.addi %scan3A_5, %scan3A_6 : i32
    %scan3A_8 = arith.constant 1 : i32
    scf.for %scan3A_15 = %scan3A_5 to %scan3A_7 step %scan3A_8  : i32 {
      %dma_start3A = arith.constant 0 : i32
      %dma_start3A_16 = tpu.memref_slice %arg7[%scan3A_15, %dma_start3A] : memref<79x128xi32, #tpu.memory_space<vmem>> -> memref<1x128xi32, #tpu.memory_space<vmem>>
      %dma_start3A_17 = tpu.memref_squeeze %dma_start3A_16 : memref<1x128xi32, #tpu.memory_space<vmem>> -> memref<128xi32, #tpu.memory_space<vmem>>
      %dma_start3A_18 = arith.constant 0 : i32
      %dma_start3A_19 = arith.constant 0 : i32
      %dma_start3A_20 = tpu.memref_slice %arg2[%dma_start3A_18, %dma_start3A_19] : memref<10000x128xf32, #tpu.memory_space<hbm>> -> memref<10000x128xf32, #tpu.memory_space<hbm>>
      tpu.enqueue_indirect_dma source(%dma_start3A_20 : memref<10000x128xf32, #tpu.memory_space<hbm>>) target(%arg9 : memref<128x128xf32, #tpu.memory_space<vmem>>) offsets(%dma_start3A_17 : memref<128xi32, #tpu.memory_space<vmem>>) semaphore(%arg11 : memref<!tpu.dma_semaphore, #tpu.memory_space<semaphore_mem>>)
      %dma_wait3A = arith.constant 0 : i32
      %dma_wait3A_21 = tpu.memref_slice %arg7[%scan3A_15, %dma_wait3A] : memref<79x128xi32, #tpu.memory_space<vmem>> -> memref<1x128xi32, #tpu.memory_space<vmem>>
      %dma_wait3A_22 = tpu.memref_squeeze %dma_wait3A_21 : memref<1x128xi32, #tpu.memory_space<vmem>> -> memref<128xi32, #tpu.memory_space<vmem>>
      %dma_wait3A_23 = arith.constant 0 : i32
      %dma_wait3A_24 = arith.constant 0 : i32
      %dma_wait3A_25 = tpu.memref_slice %arg2[%dma_wait3A_23, %dma_wait3A_24] : memref<10000x128xf32, #tpu.memory_space<hbm>> -> memref<10000x128xf32, #tpu.memory_space<hbm>>
      tpu.wait_indirect_dma semaphore(%arg11 : memref<!tpu.dma_semaphore, #tpu.memory_space<semaphore_mem>>) src(%dma_wait3A_25 : memref<10000x128xf32, #tpu.memory_space<hbm>>) dst(%arg9 : memref<128x128xf32, #tpu.memory_space<vmem>>)
      "tpu.region"() ({
        %run_scoped3A = tpu.sem_alloc : memref<!tpu.dma_semaphore, #tpu.memory_space<semaphore_mem>>
        %dma_start3A_26 = arith.constant 0 : i32
        %dma_start3A_27 = tpu.memref_slice %arg8[%scan3A_15, %dma_start3A_26] : memref<79x128xi32, #tpu.memory_space<vmem>> -> memref<1x128xi32, #tpu.memory_space<vmem>>
        %dma_start3A_28 = tpu.memref_squeeze %dma_start3A_27 : memref<1x128xi32, #tpu.memory_space<vmem>> -> memref<128xi32, #tpu.memory_space<vmem>>
        %dma_start3A_29 = arith.constant 0 : i32
        %dma_start3A_30 = arith.constant 0 : i32
        %dma_start3A_31 = tpu.memref_slice %arg10[%dma_start3A_29, %dma_start3A_30] : memref<10240x128xf32, #tpu.memory_space<vmem_shared>> -> memref<10240x128xf32, #tpu.memory_space<vmem_shared>>
        tpu.enqueue_indirect_dma source(%arg9 : memref<128x128xf32, #tpu.memory_space<vmem>>) target(%dma_start3A_31 : memref<10240x128xf32, #tpu.memory_space<vmem_shared>>) offsets(%dma_start3A_28 : memref<128xi32, #tpu.memory_space<vmem>>) semaphore(%run_scoped3A : memref<!tpu.dma_semaphore, #tpu.memory_space<semaphore_mem>>) {add = true}
        %dma_wait3A_32 = arith.constant 0 : i32
        %dma_wait3A_33 = tpu.memref_slice %arg8[%scan3A_15, %dma_wait3A_32] : memref<79x128xi32, #tpu.memory_space<vmem>> -> memref<1x128xi32, #tpu.memory_space<vmem>>
        %dma_wait3A_34 = tpu.memref_squeeze %dma_wait3A_33 : memref<1x128xi32, #tpu.memory_space<vmem>> -> memref<128xi32, #tpu.memory_space<vmem>>
        %dma_wait3A_35 = arith.constant 0 : i32
        %dma_wait3A_36 = arith.constant 0 : i32
        %dma_wait3A_37 = tpu.memref_slice %arg10[%dma_wait3A_35, %dma_wait3A_36] : memref<10240x128xf32, #tpu.memory_space<vmem_shared>> -> memref<10240x128xf32, #tpu.memory_space<vmem_shared>>
        tpu.wait_indirect_dma semaphore(%run_scoped3A : memref<!tpu.dma_semaphore, #tpu.memory_space<semaphore_mem>>) src(%arg9 : memref<128x128xf32, #tpu.memory_space<vmem>>) dst(%dma_wait3A_37 : memref<10240x128xf32, #tpu.memory_space<vmem_shared>>)
        tpu.yield
      }) : () -> ()
    }
    %scan3A_9 = arith.constant 79 : i32
    %barrier3A_10 = arith.constant 0 : index
    tpu.barrier barrier_id(%barrier3A_10)
    %mul3A_11 = arith.constant 640 : i32
    %mul3A_12 = arith.muli %arg1, %mul3A_11 : i32
    %mul3A_13 = arith.constant 640 : i32
    %mul3A_14 = arith.muli %arg1, %mul3A_13 : i32
    "tpu.region"() ({
      %run_scoped3A = tpu.sem_alloc : memref<!tpu.dma_semaphore, #tpu.memory_space<semaphore_mem>>
      %dma_start3A = arith.constant 0 : i32
      %dma_start3A_15 = arith.constant 0 : i32
      %dma_start3A_16 = tpu.memref_slice %arg6[%arg0, %dma_start3A, %dma_start3A_15] : memref<2x10240x128xf32, #tpu.memory_space<hbm>> -> memref<1x10240x128xf32, #tpu.memory_space<hbm>>
      %dma_start3A_17 = tpu.memref_squeeze %dma_start3A_16 : memref<1x10240x128xf32, #tpu.memory_space<hbm>> -> memref<10240x128xf32, #tpu.memory_space<hbm>>
      %dma_start3A_18 = arith.constant 0 : i32
      %dma_start3A_19 = tpu.memref_slice %dma_start3A_17[%mul3A_14, %dma_start3A_18] : memref<10240x128xf32, #tpu.memory_space<hbm>> -> memref<640x128xf32, #tpu.memory_space<hbm>>
      %dma_start3A_20 = arith.constant 0 : i32
      %dma_start3A_21 = tpu.memref_slice %arg10[%mul3A_12, %dma_start3A_20] : memref<10240x128xf32, #tpu.memory_space<vmem_shared>> -> memref<640x128xf32, #tpu.memory_space<vmem_shared>>
      tpu.enqueue_dma source(%dma_start3A_21 : memref<640x128xf32, #tpu.memory_space<vmem_shared>>) target(%dma_start3A_19 : memref<640x128xf32, #tpu.memory_space<hbm>>) target_semaphore(%run_scoped3A : memref<!tpu.dma_semaphore, #tpu.memory_space<semaphore_mem>>)
      %dma_wait3A = arith.constant 0 : i32
      %dma_wait3A_22 = arith.constant 0 : i32
      %dma_wait3A_23 = tpu.memref_slice %arg6[%arg0, %dma_wait3A, %dma_wait3A_22] : memref<2x10240x128xf32, #tpu.memory_space<hbm>> -> memref<1x10240x128xf32, #tpu.memory_space<hbm>>
      %dma_wait3A_24 = tpu.memref_squeeze %dma_wait3A_23 : memref<1x10240x128xf32, #tpu.memory_space<hbm>> -> memref<10240x128xf32, #tpu.memory_space<hbm>>
      %dma_wait3A_25 = arith.constant 0 : i32
      %dma_wait3A_26 = tpu.memref_slice %dma_wait3A_24[%mul3A_14, %dma_wait3A_25] : memref<10240x128xf32, #tpu.memory_space<hbm>> -> memref<640x128xf32, #tpu.memory_space<hbm>>
      %dma_wait3A_27 = arith.constant 0 : i32
      %dma_wait3A_28 = tpu.memref_slice %arg10[%mul3A_12, %dma_wait3A_27] : memref<10240x128xf32, #tpu.memory_space<vmem_shared>> -> memref<640x128xf32, #tpu.memory_space<vmem_shared>>
      tpu.wait_dma2 semaphore(%run_scoped3A : memref<!tpu.dma_semaphore, #tpu.memory_space<semaphore_mem>>) src(%dma_wait3A_28 : memref<640x128xf32, #tpu.memory_space<vmem_shared>>) dst(%dma_wait3A_26 : memref<640x128xf32, #tpu.memory_space<hbm>>)
      tpu.yield
    }) : () -> ()
    return
  }
}

#map = affine_map<(d0, d1) -> (0, 0)>
#map1 = affine_map<(d0, d1) -> (0, 0, 0)>
module attributes {stable_mosaic.version = 14 : i64} {
  func.func @k(%arg0: i32, %arg1: i32, %arg2: memref<10000x128xf32, #tpu.memory_space<hbm>>, %arg3: memref<32x79x128xi32, #tpu.memory_space<hbm>>, %arg4: memref<32x79x128xi32, #tpu.memory_space<hbm>>, %arg5: memref<10240x128xf32, #tpu.memory_space<hbm>>, %arg6: memref<2x10240x128xf32, #tpu.memory_space<hbm>>, %arg7: memref<79x128xi32, #tpu.memory_space<vmem>>, %arg8: memref<79x128xi32, #tpu.memory_space<vmem>>, %arg9: memref<128x128xf32, #tpu.memory_space<vmem>>, %arg10: memref<10240x128xf32, #tpu.memory_space<vmem_shared>>, %arg11: memref<!tpu.dma_semaphore, #tpu.memory_space<semaphore_mem>>) attributes {dimension_semantics = [#tpu.dimension_semantics<core_parallel>, #tpu.dimension_semantics<subcore_parallel>], iteration_bounds = array<i64: 2, 16>, scalar_prefetch = 0 : i64, scratch_operands = 5 : i64, tpu.core_type = #tpu.core_type<sc_vector_subcore>, window_params = [{transform_indices = #map}, {transform_indices = #map1}, {transform_indices = #map1}, {transform_indices = #map}, {transform_indices = #map1}]} {
    %mul3A = arith.constant 2 : i32
    %mul3A_0 = arith.muli %arg1, %mul3A : i32
    %add3A = arith.addi %mul3A_0, %arg0 : i32
    %mul3A_1 = arith.constant 640 : i32
    %mul3A_2 = arith.muli %arg1, %mul3A_1 : i32
    %mul3A_3 = arith.constant 640 : i32
    %mul3A_4 = arith.muli %arg1, %mul3A_3 : i32
    "tpu.region"() ({
      %run_scoped3A = tpu.sem_alloc : memref<!tpu.dma_semaphore, #tpu.memory_space<semaphore_mem>>
      %dma_start3A = arith.constant 0 : i32
      %dma_start3A_15 = tpu.memref_slice %arg10[%mul3A_4, %dma_start3A] : memref<10240x128xf32, #tpu.memory_space<vmem_shared>> -> memref<640x128xf32, #tpu.memory_space<vmem_shared>>
      %dma_start3A_16 = arith.constant 0 : i32
      %dma_start3A_17 = tpu.memref_slice %arg5[%mul3A_2, %dma_start3A_16] : memref<10240x128xf32, #tpu.memory_space<hbm>> -> memref<640x128xf32, #tpu.memory_space<hbm>>
      tpu.enqueue_dma source(%dma_start3A_17 : memref<640x128xf32, #tpu.memory_space<hbm>>) target(%dma_start3A_15 : memref<640x128xf32, #tpu.memory_space<vmem_shared>>) target_semaphore(%run_scoped3A : memref<!tpu.dma_semaphore, #tpu.memory_space<semaphore_mem>>)
      %dma_wait3A = arith.constant 0 : i32
      %dma_wait3A_18 = tpu.memref_slice %arg10[%mul3A_4, %dma_wait3A] : memref<10240x128xf32, #tpu.memory_space<vmem_shared>> -> memref<640x128xf32, #tpu.memory_space<vmem_shared>>
      %dma_wait3A_19 = arith.constant 0 : i32
      %dma_wait3A_20 = tpu.memref_slice %arg5[%mul3A_2, %dma_wait3A_19] : memref<10240x128xf32, #tpu.memory_space<hbm>> -> memref<640x128xf32, #tpu.memory_space<hbm>>
      tpu.wait_dma2 semaphore(%run_scoped3A : memref<!tpu.dma_semaphore, #tpu.memory_space<semaphore_mem>>) src(%dma_wait3A_20 : memref<640x128xf32, #tpu.memory_space<hbm>>) dst(%dma_wait3A_18 : memref<640x128xf32, #tpu.memory_space<vmem_shared>>)
      tpu.yield
    }) : () -> ()
    "tpu.region"() ({
      %run_scoped3A = tpu.sem_alloc : memref<!tpu.dma_semaphore, #tpu.memory_space<semaphore_mem>>
      %dma_start3A = arith.constant 0 : i32
      %dma_start3A_15 = arith.constant 0 : i32
      %dma_start3A_16 = tpu.memref_slice %arg3[%add3A, %dma_start3A, %dma_start3A_15] : memref<32x79x128xi32, #tpu.memory_space<hbm>> -> memref<1x79x128xi32, #tpu.memory_space<hbm>>
      %dma_start3A_17 = tpu.memref_squeeze %dma_start3A_16 : memref<1x79x128xi32, #tpu.memory_space<hbm>> -> memref<79x128xi32, #tpu.memory_space<hbm>>
      %dma_start3A_18 = arith.constant 0 : i32
      %dma_start3A_19 = arith.constant 0 : i32
      %dma_start3A_20 = tpu.memref_slice %arg3[%add3A, %dma_start3A_18, %dma_start3A_19] : memref<32x79x128xi32, #tpu.memory_space<hbm>> -> memref<1x79x128xi32, #tpu.memory_space<hbm>>
      %dma_start3A_21 = tpu.memref_squeeze %dma_start3A_20 : memref<1x79x128xi32, #tpu.memory_space<hbm>> -> memref<79x128xi32, #tpu.memory_space<hbm>>
      tpu.enqueue_dma source(%dma_start3A_21 : memref<79x128xi32, #tpu.memory_space<hbm>>) target(%arg7 : memref<79x128xi32, #tpu.memory_space<vmem>>) target_semaphore(%run_scoped3A : memref<!tpu.dma_semaphore, #tpu.memory_space<semaphore_mem>>)
      %dma_wait3A = arith.constant 0 : i32
      %dma_wait3A_22 = arith.constant 0 : i32
      %dma_wait3A_23 = tpu.memref_slice %arg3[%add3A, %dma_wait3A, %dma_wait3A_22] : memref<32x79x128xi32, #tpu.memory_space<hbm>> -> memref<1x79x128xi32, #tpu.memory_space<hbm>>
      %dma_wait3A_24 = tpu.memref_squeeze %dma_wait3A_23 : memref<1x79x128xi32, #tpu.memory_space<hbm>> -> memref<79x128xi32, #tpu.memory_space<hbm>>
      %dma_wait3A_25 = arith.constant 0 : i32
      %dma_wait3A_26 = arith.constant 0 : i32
      %dma_wait3A_27 = tpu.memref_slice %arg3[%add3A, %dma_wait3A_25, %dma_wait3A_26] : memref<32x79x128xi32, #tpu.memory_space<hbm>> -> memref<1x79x128xi32, #tpu.memory_space<hbm>>
      %dma_wait3A_28 = tpu.memref_squeeze %dma_wait3A_27 : memref<1x79x128xi32, #tpu.memory_space<hbm>> -> memref<79x128xi32, #tpu.memory_space<hbm>>
      tpu.wait_dma2 semaphore(%run_scoped3A : memref<!tpu.dma_semaphore, #tpu.memory_space<semaphore_mem>>) src(%dma_wait3A_28 : memref<79x128xi32, #tpu.memory_space<hbm>>) dst(%arg7 : memref<79x128xi32, #tpu.memory_space<vmem>>)
      tpu.yield
    }) : () -> ()
    "tpu.region"() ({
      %run_scoped3A = tpu.sem_alloc : memref<!tpu.dma_semaphore, #tpu.memory_space<semaphore_mem>>
      %dma_start3A = arith.constant 0 : i32
      %dma_start3A_15 = arith.constant 0 : i32
      %dma_start3A_16 = tpu.memref_slice %arg4[%add3A, %dma_start3A, %dma_start3A_15] : memref<32x79x128xi32, #tpu.memory_space<hbm>> -> memref<1x79x128xi32, #tpu.memory_space<hbm>>
      %dma_start3A_17 = tpu.memref_squeeze %dma_start3A_16 : memref<1x79x128xi32, #tpu.memory_space<hbm>> -> memref<79x128xi32, #tpu.memory_space<hbm>>
      %dma_start3A_18 = arith.constant 0 : i32
      %dma_start3A_19 = arith.constant 0 : i32
      %dma_start3A_20 = tpu.memref_slice %arg4[%add3A, %dma_start3A_18, %dma_start3A_19] : memref<32x79x128xi32, #tpu.memory_space<hbm>> -> memref<1x79x128xi32, #tpu.memory_space<hbm>>
      %dma_start3A_21 = tpu.memref_squeeze %dma_start3A_20 : memref<1x79x128xi32, #tpu.memory_space<hbm>> -> memref<79x128xi32, #tpu.memory_space<hbm>>
      tpu.enqueue_dma source(%dma_start3A_21 : memref<79x128xi32, #tpu.memory_space<hbm>>) target(%arg8 : memref<79x128xi32, #tpu.memory_space<vmem>>) target_semaphore(%run_scoped3A : memref<!tpu.dma_semaphore, #tpu.memory_space<semaphore_mem>>)
      %dma_wait3A = arith.constant 0 : i32
      %dma_wait3A_22 = arith.constant 0 : i32
      %dma_wait3A_23 = tpu.memref_slice %arg4[%add3A, %dma_wait3A, %dma_wait3A_22] : memref<32x79x128xi32, #tpu.memory_space<hbm>> -> memref<1x79x128xi32, #tpu.memory_space<hbm>>
      %dma_wait3A_24 = tpu.memref_squeeze %dma_wait3A_23 : memref<1x79x128xi32, #tpu.memory_space<hbm>> -> memref<79x128xi32, #tpu.memory_space<hbm>>
      %dma_wait3A_25 = arith.constant 0 : i32
      %dma_wait3A_26 = arith.constant 0 : i32
      %dma_wait3A_27 = tpu.memref_slice %arg4[%add3A, %dma_wait3A_25, %dma_wait3A_26] : memref<32x79x128xi32, #tpu.memory_space<hbm>> -> memref<1x79x128xi32, #tpu.memory_space<hbm>>
      %dma_wait3A_28 = tpu.memref_squeeze %dma_wait3A_27 : memref<1x79x128xi32, #tpu.memory_space<hbm>> -> memref<79x128xi32, #tpu.memory_space<hbm>>
      tpu.wait_dma2 semaphore(%run_scoped3A : memref<!tpu.dma_semaphore, #tpu.memory_space<semaphore_mem>>) src(%dma_wait3A_28 : memref<79x128xi32, #tpu.memory_space<hbm>>) dst(%arg8 : memref<79x128xi32, #tpu.memory_space<vmem>>)
      tpu.yield
    }) : () -> ()
    %barrier3A = arith.constant 0 : index
    tpu.barrier barrier_id(%barrier3A)
    %scan3A = arith.constant 0 : i32
    %scan3A_5 = arith.constant 0 : i32
    %scan3A_6 = arith.constant 79 : i32
    %scan3A_7 = arith.addi %scan3A_5, %scan3A_6 : i32
    %scan3A_8 = arith.constant 1 : i32
    scf.for %scan3A_15 = %scan3A_5 to %scan3A_7 step %scan3A_8  : i32 {
      %dma_start3A = arith.constant 0 : i32
      %dma_start3A_16 = tpu.memref_slice %arg7[%scan3A_15, %dma_start3A] : memref<79x128xi32, #tpu.memory_space<vmem>> -> memref<1x128xi32, #tpu.memory_space<vmem>>
      %dma_start3A_17 = tpu.memref_squeeze %dma_start3A_16 : memref<1x128xi32, #tpu.memory_space<vmem>> -> memref<128xi32, #tpu.memory_space<vmem>>
      %dma_start3A_18 = arith.constant 0 : i32
      %dma_start3A_19 = arith.constant 0 : i32
      %dma_start3A_20 = tpu.memref_slice %arg2[%dma_start3A_18, %dma_start3A_19] : memref<10000x128xf32, #tpu.memory_space<hbm>> -> memref<10000x128xf32, #tpu.memory_space<hbm>>
      tpu.enqueue_indirect_dma source(%dma_start3A_20 : memref<10000x128xf32, #tpu.memory_space<hbm>>) target(%arg9 : memref<128x128xf32, #tpu.memory_space<vmem>>) offsets(%dma_start3A_17 : memref<128xi32, #tpu.memory_space<vmem>>) semaphore(%arg11 : memref<!tpu.dma_semaphore, #tpu.memory_space<semaphore_mem>>)
      %dma_wait3A = arith.constant 0 : i32
      %dma_wait3A_21 = tpu.memref_slice %arg7[%scan3A_15, %dma_wait3A] : memref<79x128xi32, #tpu.memory_space<vmem>> -> memref<1x128xi32, #tpu.memory_space<vmem>>
      %dma_wait3A_22 = tpu.memref_squeeze %dma_wait3A_21 : memref<1x128xi32, #tpu.memory_space<vmem>> -> memref<128xi32, #tpu.memory_space<vmem>>
      %dma_wait3A_23 = arith.constant 0 : i32
      %dma_wait3A_24 = arith.constant 0 : i32
      %dma_wait3A_25 = tpu.memref_slice %arg2[%dma_wait3A_23, %dma_wait3A_24] : memref<10000x128xf32, #tpu.memory_space<hbm>> -> memref<10000x128xf32, #tpu.memory_space<hbm>>
      tpu.wait_indirect_dma semaphore(%arg11 : memref<!tpu.dma_semaphore, #tpu.memory_space<semaphore_mem>>) src(%dma_wait3A_25 : memref<10000x128xf32, #tpu.memory_space<hbm>>) dst(%arg9 : memref<128x128xf32, #tpu.memory_space<vmem>>)
      "tpu.region"() ({
        %run_scoped3A = tpu.sem_alloc : memref<!tpu.dma_semaphore, #tpu.memory_space<semaphore_mem>>
        %dma_start3A_26 = arith.constant 0 : i32
        %dma_start3A_27 = tpu.memref_slice %arg8[%scan3A_15, %dma_start3A_26] : memref<79x128xi32, #tpu.memory_space<vmem>> -> memref<1x128xi32, #tpu.memory_space<vmem>>
        %dma_start3A_28 = tpu.memref_squeeze %dma_start3A_27 : memref<1x128xi32, #tpu.memory_space<vmem>> -> memref<128xi32, #tpu.memory_space<vmem>>
        %dma_start3A_29 = arith.constant 0 : i32
        %dma_start3A_30 = arith.constant 0 : i32
        %dma_start3A_31 = tpu.memref_slice %arg10[%dma_start3A_29, %dma_start3A_30] : memref<10240x128xf32, #tpu.memory_space<vmem_shared>> -> memref<10240x128xf32, #tpu.memory_space<vmem_shared>>
        tpu.enqueue_indirect_dma source(%arg9 : memref<128x128xf32, #tpu.memory_space<vmem>>) target(%dma_start3A_31 : memref<10240x128xf32, #tpu.memory_space<vmem_shared>>) offsets(%dma_start3A_28 : memref<128xi32, #tpu.memory_space<vmem>>) semaphore(%run_scoped3A : memref<!tpu.dma_semaphore, #tpu.memory_space<semaphore_mem>>) {add = true}
        %dma_wait3A_32 = arith.constant 0 : i32
        %dma_wait3A_33 = tpu.memref_slice %arg8[%scan3A_15, %dma_wait3A_32] : memref<79x128xi32, #tpu.memory_space<vmem>> -> memref<1x128xi32, #tpu.memory_space<vmem>>
        %dma_wait3A_34 = tpu.memref_squeeze %dma_wait3A_33 : memref<1x128xi32, #tpu.memory_space<vmem>> -> memref<128xi32, #tpu.memory_space<vmem>>
        %dma_wait3A_35 = arith.constant 0 : i32
        %dma_wait3A_36 = arith.constant 0 : i32
        %dma_wait3A_37 = tpu.memref_slice %arg10[%dma_wait3A_35, %dma_wait3A_36] : memref<10240x128xf32, #tpu.memory_space<vmem_shared>> -> memref<10240x128xf32, #tpu.memory_space<vmem_shared>>
        tpu.wait_indirect_dma semaphore(%run_scoped3A : memref<!tpu.dma_semaphore, #tpu.memory_space<semaphore_mem>>) src(%arg9 : memref<128x128xf32, #tpu.memory_space<vmem>>) dst(%dma_wait3A_37 : memref<10240x128xf32, #tpu.memory_space<vmem_shared>>)
        tpu.yield
      }) : () -> ()
    }
    %scan3A_9 = arith.constant 79 : i32
    %barrier3A_10 = arith.constant 0 : index
    tpu.barrier barrier_id(%barrier3A_10)
    %mul3A_11 = arith.constant 640 : i32
    %mul3A_12 = arith.muli %arg1, %mul3A_11 : i32
    %mul3A_13 = arith.constant 640 : i32
    %mul3A_14 = arith.muli %arg1, %mul3A_13 : i32
    "tpu.region"() ({
      %run_scoped3A = tpu.sem_alloc : memref<!tpu.dma_semaphore, #tpu.memory_space<semaphore_mem>>
      %dma_start3A = arith.constant 0 : i32
      %dma_start3A_15 = arith.constant 0 : i32
      %dma_start3A_16 = tpu.memref_slice %arg6[%arg0, %dma_start3A, %dma_start3A_15] : memref<2x10240x128xf32, #tpu.memory_space<hbm>> -> memref<1x10240x128xf32, #tpu.memory_space<hbm>>
      %dma_start3A_17 = tpu.memref_squeeze %dma_start3A_16 : memref<1x10240x128xf32, #tpu.memory_space<hbm>> -> memref<10240x128xf32, #tpu.memory_space<hbm>>
      %dma_start3A_18 = arith.constant 0 : i32
      %dma_start3A_19 = tpu.memref_slice %dma_start3A_17[%mul3A_14, %dma_start3A_18] : memref<10240x128xf32, #tpu.memory_space<hbm>> -> memref<640x128xf32, #tpu.memory_space<hbm>>
      %dma_start3A_20 = arith.constant 0 : i32
      %dma_start3A_21 = tpu.memref_slice %arg10[%mul3A_12, %dma_start3A_20] : memref<10240x128xf32, #tpu.memory_space<vmem_shared>> -> memref<640x128xf32, #tpu.memory_space<vmem_shared>>
      tpu.enqueue_dma source(%dma_start3A_21 : memref<640x128xf32, #tpu.memory_space<vmem_shared>>) target(%dma_start3A_19 : memref<640x128xf32, #tpu.memory_space<hbm>>) target_semaphore(%run_scoped3A : memref<!tpu.dma_semaphore, #tpu.memory_space<semaphore_mem>>)
      %dma_wait3A = arith.constant 0 : i32
      %dma_wait3A_22 = arith.constant 0 : i32
      %dma_wait3A_23 = tpu.memref_slice %arg6[%arg0, %dma_wait3A, %dma_wait3A_22] : memref<2x10240x128xf32, #tpu.memory_space<hbm>> -> memref<1x10240x128xf32, #tpu.memory_space<hbm>>
      %dma_wait3A_24 = tpu.memref_squeeze %dma_wait3A_23 : memref<1x10240x128xf32, #tpu.memory_space<hbm>> -> memref<10240x128xf32, #tpu.memory_space<hbm>>
      %dma_wait3A_25 = arith.constant 0 : i32
      %dma_wait3A_26 = tpu.memref_slice %dma_wait3A_24[%mul3A_14, %dma_wait3A_25] : memref<10240x128xf32, #tpu.memory_space<hbm>> -> memref<640x128xf32, #tpu.memory_space<hbm>>
      %dma_wait3A_27 = arith.constant 0 : i32
      %dma_wait3A_28 = tpu.memref_slice %arg10[%mul3A_12, %dma_wait3A_27] : memref<10240x128xf32, #tpu.memory_space<vmem_shared>> -> memref<640x128xf32, #tpu.memory_space<vmem_shared>>
      tpu.wait_dma2 semaphore(%run_scoped3A : memref<!tpu.dma_semaphore, #tpu.memory_space<semaphore_mem>>) src(%dma_wait3A_28 : memref<640x128xf32, #tpu.memory_space<vmem_shared>>) dst(%dma_wait3A_26 : memref<640x128xf32, #tpu.memory_space<hbm>>)
      tpu.yield
    }) : () -> ()
    return
  }
}

#map = affine_map<(d0, d1) -> (0, 0)>
#map1 = affine_map<(d0, d1) -> (0, 0, 0)>
module attributes {stable_mosaic.version = 14 : i64} {
  func.func @k(%arg0: i32, %arg1: i32, %arg2: memref<10000x128xf32, #tpu.memory_space<hbm>>, %arg3: memref<32x79x128xi32, #tpu.memory_space<hbm>>, %arg4: memref<32x79x128xi32, #tpu.memory_space<hbm>>, %arg5: memref<10240x128xf32, #tpu.memory_space<hbm>>, %arg6: memref<2x10240x128xf32, #tpu.memory_space<hbm>>, %arg7: memref<79x128xi32, #tpu.memory_space<vmem>>, %arg8: memref<79x128xi32, #tpu.memory_space<vmem>>, %arg9: memref<128x128xf32, #tpu.memory_space<vmem>>, %arg10: memref<10240x128xf32, #tpu.memory_space<vmem_shared>>, %arg11: memref<!tpu.dma_semaphore, #tpu.memory_space<semaphore_mem>>) attributes {dimension_semantics = [#tpu.dimension_semantics<core_parallel>, #tpu.dimension_semantics<subcore_parallel>], iteration_bounds = array<i64: 2, 16>, scalar_prefetch = 0 : i64, scratch_operands = 5 : i64, tpu.core_type = #tpu.core_type<sc_vector_subcore>, window_params = [{transform_indices = #map}, {transform_indices = #map1}, {transform_indices = #map1}, {transform_indices = #map}, {transform_indices = #map1}]} {
    %mul3A = arith.constant 2 : i32
    %mul3A_0 = arith.muli %arg1, %mul3A : i32
    %add3A = arith.addi %mul3A_0, %arg0 : i32
    %mul3A_1 = arith.constant 640 : i32
    %mul3A_2 = arith.muli %arg1, %mul3A_1 : i32
    %mul3A_3 = arith.constant 640 : i32
    %mul3A_4 = arith.muli %arg1, %mul3A_3 : i32
    "tpu.region"() ({
      %run_scoped3A = tpu.sem_alloc : memref<!tpu.dma_semaphore, #tpu.memory_space<semaphore_mem>>
      %dma_start3A = arith.constant 0 : i32
      %dma_start3A_15 = tpu.memref_slice %arg10[%mul3A_4, %dma_start3A] : memref<10240x128xf32, #tpu.memory_space<vmem_shared>> -> memref<640x128xf32, #tpu.memory_space<vmem_shared>>
      %dma_start3A_16 = arith.constant 0 : i32
      %dma_start3A_17 = tpu.memref_slice %arg5[%mul3A_2, %dma_start3A_16] : memref<10240x128xf32, #tpu.memory_space<hbm>> -> memref<640x128xf32, #tpu.memory_space<hbm>>
      tpu.enqueue_dma source(%dma_start3A_17 : memref<640x128xf32, #tpu.memory_space<hbm>>) target(%dma_start3A_15 : memref<640x128xf32, #tpu.memory_space<vmem_shared>>) target_semaphore(%run_scoped3A : memref<!tpu.dma_semaphore, #tpu.memory_space<semaphore_mem>>)
      %dma_wait3A = arith.constant 0 : i32
      %dma_wait3A_18 = tpu.memref_slice %arg10[%mul3A_4, %dma_wait3A] : memref<10240x128xf32, #tpu.memory_space<vmem_shared>> -> memref<640x128xf32, #tpu.memory_space<vmem_shared>>
      %dma_wait3A_19 = arith.constant 0 : i32
      %dma_wait3A_20 = tpu.memref_slice %arg5[%mul3A_2, %dma_wait3A_19] : memref<10240x128xf32, #tpu.memory_space<hbm>> -> memref<640x128xf32, #tpu.memory_space<hbm>>
      tpu.wait_dma2 semaphore(%run_scoped3A : memref<!tpu.dma_semaphore, #tpu.memory_space<semaphore_mem>>) src(%dma_wait3A_20 : memref<640x128xf32, #tpu.memory_space<hbm>>) dst(%dma_wait3A_18 : memref<640x128xf32, #tpu.memory_space<vmem_shared>>)
      tpu.yield
    }) : () -> ()
    "tpu.region"() ({
      %run_scoped3A = tpu.sem_alloc : memref<!tpu.dma_semaphore, #tpu.memory_space<semaphore_mem>>
      %dma_start3A = arith.constant 0 : i32
      %dma_start3A_15 = arith.constant 0 : i32
      %dma_start3A_16 = tpu.memref_slice %arg3[%add3A, %dma_start3A, %dma_start3A_15] : memref<32x79x128xi32, #tpu.memory_space<hbm>> -> memref<1x79x128xi32, #tpu.memory_space<hbm>>
      %dma_start3A_17 = tpu.memref_squeeze %dma_start3A_16 : memref<1x79x128xi32, #tpu.memory_space<hbm>> -> memref<79x128xi32, #tpu.memory_space<hbm>>
      %dma_start3A_18 = arith.constant 0 : i32
      %dma_start3A_19 = arith.constant 0 : i32
      %dma_start3A_20 = tpu.memref_slice %arg3[%add3A, %dma_start3A_18, %dma_start3A_19] : memref<32x79x128xi32, #tpu.memory_space<hbm>> -> memref<1x79x128xi32, #tpu.memory_space<hbm>>
      %dma_start3A_21 = tpu.memref_squeeze %dma_start3A_20 : memref<1x79x128xi32, #tpu.memory_space<hbm>> -> memref<79x128xi32, #tpu.memory_space<hbm>>
      tpu.enqueue_dma source(%dma_start3A_21 : memref<79x128xi32, #tpu.memory_space<hbm>>) target(%arg7 : memref<79x128xi32, #tpu.memory_space<vmem>>) target_semaphore(%run_scoped3A : memref<!tpu.dma_semaphore, #tpu.memory_space<semaphore_mem>>)
      %dma_wait3A = arith.constant 0 : i32
      %dma_wait3A_22 = arith.constant 0 : i32
      %dma_wait3A_23 = tpu.memref_slice %arg3[%add3A, %dma_wait3A, %dma_wait3A_22] : memref<32x79x128xi32, #tpu.memory_space<hbm>> -> memref<1x79x128xi32, #tpu.memory_space<hbm>>
      %dma_wait3A_24 = tpu.memref_squeeze %dma_wait3A_23 : memref<1x79x128xi32, #tpu.memory_space<hbm>> -> memref<79x128xi32, #tpu.memory_space<hbm>>
      %dma_wait3A_25 = arith.constant 0 : i32
      %dma_wait3A_26 = arith.constant 0 : i32
      %dma_wait3A_27 = tpu.memref_slice %arg3[%add3A, %dma_wait3A_25, %dma_wait3A_26] : memref<32x79x128xi32, #tpu.memory_space<hbm>> -> memref<1x79x128xi32, #tpu.memory_space<hbm>>
      %dma_wait3A_28 = tpu.memref_squeeze %dma_wait3A_27 : memref<1x79x128xi32, #tpu.memory_space<hbm>> -> memref<79x128xi32, #tpu.memory_space<hbm>>
      tpu.wait_dma2 semaphore(%run_scoped3A : memref<!tpu.dma_semaphore, #tpu.memory_space<semaphore_mem>>) src(%dma_wait3A_28 : memref<79x128xi32, #tpu.memory_space<hbm>>) dst(%arg7 : memref<79x128xi32, #tpu.memory_space<vmem>>)
      tpu.yield
    }) : () -> ()
    "tpu.region"() ({
      %run_scoped3A = tpu.sem_alloc : memref<!tpu.dma_semaphore, #tpu.memory_space<semaphore_mem>>
      %dma_start3A = arith.constant 0 : i32
      %dma_start3A_15 = arith.constant 0 : i32
      %dma_start3A_16 = tpu.memref_slice %arg4[%add3A, %dma_start3A, %dma_start3A_15] : memref<32x79x128xi32, #tpu.memory_space<hbm>> -> memref<1x79x128xi32, #tpu.memory_space<hbm>>
      %dma_start3A_17 = tpu.memref_squeeze %dma_start3A_16 : memref<1x79x128xi32, #tpu.memory_space<hbm>> -> memref<79x128xi32, #tpu.memory_space<hbm>>
      %dma_start3A_18 = arith.constant 0 : i32
      %dma_start3A_19 = arith.constant 0 : i32
      %dma_start3A_20 = tpu.memref_slice %arg4[%add3A, %dma_start3A_18, %dma_start3A_19] : memref<32x79x128xi32, #tpu.memory_space<hbm>> -> memref<1x79x128xi32, #tpu.memory_space<hbm>>
      %dma_start3A_21 = tpu.memref_squeeze %dma_start3A_20 : memref<1x79x128xi32, #tpu.memory_space<hbm>> -> memref<79x128xi32, #tpu.memory_space<hbm>>
      tpu.enqueue_dma source(%dma_start3A_21 : memref<79x128xi32, #tpu.memory_space<hbm>>) target(%arg8 : memref<79x128xi32, #tpu.memory_space<vmem>>) target_semaphore(%run_scoped3A : memref<!tpu.dma_semaphore, #tpu.memory_space<semaphore_mem>>)
      %dma_wait3A = arith.constant 0 : i32
      %dma_wait3A_22 = arith.constant 0 : i32
      %dma_wait3A_23 = tpu.memref_slice %arg4[%add3A, %dma_wait3A, %dma_wait3A_22] : memref<32x79x128xi32, #tpu.memory_space<hbm>> -> memref<1x79x128xi32, #tpu.memory_space<hbm>>
      %dma_wait3A_24 = tpu.memref_squeeze %dma_wait3A_23 : memref<1x79x128xi32, #tpu.memory_space<hbm>> -> memref<79x128xi32, #tpu.memory_space<hbm>>
      %dma_wait3A_25 = arith.constant 0 : i32
      %dma_wait3A_26 = arith.constant 0 : i32
      %dma_wait3A_27 = tpu.memref_slice %arg4[%add3A, %dma_wait3A_25, %dma_wait3A_26] : memref<32x79x128xi32, #tpu.memory_space<hbm>> -> memref<1x79x128xi32, #tpu.memory_space<hbm>>
      %dma_wait3A_28 = tpu.memref_squeeze %dma_wait3A_27 : memref<1x79x128xi32, #tpu.memory_space<hbm>> -> memref<79x128xi32, #tpu.memory_space<hbm>>
      tpu.wait_dma2 semaphore(%run_scoped3A : memref<!tpu.dma_semaphore, #tpu.memory_space<semaphore_mem>>) src(%dma_wait3A_28 : memref<79x128xi32, #tpu.memory_space<hbm>>) dst(%arg8 : memref<79x128xi32, #tpu.memory_space<vmem>>)
      tpu.yield
    }) : () -> ()
    %barrier3A = arith.constant 0 : index
    tpu.barrier barrier_id(%barrier3A)
    %scan3A = arith.constant 0 : i32
    %scan3A_5 = arith.constant 0 : i32
    %scan3A_6 = arith.constant 79 : i32
    %scan3A_7 = arith.addi %scan3A_5, %scan3A_6 : i32
    %scan3A_8 = arith.constant 1 : i32
    scf.for %scan3A_15 = %scan3A_5 to %scan3A_7 step %scan3A_8  : i32 {
      %dma_start3A = arith.constant 0 : i32
      %dma_start3A_16 = tpu.memref_slice %arg7[%scan3A_15, %dma_start3A] : memref<79x128xi32, #tpu.memory_space<vmem>> -> memref<1x128xi32, #tpu.memory_space<vmem>>
      %dma_start3A_17 = tpu.memref_squeeze %dma_start3A_16 : memref<1x128xi32, #tpu.memory_space<vmem>> -> memref<128xi32, #tpu.memory_space<vmem>>
      %dma_start3A_18 = arith.constant 0 : i32
      %dma_start3A_19 = arith.constant 0 : i32
      %dma_start3A_20 = tpu.memref_slice %arg2[%dma_start3A_18, %dma_start3A_19] : memref<10000x128xf32, #tpu.memory_space<hbm>> -> memref<10000x128xf32, #tpu.memory_space<hbm>>
      tpu.enqueue_indirect_dma source(%dma_start3A_20 : memref<10000x128xf32, #tpu.memory_space<hbm>>) target(%arg9 : memref<128x128xf32, #tpu.memory_space<vmem>>) offsets(%dma_start3A_17 : memref<128xi32, #tpu.memory_space<vmem>>) semaphore(%arg11 : memref<!tpu.dma_semaphore, #tpu.memory_space<semaphore_mem>>)
      %dma_wait3A = arith.constant 0 : i32
      %dma_wait3A_21 = tpu.memref_slice %arg7[%scan3A_15, %dma_wait3A] : memref<79x128xi32, #tpu.memory_space<vmem>> -> memref<1x128xi32, #tpu.memory_space<vmem>>
      %dma_wait3A_22 = tpu.memref_squeeze %dma_wait3A_21 : memref<1x128xi32, #tpu.memory_space<vmem>> -> memref<128xi32, #tpu.memory_space<vmem>>
      %dma_wait3A_23 = arith.constant 0 : i32
      %dma_wait3A_24 = arith.constant 0 : i32
      %dma_wait3A_25 = tpu.memref_slice %arg2[%dma_wait3A_23, %dma_wait3A_24] : memref<10000x128xf32, #tpu.memory_space<hbm>> -> memref<10000x128xf32, #tpu.memory_space<hbm>>
      tpu.wait_indirect_dma semaphore(%arg11 : memref<!tpu.dma_semaphore, #tpu.memory_space<semaphore_mem>>) src(%dma_wait3A_25 : memref<10000x128xf32, #tpu.memory_space<hbm>>) dst(%arg9 : memref<128x128xf32, #tpu.memory_space<vmem>>)
      "tpu.region"() ({
        %run_scoped3A = tpu.sem_alloc : memref<!tpu.dma_semaphore, #tpu.memory_space<semaphore_mem>>
        %dma_start3A_26 = arith.constant 0 : i32
        %dma_start3A_27 = tpu.memref_slice %arg8[%scan3A_15, %dma_start3A_26] : memref<79x128xi32, #tpu.memory_space<vmem>> -> memref<1x128xi32, #tpu.memory_space<vmem>>
        %dma_start3A_28 = tpu.memref_squeeze %dma_start3A_27 : memref<1x128xi32, #tpu.memory_space<vmem>> -> memref<128xi32, #tpu.memory_space<vmem>>
        %dma_start3A_29 = arith.constant 0 : i32
        %dma_start3A_30 = arith.constant 0 : i32
        %dma_start3A_31 = tpu.memref_slice %arg10[%dma_start3A_29, %dma_start3A_30] : memref<10240x128xf32, #tpu.memory_space<vmem_shared>> -> memref<10240x128xf32, #tpu.memory_space<vmem_shared>>
        tpu.enqueue_indirect_dma source(%arg9 : memref<128x128xf32, #tpu.memory_space<vmem>>) target(%dma_start3A_31 : memref<10240x128xf32, #tpu.memory_space<vmem_shared>>) offsets(%dma_start3A_28 : memref<128xi32, #tpu.memory_space<vmem>>) semaphore(%run_scoped3A : memref<!tpu.dma_semaphore, #tpu.memory_space<semaphore_mem>>) {add = true}
        %dma_wait3A_32 = arith.constant 0 : i32
        %dma_wait3A_33 = tpu.memref_slice %arg8[%scan3A_15, %dma_wait3A_32] : memref<79x128xi32, #tpu.memory_space<vmem>> -> memref<1x128xi32, #tpu.memory_space<vmem>>
        %dma_wait3A_34 = tpu.memref_squeeze %dma_wait3A_33 : memref<1x128xi32, #tpu.memory_space<vmem>> -> memref<128xi32, #tpu.memory_space<vmem>>
        %dma_wait3A_35 = arith.constant 0 : i32
        %dma_wait3A_36 = arith.constant 0 : i32
        %dma_wait3A_37 = tpu.memref_slice %arg10[%dma_wait3A_35, %dma_wait3A_36] : memref<10240x128xf32, #tpu.memory_space<vmem_shared>> -> memref<10240x128xf32, #tpu.memory_space<vmem_shared>>
        tpu.wait_indirect_dma semaphore(%run_scoped3A : memref<!tpu.dma_semaphore, #tpu.memory_space<semaphore_mem>>) src(%arg9 : memref<128x128xf32, #tpu.memory_space<vmem>>) dst(%dma_wait3A_37 : memref<10240x128xf32, #tpu.memory_space<vmem_shared>>)
        tpu.yield
      }) : () -> ()
    }
    %scan3A_9 = arith.constant 79 : i32
    %barrier3A_10 = arith.constant 0 : index
    tpu.barrier barrier_id(%barrier3A_10)
    %mul3A_11 = arith.constant 640 : i32
    %mul3A_12 = arith.muli %arg1, %mul3A_11 : i32
    %mul3A_13 = arith.constant 640 : i32
    %mul3A_14 = arith.muli %arg1, %mul3A_13 : i32
    "tpu.region"() ({
      %run_scoped3A = tpu.sem_alloc : memref<!tpu.dma_semaphore, #tpu.memory_space<semaphore_mem>>
      %dma_start3A = arith.constant 0 : i32
      %dma_start3A_15 = arith.constant 0 : i32
      %dma_start3A_16 = tpu.memref_slice %arg6[%arg0, %dma_start3A, %dma_start3A_15] : memref<2x10240x128xf32, #tpu.memory_space<hbm>> -> memref<1x10240x128xf32, #tpu.memory_space<hbm>>
      %dma_start3A_17 = tpu.memref_squeeze %dma_start3A_16 : memref<1x10240x128xf32, #tpu.memory_space<hbm>> -> memref<10240x128xf32, #tpu.memory_space<hbm>>
      %dma_start3A_18 = arith.constant 0 : i32
      %dma_start3A_19 = tpu.memref_slice %dma_start3A_17[%mul3A_14, %dma_start3A_18] : memref<10240x128xf32, #tpu.memory_space<hbm>> -> memref<640x128xf32, #tpu.memory_space<hbm>>
      %dma_start3A_20 = arith.constant 0 : i32
      %dma_start3A_21 = tpu.memref_slice %arg10[%mul3A_12, %dma_start3A_20] : memref<10240x128xf32, #tpu.memory_space<vmem_shared>> -> memref<640x128xf32, #tpu.memory_space<vmem_shared>>
      tpu.enqueue_dma source(%dma_start3A_21 : memref<640x128xf32, #tpu.memory_space<vmem_shared>>) target(%dma_start3A_19 : memref<640x128xf32, #tpu.memory_space<hbm>>) target_semaphore(%run_scoped3A : memref<!tpu.dma_semaphore, #tpu.memory_space<semaphore_mem>>)
      %dma_wait3A = arith.constant 0 : i32
      %dma_wait3A_22 = arith.constant 0 : i32
      %dma_wait3A_23 = tpu.memref_slice %arg6[%arg0, %dma_wait3A, %dma_wait3A_22] : memref<2x10240x128xf32, #tpu.memory_space<hbm>> -> memref<1x10240x128xf32, #tpu.memory_space<hbm>>
      %dma_wait3A_24 = tpu.memref_squeeze %dma_wait3A_23 : memref<1x10240x128xf32, #tpu.memory_space<hbm>> -> memref<10240x128xf32, #tpu.memory_space<hbm>>
      %dma_wait3A_25 = arith.constant 0 : i32
      %dma_wait3A_26 = tpu.memref_slice %dma_wait3A_24[%mul3A_14, %dma_wait3A_25] : memref<10240x128xf32, #tpu.memory_space<hbm>> -> memref<640x128xf32, #tpu.memory_space<hbm>>
      %dma_wait3A_27 = arith.constant 0 : i32
      %dma_wait3A_28 = tpu.memref_slice %arg10[%mul3A_12, %dma_wait3A_27] : memref<10240x128xf32, #tpu.memory_space<vmem_shared>> -> memref<640x128xf32, #tpu.memory_space<vmem_shared>>
      tpu.wait_dma2 semaphore(%run_scoped3A : memref<!tpu.dma_semaphore, #tpu.memory_space<semaphore_mem>>) src(%dma_wait3A_28 : memref<640x128xf32, #tpu.memory_space<vmem_shared>>) dst(%dma_wait3A_26 : memref<640x128xf32, #tpu.memory_space<hbm>>)
      tpu.yield
    }) : () -> ()
    return
  }
}

#map = affine_map<(d0, d1) -> (0, 0)>
#map1 = affine_map<(d0, d1) -> (0, 0, 0)>
module attributes {stable_mosaic.version = 14 : i64} {
  func.func @k(%arg0: i32, %arg1: i32, %arg2: memref<10000x128xf32, #tpu.memory_space<hbm>>, %arg3: memref<32x79x128xi32, #tpu.memory_space<hbm>>, %arg4: memref<32x79x128xi32, #tpu.memory_space<hbm>>, %arg5: memref<10240x128xf32, #tpu.memory_space<hbm>>, %arg6: memref<2x10240x128xf32, #tpu.memory_space<hbm>>, %arg7: memref<79x128xi32, #tpu.memory_space<vmem>>, %arg8: memref<79x128xi32, #tpu.memory_space<vmem>>, %arg9: memref<128x128xf32, #tpu.memory_space<vmem>>, %arg10: memref<10240x128xf32, #tpu.memory_space<vmem_shared>>, %arg11: memref<!tpu.dma_semaphore, #tpu.memory_space<semaphore_mem>>) attributes {dimension_semantics = [#tpu.dimension_semantics<core_parallel>, #tpu.dimension_semantics<subcore_parallel>], iteration_bounds = array<i64: 2, 16>, scalar_prefetch = 0 : i64, scratch_operands = 5 : i64, tpu.core_type = #tpu.core_type<sc_vector_subcore>, window_params = [{transform_indices = #map}, {transform_indices = #map1}, {transform_indices = #map1}, {transform_indices = #map}, {transform_indices = #map1}]} {
    %mul3A = arith.constant 2 : i32
    %mul3A_0 = arith.muli %arg1, %mul3A : i32
    %add3A = arith.addi %mul3A_0, %arg0 : i32
    %mul3A_1 = arith.constant 640 : i32
    %mul3A_2 = arith.muli %arg1, %mul3A_1 : i32
    %mul3A_3 = arith.constant 640 : i32
    %mul3A_4 = arith.muli %arg1, %mul3A_3 : i32
    "tpu.region"() ({
      %run_scoped3A = tpu.sem_alloc : memref<!tpu.dma_semaphore, #tpu.memory_space<semaphore_mem>>
      %dma_start3A = arith.constant 0 : i32
      %dma_start3A_15 = tpu.memref_slice %arg10[%mul3A_4, %dma_start3A] : memref<10240x128xf32, #tpu.memory_space<vmem_shared>> -> memref<640x128xf32, #tpu.memory_space<vmem_shared>>
      %dma_start3A_16 = arith.constant 0 : i32
      %dma_start3A_17 = tpu.memref_slice %arg5[%mul3A_2, %dma_start3A_16] : memref<10240x128xf32, #tpu.memory_space<hbm>> -> memref<640x128xf32, #tpu.memory_space<hbm>>
      tpu.enqueue_dma source(%dma_start3A_17 : memref<640x128xf32, #tpu.memory_space<hbm>>) target(%dma_start3A_15 : memref<640x128xf32, #tpu.memory_space<vmem_shared>>) target_semaphore(%run_scoped3A : memref<!tpu.dma_semaphore, #tpu.memory_space<semaphore_mem>>)
      %dma_wait3A = arith.constant 0 : i32
      %dma_wait3A_18 = tpu.memref_slice %arg10[%mul3A_4, %dma_wait3A] : memref<10240x128xf32, #tpu.memory_space<vmem_shared>> -> memref<640x128xf32, #tpu.memory_space<vmem_shared>>
      %dma_wait3A_19 = arith.constant 0 : i32
      %dma_wait3A_20 = tpu.memref_slice %arg5[%mul3A_2, %dma_wait3A_19] : memref<10240x128xf32, #tpu.memory_space<hbm>> -> memref<640x128xf32, #tpu.memory_space<hbm>>
      tpu.wait_dma2 semaphore(%run_scoped3A : memref<!tpu.dma_semaphore, #tpu.memory_space<semaphore_mem>>) src(%dma_wait3A_20 : memref<640x128xf32, #tpu.memory_space<hbm>>) dst(%dma_wait3A_18 : memref<640x128xf32, #tpu.memory_space<vmem_shared>>)
      tpu.yield
    }) : () -> ()
    "tpu.region"() ({
      %run_scoped3A = tpu.sem_alloc : memref<!tpu.dma_semaphore, #tpu.memory_space<semaphore_mem>>
      %dma_start3A = arith.constant 0 : i32
      %dma_start3A_15 = arith.constant 0 : i32
      %dma_start3A_16 = tpu.memref_slice %arg3[%add3A, %dma_start3A, %dma_start3A_15] : memref<32x79x128xi32, #tpu.memory_space<hbm>> -> memref<1x79x128xi32, #tpu.memory_space<hbm>>
      %dma_start3A_17 = tpu.memref_squeeze %dma_start3A_16 : memref<1x79x128xi32, #tpu.memory_space<hbm>> -> memref<79x128xi32, #tpu.memory_space<hbm>>
      %dma_start3A_18 = arith.constant 0 : i32
      %dma_start3A_19 = arith.constant 0 : i32
      %dma_start3A_20 = tpu.memref_slice %arg3[%add3A, %dma_start3A_18, %dma_start3A_19] : memref<32x79x128xi32, #tpu.memory_space<hbm>> -> memref<1x79x128xi32, #tpu.memory_space<hbm>>
      %dma_start3A_21 = tpu.memref_squeeze %dma_start3A_20 : memref<1x79x128xi32, #tpu.memory_space<hbm>> -> memref<79x128xi32, #tpu.memory_space<hbm>>
      tpu.enqueue_dma source(%dma_start3A_21 : memref<79x128xi32, #tpu.memory_space<hbm>>) target(%arg7 : memref<79x128xi32, #tpu.memory_space<vmem>>) target_semaphore(%run_scoped3A : memref<!tpu.dma_semaphore, #tpu.memory_space<semaphore_mem>>)
      %dma_wait3A = arith.constant 0 : i32
      %dma_wait3A_22 = arith.constant 0 : i32
      %dma_wait3A_23 = tpu.memref_slice %arg3[%add3A, %dma_wait3A, %dma_wait3A_22] : memref<32x79x128xi32, #tpu.memory_space<hbm>> -> memref<1x79x128xi32, #tpu.memory_space<hbm>>
      %dma_wait3A_24 = tpu.memref_squeeze %dma_wait3A_23 : memref<1x79x128xi32, #tpu.memory_space<hbm>> -> memref<79x128xi32, #tpu.memory_space<hbm>>
      %dma_wait3A_25 = arith.constant 0 : i32
      %dma_wait3A_26 = arith.constant 0 : i32
      %dma_wait3A_27 = tpu.memref_slice %arg3[%add3A, %dma_wait3A_25, %dma_wait3A_26] : memref<32x79x128xi32, #tpu.memory_space<hbm>> -> memref<1x79x128xi32, #tpu.memory_space<hbm>>
      %dma_wait3A_28 = tpu.memref_squeeze %dma_wait3A_27 : memref<1x79x128xi32, #tpu.memory_space<hbm>> -> memref<79x128xi32, #tpu.memory_space<hbm>>
      tpu.wait_dma2 semaphore(%run_scoped3A : memref<!tpu.dma_semaphore, #tpu.memory_space<semaphore_mem>>) src(%dma_wait3A_28 : memref<79x128xi32, #tpu.memory_space<hbm>>) dst(%arg7 : memref<79x128xi32, #tpu.memory_space<vmem>>)
      tpu.yield
    }) : () -> ()
    "tpu.region"() ({
      %run_scoped3A = tpu.sem_alloc : memref<!tpu.dma_semaphore, #tpu.memory_space<semaphore_mem>>
      %dma_start3A = arith.constant 0 : i32
      %dma_start3A_15 = arith.constant 0 : i32
      %dma_start3A_16 = tpu.memref_slice %arg4[%add3A, %dma_start3A, %dma_start3A_15] : memref<32x79x128xi32, #tpu.memory_space<hbm>> -> memref<1x79x128xi32, #tpu.memory_space<hbm>>
      %dma_start3A_17 = tpu.memref_squeeze %dma_start3A_16 : memref<1x79x128xi32, #tpu.memory_space<hbm>> -> memref<79x128xi32, #tpu.memory_space<hbm>>
      %dma_start3A_18 = arith.constant 0 : i32
      %dma_start3A_19 = arith.constant 0 : i32
      %dma_start3A_20 = tpu.memref_slice %arg4[%add3A, %dma_start3A_18, %dma_start3A_19] : memref<32x79x128xi32, #tpu.memory_space<hbm>> -> memref<1x79x128xi32, #tpu.memory_space<hbm>>
      %dma_start3A_21 = tpu.memref_squeeze %dma_start3A_20 : memref<1x79x128xi32, #tpu.memory_space<hbm>> -> memref<79x128xi32, #tpu.memory_space<hbm>>
      tpu.enqueue_dma source(%dma_start3A_21 : memref<79x128xi32, #tpu.memory_space<hbm>>) target(%arg8 : memref<79x128xi32, #tpu.memory_space<vmem>>) target_semaphore(%run_scoped3A : memref<!tpu.dma_semaphore, #tpu.memory_space<semaphore_mem>>)
      %dma_wait3A = arith.constant 0 : i32
      %dma_wait3A_22 = arith.constant 0 : i32
      %dma_wait3A_23 = tpu.memref_slice %arg4[%add3A, %dma_wait3A, %dma_wait3A_22] : memref<32x79x128xi32, #tpu.memory_space<hbm>> -> memref<1x79x128xi32, #tpu.memory_space<hbm>>
      %dma_wait3A_24 = tpu.memref_squeeze %dma_wait3A_23 : memref<1x79x128xi32, #tpu.memory_space<hbm>> -> memref<79x128xi32, #tpu.memory_space<hbm>>
      %dma_wait3A_25 = arith.constant 0 : i32
      %dma_wait3A_26 = arith.constant 0 : i32
      %dma_wait3A_27 = tpu.memref_slice %arg4[%add3A, %dma_wait3A_25, %dma_wait3A_26] : memref<32x79x128xi32, #tpu.memory_space<hbm>> -> memref<1x79x128xi32, #tpu.memory_space<hbm>>
      %dma_wait3A_28 = tpu.memref_squeeze %dma_wait3A_27 : memref<1x79x128xi32, #tpu.memory_space<hbm>> -> memref<79x128xi32, #tpu.memory_space<hbm>>
      tpu.wait_dma2 semaphore(%run_scoped3A : memref<!tpu.dma_semaphore, #tpu.memory_space<semaphore_mem>>) src(%dma_wait3A_28 : memref<79x128xi32, #tpu.memory_space<hbm>>) dst(%arg8 : memref<79x128xi32, #tpu.memory_space<vmem>>)
      tpu.yield
    }) : () -> ()
    %barrier3A = arith.constant 0 : index
    tpu.barrier barrier_id(%barrier3A)
    %scan3A = arith.constant 0 : i32
    %scan3A_5 = arith.constant 0 : i32
    %scan3A_6 = arith.constant 79 : i32
    %scan3A_7 = arith.addi %scan3A_5, %scan3A_6 : i32
    %scan3A_8 = arith.constant 1 : i32
    scf.for %scan3A_15 = %scan3A_5 to %scan3A_7 step %scan3A_8  : i32 {
      %dma_start3A = arith.constant 0 : i32
      %dma_start3A_16 = tpu.memref_slice %arg7[%scan3A_15, %dma_start3A] : memref<79x128xi32, #tpu.memory_space<vmem>> -> memref<1x128xi32, #tpu.memory_space<vmem>>
      %dma_start3A_17 = tpu.memref_squeeze %dma_start3A_16 : memref<1x128xi32, #tpu.memory_space<vmem>> -> memref<128xi32, #tpu.memory_space<vmem>>
      %dma_start3A_18 = arith.constant 0 : i32
      %dma_start3A_19 = arith.constant 0 : i32
      %dma_start3A_20 = tpu.memref_slice %arg2[%dma_start3A_18, %dma_start3A_19] : memref<10000x128xf32, #tpu.memory_space<hbm>> -> memref<10000x128xf32, #tpu.memory_space<hbm>>
      tpu.enqueue_indirect_dma source(%dma_start3A_20 : memref<10000x128xf32, #tpu.memory_space<hbm>>) target(%arg9 : memref<128x128xf32, #tpu.memory_space<vmem>>) offsets(%dma_start3A_17 : memref<128xi32, #tpu.memory_space<vmem>>) semaphore(%arg11 : memref<!tpu.dma_semaphore, #tpu.memory_space<semaphore_mem>>)
      %dma_wait3A = arith.constant 0 : i32
      %dma_wait3A_21 = tpu.memref_slice %arg7[%scan3A_15, %dma_wait3A] : memref<79x128xi32, #tpu.memory_space<vmem>> -> memref<1x128xi32, #tpu.memory_space<vmem>>
      %dma_wait3A_22 = tpu.memref_squeeze %dma_wait3A_21 : memref<1x128xi32, #tpu.memory_space<vmem>> -> memref<128xi32, #tpu.memory_space<vmem>>
      %dma_wait3A_23 = arith.constant 0 : i32
      %dma_wait3A_24 = arith.constant 0 : i32
      %dma_wait3A_25 = tpu.memref_slice %arg2[%dma_wait3A_23, %dma_wait3A_24] : memref<10000x128xf32, #tpu.memory_space<hbm>> -> memref<10000x128xf32, #tpu.memory_space<hbm>>
      tpu.wait_indirect_dma semaphore(%arg11 : memref<!tpu.dma_semaphore, #tpu.memory_space<semaphore_mem>>) src(%dma_wait3A_25 : memref<10000x128xf32, #tpu.memory_space<hbm>>) dst(%arg9 : memref<128x128xf32, #tpu.memory_space<vmem>>)
      "tpu.region"() ({
        %run_scoped3A = tpu.sem_alloc : memref<!tpu.dma_semaphore, #tpu.memory_space<semaphore_mem>>
        %dma_start3A_26 = arith.constant 0 : i32
        %dma_start3A_27 = tpu.memref_slice %arg8[%scan3A_15, %dma_start3A_26] : memref<79x128xi32, #tpu.memory_space<vmem>> -> memref<1x128xi32, #tpu.memory_space<vmem>>
        %dma_start3A_28 = tpu.memref_squeeze %dma_start3A_27 : memref<1x128xi32, #tpu.memory_space<vmem>> -> memref<128xi32, #tpu.memory_space<vmem>>
        %dma_start3A_29 = arith.constant 0 : i32
        %dma_start3A_30 = arith.constant 0 : i32
        %dma_start3A_31 = tpu.memref_slice %arg10[%dma_start3A_29, %dma_start3A_30] : memref<10240x128xf32, #tpu.memory_space<vmem_shared>> -> memref<10240x128xf32, #tpu.memory_space<vmem_shared>>
        tpu.enqueue_indirect_dma source(%arg9 : memref<128x128xf32, #tpu.memory_space<vmem>>) target(%dma_start3A_31 : memref<10240x128xf32, #tpu.memory_space<vmem_shared>>) offsets(%dma_start3A_28 : memref<128xi32, #tpu.memory_space<vmem>>) semaphore(%run_scoped3A : memref<!tpu.dma_semaphore, #tpu.memory_space<semaphore_mem>>) {add = true}
        %dma_wait3A_32 = arith.constant 0 : i32
        %dma_wait3A_33 = tpu.memref_slice %arg8[%scan3A_15, %dma_wait3A_32] : memref<79x128xi32, #tpu.memory_space<vmem>> -> memref<1x128xi32, #tpu.memory_space<vmem>>
        %dma_wait3A_34 = tpu.memref_squeeze %dma_wait3A_33 : memref<1x128xi32, #tpu.memory_space<vmem>> -> memref<128xi32, #tpu.memory_space<vmem>>
        %dma_wait3A_35 = arith.constant 0 : i32
        %dma_wait3A_36 = arith.constant 0 : i32
        %dma_wait3A_37 = tpu.memref_slice %arg10[%dma_wait3A_35, %dma_wait3A_36] : memref<10240x128xf32, #tpu.memory_space<vmem_shared>> -> memref<10240x128xf32, #tpu.memory_space<vmem_shared>>
        tpu.wait_indirect_dma semaphore(%run_scoped3A : memref<!tpu.dma_semaphore, #tpu.memory_space<semaphore_mem>>) src(%arg9 : memref<128x128xf32, #tpu.memory_space<vmem>>) dst(%dma_wait3A_37 : memref<10240x128xf32, #tpu.memory_space<vmem_shared>>)
        tpu.yield
      }) : () -> ()
    }
    %scan3A_9 = arith.constant 79 : i32
    %barrier3A_10 = arith.constant 0 : index
    tpu.barrier barrier_id(%barrier3A_10)
    %mul3A_11 = arith.constant 640 : i32
    %mul3A_12 = arith.muli %arg1, %mul3A_11 : i32
    %mul3A_13 = arith.constant 640 : i32
    %mul3A_14 = arith.muli %arg1, %mul3A_13 : i32
    "tpu.region"() ({
      %run_scoped3A = tpu.sem_alloc : memref<!tpu.dma_semaphore, #tpu.memory_space<semaphore_mem>>
      %dma_start3A = arith.constant 0 : i32
      %dma_start3A_15 = arith.constant 0 : i32
      %dma_start3A_16 = tpu.memref_slice %arg6[%arg0, %dma_start3A, %dma_start3A_15] : memref<2x10240x128xf32, #tpu.memory_space<hbm>> -> memref<1x10240x128xf32, #tpu.memory_space<hbm>>
      %dma_start3A_17 = tpu.memref_squeeze %dma_start3A_16 : memref<1x10240x128xf32, #tpu.memory_space<hbm>> -> memref<10240x128xf32, #tpu.memory_space<hbm>>
      %dma_start3A_18 = arith.constant 0 : i32
      %dma_start3A_19 = tpu.memref_slice %dma_start3A_17[%mul3A_14, %dma_start3A_18] : memref<10240x128xf32, #tpu.memory_space<hbm>> -> memref<640x128xf32, #tpu.memory_space<hbm>>
      %dma_start3A_20 = arith.constant 0 : i32
      %dma_start3A_21 = tpu.memref_slice %arg10[%mul3A_12, %dma_start3A_20] : memref<10240x128xf32, #tpu.memory_space<vmem_shared>> -> memref<640x128xf32, #tpu.memory_space<vmem_shared>>
      tpu.enqueue_dma source(%dma_start3A_21 : memref<640x128xf32, #tpu.memory_space<vmem_shared>>) target(%dma_start3A_19 : memref<640x128xf32, #tpu.memory_space<hbm>>) target_semaphore(%run_scoped3A : memref<!tpu.dma_semaphore, #tpu.memory_space<semaphore_mem>>)
      %dma_wait3A = arith.constant 0 : i32
      %dma_wait3A_22 = arith.constant 0 : i32
      %dma_wait3A_23 = tpu.memref_slice %arg6[%arg0, %dma_wait3A, %dma_wait3A_22] : memref<2x10240x128xf32, #tpu.memory_space<hbm>> -> memref<1x10240x128xf32, #tpu.memory_space<hbm>>
      %dma_wait3A_24 = tpu.memref_squeeze %dma_wait3A_23 : memref<1x10240x128xf32, #tpu.memory_space<hbm>> -> memref<10240x128xf32, #tpu.memory_space<hbm>>
      %dma_wait3A_25 = arith.constant 0 : i32
      %dma_wait3A_26 = tpu.memref_slice %dma_wait3A_24[%mul3A_14, %dma_wait3A_25] : memref<10240x128xf32, #tpu.memory_space<hbm>> -> memref<640x128xf32, #tpu.memory_space<hbm>>
      %dma_wait3A_27 = arith.constant 0 : i32
      %dma_wait3A_28 = tpu.memref_slice %arg10[%mul3A_12, %dma_wait3A_27] : memref<10240x128xf32, #tpu.memory_space<vmem_shared>> -> memref<640x128xf32, #tpu.memory_space<vmem_shared>>
      tpu.wait_dma2 semaphore(%run_scoped3A : memref<!tpu.dma_semaphore, #tpu.memory_space<semaphore_mem>>) src(%dma_wait3A_28 : memref<640x128xf32, #tpu.memory_space<vmem_shared>>) dst(%dma_wait3A_26 : memref<640x128xf32, #tpu.memory_space<hbm>>)
      tpu.yield
    }) : () -> ()
    return
  }
}

#map = affine_map<(d0, d1) -> (0, 0)>
#map1 = affine_map<(d0, d1) -> (0, 0, 0)>
module attributes {stable_mosaic.version = 14 : i64} {
  func.func @k(%arg0: i32, %arg1: i32, %arg2: memref<10000x128xf32, #tpu.memory_space<hbm>>, %arg3: memref<32x79x128xi32, #tpu.memory_space<hbm>>, %arg4: memref<32x79x128xi32, #tpu.memory_space<hbm>>, %arg5: memref<10240x128xf32, #tpu.memory_space<hbm>>, %arg6: memref<2x10240x128xf32, #tpu.memory_space<hbm>>, %arg7: memref<79x128xi32, #tpu.memory_space<vmem>>, %arg8: memref<79x128xi32, #tpu.memory_space<vmem>>, %arg9: memref<128x128xf32, #tpu.memory_space<vmem>>, %arg10: memref<10240x128xf32, #tpu.memory_space<vmem_shared>>, %arg11: memref<!tpu.dma_semaphore, #tpu.memory_space<semaphore_mem>>) attributes {dimension_semantics = [#tpu.dimension_semantics<core_parallel>, #tpu.dimension_semantics<subcore_parallel>], iteration_bounds = array<i64: 2, 16>, scalar_prefetch = 0 : i64, scratch_operands = 5 : i64, tpu.core_type = #tpu.core_type<sc_vector_subcore>, window_params = [{transform_indices = #map}, {transform_indices = #map1}, {transform_indices = #map1}, {transform_indices = #map}, {transform_indices = #map1}]} {
    %mul3A = arith.constant 2 : i32
    %mul3A_0 = arith.muli %arg1, %mul3A : i32
    %add3A = arith.addi %mul3A_0, %arg0 : i32
    %mul3A_1 = arith.constant 640 : i32
    %mul3A_2 = arith.muli %arg1, %mul3A_1 : i32
    %mul3A_3 = arith.constant 640 : i32
    %mul3A_4 = arith.muli %arg1, %mul3A_3 : i32
    "tpu.region"() ({
      %run_scoped3A = tpu.sem_alloc : memref<!tpu.dma_semaphore, #tpu.memory_space<semaphore_mem>>
      %dma_start3A = arith.constant 0 : i32
      %dma_start3A_15 = tpu.memref_slice %arg10[%mul3A_4, %dma_start3A] : memref<10240x128xf32, #tpu.memory_space<vmem_shared>> -> memref<640x128xf32, #tpu.memory_space<vmem_shared>>
      %dma_start3A_16 = arith.constant 0 : i32
      %dma_start3A_17 = tpu.memref_slice %arg5[%mul3A_2, %dma_start3A_16] : memref<10240x128xf32, #tpu.memory_space<hbm>> -> memref<640x128xf32, #tpu.memory_space<hbm>>
      tpu.enqueue_dma source(%dma_start3A_17 : memref<640x128xf32, #tpu.memory_space<hbm>>) target(%dma_start3A_15 : memref<640x128xf32, #tpu.memory_space<vmem_shared>>) target_semaphore(%run_scoped3A : memref<!tpu.dma_semaphore, #tpu.memory_space<semaphore_mem>>)
      %dma_wait3A = arith.constant 0 : i32
      %dma_wait3A_18 = tpu.memref_slice %arg10[%mul3A_4, %dma_wait3A] : memref<10240x128xf32, #tpu.memory_space<vmem_shared>> -> memref<640x128xf32, #tpu.memory_space<vmem_shared>>
      %dma_wait3A_19 = arith.constant 0 : i32
      %dma_wait3A_20 = tpu.memref_slice %arg5[%mul3A_2, %dma_wait3A_19] : memref<10240x128xf32, #tpu.memory_space<hbm>> -> memref<640x128xf32, #tpu.memory_space<hbm>>
      tpu.wait_dma2 semaphore(%run_scoped3A : memref<!tpu.dma_semaphore, #tpu.memory_space<semaphore_mem>>) src(%dma_wait3A_20 : memref<640x128xf32, #tpu.memory_space<hbm>>) dst(%dma_wait3A_18 : memref<640x128xf32, #tpu.memory_space<vmem_shared>>)
      tpu.yield
    }) : () -> ()
    "tpu.region"() ({
      %run_scoped3A = tpu.sem_alloc : memref<!tpu.dma_semaphore, #tpu.memory_space<semaphore_mem>>
      %dma_start3A = arith.constant 0 : i32
      %dma_start3A_15 = arith.constant 0 : i32
      %dma_start3A_16 = tpu.memref_slice %arg3[%add3A, %dma_start3A, %dma_start3A_15] : memref<32x79x128xi32, #tpu.memory_space<hbm>> -> memref<1x79x128xi32, #tpu.memory_space<hbm>>
      %dma_start3A_17 = tpu.memref_squeeze %dma_start3A_16 : memref<1x79x128xi32, #tpu.memory_space<hbm>> -> memref<79x128xi32, #tpu.memory_space<hbm>>
      %dma_start3A_18 = arith.constant 0 : i32
      %dma_start3A_19 = arith.constant 0 : i32
      %dma_start3A_20 = tpu.memref_slice %arg3[%add3A, %dma_start3A_18, %dma_start3A_19] : memref<32x79x128xi32, #tpu.memory_space<hbm>> -> memref<1x79x128xi32, #tpu.memory_space<hbm>>
      %dma_start3A_21 = tpu.memref_squeeze %dma_start3A_20 : memref<1x79x128xi32, #tpu.memory_space<hbm>> -> memref<79x128xi32, #tpu.memory_space<hbm>>
      tpu.enqueue_dma source(%dma_start3A_21 : memref<79x128xi32, #tpu.memory_space<hbm>>) target(%arg7 : memref<79x128xi32, #tpu.memory_space<vmem>>) target_semaphore(%run_scoped3A : memref<!tpu.dma_semaphore, #tpu.memory_space<semaphore_mem>>)
      %dma_wait3A = arith.constant 0 : i32
      %dma_wait3A_22 = arith.constant 0 : i32
      %dma_wait3A_23 = tpu.memref_slice %arg3[%add3A, %dma_wait3A, %dma_wait3A_22] : memref<32x79x128xi32, #tpu.memory_space<hbm>> -> memref<1x79x128xi32, #tpu.memory_space<hbm>>
      %dma_wait3A_24 = tpu.memref_squeeze %dma_wait3A_23 : memref<1x79x128xi32, #tpu.memory_space<hbm>> -> memref<79x128xi32, #tpu.memory_space<hbm>>
      %dma_wait3A_25 = arith.constant 0 : i32
      %dma_wait3A_26 = arith.constant 0 : i32
      %dma_wait3A_27 = tpu.memref_slice %arg3[%add3A, %dma_wait3A_25, %dma_wait3A_26] : memref<32x79x128xi32, #tpu.memory_space<hbm>> -> memref<1x79x128xi32, #tpu.memory_space<hbm>>
      %dma_wait3A_28 = tpu.memref_squeeze %dma_wait3A_27 : memref<1x79x128xi32, #tpu.memory_space<hbm>> -> memref<79x128xi32, #tpu.memory_space<hbm>>
      tpu.wait_dma2 semaphore(%run_scoped3A : memref<!tpu.dma_semaphore, #tpu.memory_space<semaphore_mem>>) src(%dma_wait3A_28 : memref<79x128xi32, #tpu.memory_space<hbm>>) dst(%arg7 : memref<79x128xi32, #tpu.memory_space<vmem>>)
      tpu.yield
    }) : () -> ()
    "tpu.region"() ({
      %run_scoped3A = tpu.sem_alloc : memref<!tpu.dma_semaphore, #tpu.memory_space<semaphore_mem>>
      %dma_start3A = arith.constant 0 : i32
      %dma_start3A_15 = arith.constant 0 : i32
      %dma_start3A_16 = tpu.memref_slice %arg4[%add3A, %dma_start3A, %dma_start3A_15] : memref<32x79x128xi32, #tpu.memory_space<hbm>> -> memref<1x79x128xi32, #tpu.memory_space<hbm>>
      %dma_start3A_17 = tpu.memref_squeeze %dma_start3A_16 : memref<1x79x128xi32, #tpu.memory_space<hbm>> -> memref<79x128xi32, #tpu.memory_space<hbm>>
      %dma_start3A_18 = arith.constant 0 : i32
      %dma_start3A_19 = arith.constant 0 : i32
      %dma_start3A_20 = tpu.memref_slice %arg4[%add3A, %dma_start3A_18, %dma_start3A_19] : memref<32x79x128xi32, #tpu.memory_space<hbm>> -> memref<1x79x128xi32, #tpu.memory_space<hbm>>
      %dma_start3A_21 = tpu.memref_squeeze %dma_start3A_20 : memref<1x79x128xi32, #tpu.memory_space<hbm>> -> memref<79x128xi32, #tpu.memory_space<hbm>>
      tpu.enqueue_dma source(%dma_start3A_21 : memref<79x128xi32, #tpu.memory_space<hbm>>) target(%arg8 : memref<79x128xi32, #tpu.memory_space<vmem>>) target_semaphore(%run_scoped3A : memref<!tpu.dma_semaphore, #tpu.memory_space<semaphore_mem>>)
      %dma_wait3A = arith.constant 0 : i32
      %dma_wait3A_22 = arith.constant 0 : i32
      %dma_wait3A_23 = tpu.memref_slice %arg4[%add3A, %dma_wait3A, %dma_wait3A_22] : memref<32x79x128xi32, #tpu.memory_space<hbm>> -> memref<1x79x128xi32, #tpu.memory_space<hbm>>
      %dma_wait3A_24 = tpu.memref_squeeze %dma_wait3A_23 : memref<1x79x128xi32, #tpu.memory_space<hbm>> -> memref<79x128xi32, #tpu.memory_space<hbm>>
      %dma_wait3A_25 = arith.constant 0 : i32
      %dma_wait3A_26 = arith.constant 0 : i32
      %dma_wait3A_27 = tpu.memref_slice %arg4[%add3A, %dma_wait3A_25, %dma_wait3A_26] : memref<32x79x128xi32, #tpu.memory_space<hbm>> -> memref<1x79x128xi32, #tpu.memory_space<hbm>>
      %dma_wait3A_28 = tpu.memref_squeeze %dma_wait3A_27 : memref<1x79x128xi32, #tpu.memory_space<hbm>> -> memref<79x128xi32, #tpu.memory_space<hbm>>
      tpu.wait_dma2 semaphore(%run_scoped3A : memref<!tpu.dma_semaphore, #tpu.memory_space<semaphore_mem>>) src(%dma_wait3A_28 : memref<79x128xi32, #tpu.memory_space<hbm>>) dst(%arg8 : memref<79x128xi32, #tpu.memory_space<vmem>>)
      tpu.yield
    }) : () -> ()
    %barrier3A = arith.constant 0 : index
    tpu.barrier barrier_id(%barrier3A)
    %scan3A = arith.constant 0 : i32
    %scan3A_5 = arith.constant 0 : i32
    %scan3A_6 = arith.constant 79 : i32
    %scan3A_7 = arith.addi %scan3A_5, %scan3A_6 : i32
    %scan3A_8 = arith.constant 1 : i32
    scf.for %scan3A_15 = %scan3A_5 to %scan3A_7 step %scan3A_8  : i32 {
      %dma_start3A = arith.constant 0 : i32
      %dma_start3A_16 = tpu.memref_slice %arg7[%scan3A_15, %dma_start3A] : memref<79x128xi32, #tpu.memory_space<vmem>> -> memref<1x128xi32, #tpu.memory_space<vmem>>
      %dma_start3A_17 = tpu.memref_squeeze %dma_start3A_16 : memref<1x128xi32, #tpu.memory_space<vmem>> -> memref<128xi32, #tpu.memory_space<vmem>>
      %dma_start3A_18 = arith.constant 0 : i32
      %dma_start3A_19 = arith.constant 0 : i32
      %dma_start3A_20 = tpu.memref_slice %arg2[%dma_start3A_18, %dma_start3A_19] : memref<10000x128xf32, #tpu.memory_space<hbm>> -> memref<10000x128xf32, #tpu.memory_space<hbm>>
      tpu.enqueue_indirect_dma source(%dma_start3A_20 : memref<10000x128xf32, #tpu.memory_space<hbm>>) target(%arg9 : memref<128x128xf32, #tpu.memory_space<vmem>>) offsets(%dma_start3A_17 : memref<128xi32, #tpu.memory_space<vmem>>) semaphore(%arg11 : memref<!tpu.dma_semaphore, #tpu.memory_space<semaphore_mem>>)
      %dma_wait3A = arith.constant 0 : i32
      %dma_wait3A_21 = tpu.memref_slice %arg7[%scan3A_15, %dma_wait3A] : memref<79x128xi32, #tpu.memory_space<vmem>> -> memref<1x128xi32, #tpu.memory_space<vmem>>
      %dma_wait3A_22 = tpu.memref_squeeze %dma_wait3A_21 : memref<1x128xi32, #tpu.memory_space<vmem>> -> memref<128xi32, #tpu.memory_space<vmem>>
      %dma_wait3A_23 = arith.constant 0 : i32
      %dma_wait3A_24 = arith.constant 0 : i32
      %dma_wait3A_25 = tpu.memref_slice %arg2[%dma_wait3A_23, %dma_wait3A_24] : memref<10000x128xf32, #tpu.memory_space<hbm>> -> memref<10000x128xf32, #tpu.memory_space<hbm>>
      tpu.wait_indirect_dma semaphore(%arg11 : memref<!tpu.dma_semaphore, #tpu.memory_space<semaphore_mem>>) src(%dma_wait3A_25 : memref<10000x128xf32, #tpu.memory_space<hbm>>) dst(%arg9 : memref<128x128xf32, #tpu.memory_space<vmem>>)
      "tpu.region"() ({
        %run_scoped3A = tpu.sem_alloc : memref<!tpu.dma_semaphore, #tpu.memory_space<semaphore_mem>>
        %dma_start3A_26 = arith.constant 0 : i32
        %dma_start3A_27 = tpu.memref_slice %arg8[%scan3A_15, %dma_start3A_26] : memref<79x128xi32, #tpu.memory_space<vmem>> -> memref<1x128xi32, #tpu.memory_space<vmem>>
        %dma_start3A_28 = tpu.memref_squeeze %dma_start3A_27 : memref<1x128xi32, #tpu.memory_space<vmem>> -> memref<128xi32, #tpu.memory_space<vmem>>
        %dma_start3A_29 = arith.constant 0 : i32
        %dma_start3A_30 = arith.constant 0 : i32
        %dma_start3A_31 = tpu.memref_slice %arg10[%dma_start3A_29, %dma_start3A_30] : memref<10240x128xf32, #tpu.memory_space<vmem_shared>> -> memref<10240x128xf32, #tpu.memory_space<vmem_shared>>
        tpu.enqueue_indirect_dma source(%arg9 : memref<128x128xf32, #tpu.memory_space<vmem>>) target(%dma_start3A_31 : memref<10240x128xf32, #tpu.memory_space<vmem_shared>>) offsets(%dma_start3A_28 : memref<128xi32, #tpu.memory_space<vmem>>) semaphore(%run_scoped3A : memref<!tpu.dma_semaphore, #tpu.memory_space<semaphore_mem>>) {add = true}
        %dma_wait3A_32 = arith.constant 0 : i32
        %dma_wait3A_33 = tpu.memref_slice %arg8[%scan3A_15, %dma_wait3A_32] : memref<79x128xi32, #tpu.memory_space<vmem>> -> memref<1x128xi32, #tpu.memory_space<vmem>>
        %dma_wait3A_34 = tpu.memref_squeeze %dma_wait3A_33 : memref<1x128xi32, #tpu.memory_space<vmem>> -> memref<128xi32, #tpu.memory_space<vmem>>
        %dma_wait3A_35 = arith.constant 0 : i32
        %dma_wait3A_36 = arith.constant 0 : i32
        %dma_wait3A_37 = tpu.memref_slice %arg10[%dma_wait3A_35, %dma_wait3A_36] : memref<10240x128xf32, #tpu.memory_space<vmem_shared>> -> memref<10240x128xf32, #tpu.memory_space<vmem_shared>>
        tpu.wait_indirect_dma semaphore(%run_scoped3A : memref<!tpu.dma_semaphore, #tpu.memory_space<semaphore_mem>>) src(%arg9 : memref<128x128xf32, #tpu.memory_space<vmem>>) dst(%dma_wait3A_37 : memref<10240x128xf32, #tpu.memory_space<vmem_shared>>)
        tpu.yield
      }) : () -> ()
    }
    %scan3A_9 = arith.constant 79 : i32
    %barrier3A_10 = arith.constant 0 : index
    tpu.barrier barrier_id(%barrier3A_10)
    %mul3A_11 = arith.constant 640 : i32
    %mul3A_12 = arith.muli %arg1, %mul3A_11 : i32
    %mul3A_13 = arith.constant 640 : i32
    %mul3A_14 = arith.muli %arg1, %mul3A_13 : i32
    "tpu.region"() ({
      %run_scoped3A = tpu.sem_alloc : memref<!tpu.dma_semaphore, #tpu.memory_space<semaphore_mem>>
      %dma_start3A = arith.constant 0 : i32
      %dma_start3A_15 = arith.constant 0 : i32
      %dma_start3A_16 = tpu.memref_slice %arg6[%arg0, %dma_start3A, %dma_start3A_15] : memref<2x10240x128xf32, #tpu.memory_space<hbm>> -> memref<1x10240x128xf32, #tpu.memory_space<hbm>>
      %dma_start3A_17 = tpu.memref_squeeze %dma_start3A_16 : memref<1x10240x128xf32, #tpu.memory_space<hbm>> -> memref<10240x128xf32, #tpu.memory_space<hbm>>
      %dma_start3A_18 = arith.constant 0 : i32
      %dma_start3A_19 = tpu.memref_slice %dma_start3A_17[%mul3A_14, %dma_start3A_18] : memref<10240x128xf32, #tpu.memory_space<hbm>> -> memref<640x128xf32, #tpu.memory_space<hbm>>
      %dma_start3A_20 = arith.constant 0 : i32
      %dma_start3A_21 = tpu.memref_slice %arg10[%mul3A_12, %dma_start3A_20] : memref<10240x128xf32, #tpu.memory_space<vmem_shared>> -> memref<640x128xf32, #tpu.memory_space<vmem_shared>>
      tpu.enqueue_dma source(%dma_start3A_21 : memref<640x128xf32, #tpu.memory_space<vmem_shared>>) target(%dma_start3A_19 : memref<640x128xf32, #tpu.memory_space<hbm>>) target_semaphore(%run_scoped3A : memref<!tpu.dma_semaphore, #tpu.memory_space<semaphore_mem>>)
      %dma_wait3A = arith.constant 0 : i32
      %dma_wait3A_22 = arith.constant 0 : i32
      %dma_wait3A_23 = tpu.memref_slice %arg6[%arg0, %dma_wait3A, %dma_wait3A_22] : memref<2x10240x128xf32, #tpu.memory_space<hbm>> -> memref<1x10240x128xf32, #tpu.memory_space<hbm>>
      %dma_wait3A_24 = tpu.memref_squeeze %dma_wait3A_23 : memref<1x10240x128xf32, #tpu.memory_space<hbm>> -> memref<10240x128xf32, #tpu.memory_space<hbm>>
      %dma_wait3A_25 = arith.constant 0 : i32
      %dma_wait3A_26 = tpu.memref_slice %dma_wait3A_24[%mul3A_14, %dma_wait3A_25] : memref<10240x128xf32, #tpu.memory_space<hbm>> -> memref<640x128xf32, #tpu.memory_space<hbm>>
      %dma_wait3A_27 = arith.constant 0 : i32
      %dma_wait3A_28 = tpu.memref_slice %arg10[%mul3A_12, %dma_wait3A_27] : memref<10240x128xf32, #tpu.memory_space<vmem_shared>> -> memref<640x128xf32, #tpu.memory_space<vmem_shared>>
      tpu.wait_dma2 semaphore(%run_scoped3A : memref<!tpu.dma_semaphore, #tpu.memory_space<semaphore_mem>>) src(%dma_wait3A_28 : memref<640x128xf32, #tpu.memory_space<vmem_shared>>) dst(%dma_wait3A_26 : memref<640x128xf32, #tpu.memory_space<hbm>>)
      tpu.yield
    }) : () -> ()
    return
  }
}

module attributes {stable_mosaic.version = 14 : i64} {
  func.func @_embed_body(%arg0: i32, %arg1: memref<1000x2xi32, #tpu.memory_space<vmem>>, %arg2: memref<128x128xf32, #tpu.memory_space<vmem>>, %arg3: memref<128x128xf32, #tpu.memory_space<vmem>>, %arg4: memref<1000x128xf32, #tpu.memory_space<vmem>>) attributes {dimension_semantics = [#tpu.dimension_semantics<arbitrary>], iteration_bounds = array<i64: 10>, scalar_prefetch = 0 : i64, scratch_operands = 0 : i64, tpu.core_type = #tpu.core_type<tc>, window_params = [{transform_indices = @transform_0, window_bounds = array<i64: 1000, 2>}, {pipeline_mode = #tpu.pipeline_mode<synchronous>, transform_indices = @transform_1, window_bounds = array<i64: 128, 128>}, {pipeline_mode = #tpu.pipeline_mode<synchronous>, transform_indices = @transform_2, window_bounds = array<i64: 128, 128>}, {transform_indices = @transform_3, window_bounds = array<i64: 1000, 128>}]} {
    %iota3A = tpu.iota {dimensions = array<i32: 1>} : vector<1000x128xi32>
    %get3A = arith.constant 0 : index
    %get3A_0 = arith.constant 0 : index
    %get3A_1 = vector.load %arg1[%get3A, %get3A_0] : memref<1000x2xi32, #tpu.memory_space<vmem>>, vector<1000x1xi32>
    %eq3A = vector.broadcast %get3A_1 : vector<1000x1xi32> to vector<1000x128xi32>
    %eq3A_2 = arith.cmpi eq, %eq3A, %iota3A : vector<1000x128xi32>
    %convert_element_type3A = arith.extui %eq3A_2 : vector<1000x128xi1> to vector<1000x128xi32>
    %convert_element_type3A_3 = arith.sitofp %convert_element_type3A : vector<1000x128xi32> to vector<1000x128xf32>
    %get3A_4 = arith.constant 0 : index
    %get3A_5 = arith.constant 1 : index
    %get3A_6 = vector.load %arg1[%get3A_4, %get3A_5] : memref<1000x2xi32, #tpu.memory_space<vmem>>, vector<1000x1xi32>
    %eq3A_7 = vector.broadcast %get3A_6 : vector<1000x1xi32> to vector<1000x128xi32>
    %eq3A_8 = arith.cmpi eq, %eq3A_7, %iota3A : vector<1000x128xi32>
    %convert_element_type3A_9 = arith.extui %eq3A_8 : vector<1000x128xi1> to vector<1000x128xi32>
    %convert_element_type3A_10 = arith.sitofp %convert_element_type3A_9 : vector<1000x128xi32> to vector<1000x128xf32>
    %get3A_11 = arith.constant 0 : index
    %get3A_12 = arith.constant 0 : index
    %get3A_13 = vector.load %arg2[%get3A_11, %get3A_12] : memref<128x128xf32, #tpu.memory_space<vmem>>, vector<128x128xf32>
    %dot_general3A = arith.constant dense<0.000000e+00> : vector<1000x128xf32>
    %dot_general3A_14 = tpu.matmul %convert_element_type3A_3, %get3A_13, %dot_general3A {dimension_numbers = #tpu.dot_dimension_numbers<[1], [0], [0], [1], [0, 0, 1, 1], [], []>, transpose_lhs_hint = false} : vector<1000x128xf32>, vector<128x128xf32>, vector<1000x128xf32> -> vector<1000x128xf32>
    %get3A_15 = arith.constant 0 : index
    %get3A_16 = arith.constant 0 : index
    %get3A_17 = vector.load %arg3[%get3A_15, %get3A_16] : memref<128x128xf32, #tpu.memory_space<vmem>>, vector<128x128xf32>
    %dot_general3A_18 = arith.constant dense<0.000000e+00> : vector<1000x128xf32>
    %dot_general3A_19 = tpu.matmul %convert_element_type3A_10, %get3A_17, %dot_general3A_18 {dimension_numbers = #tpu.dot_dimension_numbers<[1], [0], [0], [1], [0, 0, 1, 1], [], []>, transpose_lhs_hint = false} : vector<1000x128xf32>, vector<128x128xf32>, vector<1000x128xf32> -> vector<1000x128xf32>
    %add3A = arith.addf %dot_general3A_14, %dot_general3A_19 : vector<1000x128xf32>
    %swap3A = arith.constant 0 : index
    %swap3A_20 = arith.constant 0 : index
    %swap3A_21 = vector.load %arg4[%swap3A, %swap3A_20] : memref<1000x128xf32, #tpu.memory_space<vmem>>, vector<1000x128xf32>
    tpu.vector_store %arg4[%swap3A, %swap3A_20], %add3A {strides = array<i32>} : memref<1000x128xf32, #tpu.memory_space<vmem>>, vector<1000x128xf32>,
    return
  }
  func.func @transform_0(%arg0: i32) -> (i32, i32) {
    %c0_i32 = arith.constant 0 : i32
    %c0_i32_0 = arith.constant 0 : i32
    return %arg0, %c0_i32 : i32, i32
  }
  func.func @transform_1(%arg0: i32) -> (i32, i32) {
    %c0_i32 = arith.constant 0 : i32
    %c0_i32_0 = arith.constant 0 : i32
    %c0_i32_1 = arith.constant 0 : i32
    return %c0_i32, %c0_i32_0 : i32, i32
  }
  func.func @transform_2(%arg0: i32) -> (i32, i32) {
    %c0_i32 = arith.constant 0 : i32
    %c0_i32_0 = arith.constant 0 : i32
    %c0_i32_1 = arith.constant 0 : i32
    return %c0_i32, %c0_i32_0 : i32, i32
  }
  func.func @transform_3(%arg0: i32) -> (i32, i32) {
    %c0_i32 = arith.constant 0 : i32
    %c0_i32_0 = arith.constant 0 : i32
    return %arg0, %c0_i32 : i32, i32
  }
}

module attributes {stable_mosaic.version = 14 : i64} {
  func.func @_layer_body(%arg0: i32, %arg1: memref<1000x128xf32, #tpu.memory_space<vmem>>, %arg2: memref<2x1000x128xf32, #tpu.memory_space<vmem>>, %arg3: memref<2x1000x128xf32, #tpu.memory_space<vmem>>, %arg4: memref<128x128xf32, #tpu.memory_space<vmem>>, %arg5: memref<128x128xf32, #tpu.memory_space<vmem>>, %arg6: memref<3x128xf32, #tpu.memory_space<vmem>>, %arg7: memref<1000x128xf32, #tpu.memory_space<vmem>>) attributes {dimension_semantics = [#tpu.dimension_semantics<arbitrary>], iteration_bounds = array<i64: 10>, scalar_prefetch = 0 : i64, scratch_operands = 0 : i64, tpu.core_type = #tpu.core_type<tc>, window_params = [{transform_indices = @transform_0, window_bounds = array<i64: 1000, 128>}, {transform_indices = @transform_1, window_bounds = array<i64: 2, 1000, 128>}, {transform_indices = @transform_2, window_bounds = array<i64: 2, 1000, 128>}, {pipeline_mode = #tpu.pipeline_mode<synchronous>, transform_indices = @transform_3, window_bounds = array<i64: 128, 128>}, {pipeline_mode = #tpu.pipeline_mode<synchronous>, transform_indices = @transform_4, window_bounds = array<i64: 128, 128>}, {pipeline_mode = #tpu.pipeline_mode<synchronous>, transform_indices = @transform_5, window_bounds = array<i64: 3, 128>}, {transform_indices = @transform_6, window_bounds = array<i64: 1000, 128>}]} {
    %get3A = arith.constant 0 : index
    %get3A_0 = arith.constant 0 : index
    %get3A_1 = arith.constant 0 : index
    %get3A_2 = vector.load %arg2[%get3A, %get3A_0, %get3A_1] : memref<2x1000x128xf32, #tpu.memory_space<vmem>>, vector<1x1000x128xf32>
    %get3A_3 = vector.shape_cast %get3A_2 : vector<1x1000x128xf32> to vector<1000x128xf32>
    %get3A_4 = arith.constant 1 : index
    %get3A_5 = arith.constant 0 : index
    %get3A_6 = arith.constant 0 : index
    %get3A_7 = vector.load %arg2[%get3A_4, %get3A_5, %get3A_6] : memref<2x1000x128xf32, #tpu.memory_space<vmem>>, vector<1x1000x128xf32>
    %get3A_8 = vector.shape_cast %get3A_7 : vector<1x1000x128xf32> to vector<1000x128xf32>
    %add3A = arith.addf %get3A_3, %get3A_8 : vector<1000x128xf32>
    %get3A_9 = arith.constant 0 : index
    %get3A_10 = arith.constant 0 : index
    %get3A_11 = vector.load %arg1[%get3A_9, %get3A_10] : memref<1000x128xf32, #tpu.memory_space<vmem>>, vector<1000x128xf32>
    %add3A_12 = arith.addf %add3A, %get3A_11 : vector<1000x128xf32>
    %get3A_13 = arith.constant 0 : index
    %get3A_14 = arith.constant 0 : index
    %get3A_15 = vector.load %arg4[%get3A_13, %get3A_14] : memref<128x128xf32, #tpu.memory_space<vmem>>, vector<128x128xf32>
    %dot_general3A = arith.constant dense<0.000000e+00> : vector<1000x128xf32>
    %dot_general3A_16 = tpu.matmul %add3A_12, %get3A_15, %dot_general3A {dimension_numbers = #tpu.dot_dimension_numbers<[1], [0], [0], [1], [0, 0, 1, 1], [], []>, transpose_lhs_hint = false} : vector<1000x128xf32>, vector<128x128xf32>, vector<1000x128xf32> -> vector<1000x128xf32>
    %get3A_17 = arith.constant 0 : index
    %get3A_18 = arith.constant 0 : index
    %get3A_19 = arith.constant 0 : index
    %get3A_20 = vector.load %arg3[%get3A_17, %get3A_18, %get3A_19] : memref<2x1000x128xf32, #tpu.memory_space<vmem>>, vector<1x1000x128xf32>
    %get3A_21 = vector.shape_cast %get3A_20 : vector<1x1000x128xf32> to vector<1000x128xf32>
    %get3A_22 = arith.constant 1 : index
    %get3A_23 = arith.constant 0 : index
    %get3A_24 = arith.constant 0 : index
    %get3A_25 = vector.load %arg3[%get3A_22, %get3A_23, %get3A_24] : memref<2x1000x128xf32, #tpu.memory_space<vmem>>, vector<1x1000x128xf32>
    %get3A_26 = vector.shape_cast %get3A_25 : vector<1x1000x128xf32> to vector<1000x128xf32>
    %add3A_27 = arith.addf %get3A_21, %get3A_26 : vector<1000x128xf32>
    %get3A_28 = arith.constant 0 : index
    %get3A_29 = arith.constant 0 : index
    %get3A_30 = vector.load %arg5[%get3A_28, %get3A_29] : memref<128x128xf32, #tpu.memory_space<vmem>>, vector<128x128xf32>
    %dot_general3A_31 = arith.constant dense<0.000000e+00> : vector<1000x128xf32>
    %dot_general3A_32 = tpu.matmul %add3A_27, %get3A_30, %dot_general3A_31 {dimension_numbers = #tpu.dot_dimension_numbers<[1], [0], [0], [1], [0, 0, 1, 1], [], []>, transpose_lhs_hint = false} : vector<1000x128xf32>, vector<128x128xf32>, vector<1000x128xf32> -> vector<1000x128xf32>
    %add3A_33 = arith.addf %dot_general3A_16, %dot_general3A_32 : vector<1000x128xf32>
    %get3A_34 = arith.constant 0 : index
    %get3A_35 = arith.constant 0 : index
    %get3A_36 = vector.load %arg6[%get3A_34, %get3A_35] : memref<3x128xf32, #tpu.memory_space<vmem>>, vector<1x128xf32>
    %add3A_37 = vector.broadcast %get3A_36 : vector<1x128xf32> to vector<1000x128xf32>
    %add3A_38 = arith.addf %add3A_33, %add3A_37 : vector<1000x128xf32>
    %get3A_39 = arith.constant 1 : index
    %get3A_40 = arith.constant 0 : index
    %get3A_41 = vector.load %arg6[%get3A_39, %get3A_40] : memref<3x128xf32, #tpu.memory_space<vmem>>, vector<1x128xf32>
    %mul3A = vector.broadcast %get3A_41 : vector<1x128xf32> to vector<1000x128xf32>
    %mul3A_42 = arith.mulf %add3A_38, %mul3A : vector<1000x128xf32>
    %get3A_43 = arith.constant 2 : index
    %get3A_44 = arith.constant 0 : index
    %get3A_45 = vector.load %arg6[%get3A_43, %get3A_44] : memref<3x128xf32, #tpu.memory_space<vmem>>, vector<1x128xf32>
    %add3A_46 = vector.broadcast %get3A_45 : vector<1x128xf32> to vector<1000x128xf32>
    %add3A_47 = arith.addf %mul3A_42, %add3A_46 : vector<1000x128xf32>
    %max3A = arith.constant 0.000000e+00 : f32
    %max3A_48 = vector.broadcast %max3A : f32 to vector<1000x128xf32>
    %max3A_49 = arith.maximumf %add3A_47, %max3A_48 : vector<1000x128xf32>
    %swap3A = arith.constant 0 : index
    %swap3A_50 = arith.constant 0 : index
    %swap3A_51 = vector.load %arg7[%swap3A, %swap3A_50] : memref<1000x128xf32, #tpu.memory_space<vmem>>, vector<1000x128xf32>
    tpu.vector_store %arg7[%swap3A, %swap3A_50], %max3A_49 {strides = array<i32>} : memref<1000x128xf32, #tpu.memory_space<vmem>>, vector<1000x128xf32>,
    return
  }
  func.func @transform_0(%arg0: i32) -> (i32, i32) {
    %c0_i32 = arith.constant 0 : i32
    %c0_i32_0 = arith.constant 0 : i32
    return %arg0, %c0_i32 : i32, i32
  }
  func.func @transform_1(%arg0: i32) -> (i32, i32, i32) {
    %c0_i32 = arith.constant 0 : i32
    %c0_i32_0 = arith.constant 0 : i32
    %c0_i32_1 = arith.constant 0 : i32
    return %c0_i32, %arg0, %c0_i32_0 : i32, i32, i32
  }
  func.func @transform_2(%arg0: i32) -> (i32, i32, i32) {
    %c0_i32 = arith.constant 0 : i32
    %c0_i32_0 = arith.constant 0 : i32
    %c0_i32_1 = arith.constant 0 : i32
    return %c0_i32, %arg0, %c0_i32_0 : i32, i32, i32
  }
  func.func @transform_3(%arg0: i32) -> (i32, i32) {
    %c0_i32 = arith.constant 0 : i32
    %c0_i32_0 = arith.constant 0 : i32
    %c0_i32_1 = arith.constant 0 : i32
    return %c0_i32, %c0_i32_0 : i32, i32
  }
  func.func @transform_4(%arg0: i32) -> (i32, i32) {
    %c0_i32 = arith.constant 0 : i32
    %c0_i32_0 = arith.constant 0 : i32
    %c0_i32_1 = arith.constant 0 : i32
    return %c0_i32, %c0_i32_0 : i32, i32
  }
  func.func @transform_5(%arg0: i32) -> (i32, i32) {
    %c0_i32 = arith.constant 0 : i32
    %c0_i32_0 = arith.constant 0 : i32
    %c0_i32_1 = arith.constant 0 : i32
    return %c0_i32, %c0_i32_0 : i32, i32
  }
  func.func @transform_6(%arg0: i32) -> (i32, i32) {
    %c0_i32 = arith.constant 0 : i32
    %c0_i32_0 = arith.constant 0 : i32
    return %arg0, %c0_i32 : i32, i32
  }
}

module attributes {stable_mosaic.version = 14 : i64} {
  func.func @_layer_body(%arg0: i32, %arg1: memref<1000x128xf32, #tpu.memory_space<vmem>>, %arg2: memref<2x1000x128xf32, #tpu.memory_space<vmem>>, %arg3: memref<2x1000x128xf32, #tpu.memory_space<vmem>>, %arg4: memref<128x128xf32, #tpu.memory_space<vmem>>, %arg5: memref<128x128xf32, #tpu.memory_space<vmem>>, %arg6: memref<3x128xf32, #tpu.memory_space<vmem>>, %arg7: memref<1000x128xf32, #tpu.memory_space<vmem>>) attributes {dimension_semantics = [#tpu.dimension_semantics<arbitrary>], iteration_bounds = array<i64: 10>, scalar_prefetch = 0 : i64, scratch_operands = 0 : i64, tpu.core_type = #tpu.core_type<tc>, window_params = [{transform_indices = @transform_0, window_bounds = array<i64: 1000, 128>}, {transform_indices = @transform_1, window_bounds = array<i64: 2, 1000, 128>}, {transform_indices = @transform_2, window_bounds = array<i64: 2, 1000, 128>}, {pipeline_mode = #tpu.pipeline_mode<synchronous>, transform_indices = @transform_3, window_bounds = array<i64: 128, 128>}, {pipeline_mode = #tpu.pipeline_mode<synchronous>, transform_indices = @transform_4, window_bounds = array<i64: 128, 128>}, {pipeline_mode = #tpu.pipeline_mode<synchronous>, transform_indices = @transform_5, window_bounds = array<i64: 3, 128>}, {transform_indices = @transform_6, window_bounds = array<i64: 1000, 128>}]} {
    %get3A = arith.constant 0 : index
    %get3A_0 = arith.constant 0 : index
    %get3A_1 = arith.constant 0 : index
    %get3A_2 = vector.load %arg2[%get3A, %get3A_0, %get3A_1] : memref<2x1000x128xf32, #tpu.memory_space<vmem>>, vector<1x1000x128xf32>
    %get3A_3 = vector.shape_cast %get3A_2 : vector<1x1000x128xf32> to vector<1000x128xf32>
    %get3A_4 = arith.constant 1 : index
    %get3A_5 = arith.constant 0 : index
    %get3A_6 = arith.constant 0 : index
    %get3A_7 = vector.load %arg2[%get3A_4, %get3A_5, %get3A_6] : memref<2x1000x128xf32, #tpu.memory_space<vmem>>, vector<1x1000x128xf32>
    %get3A_8 = vector.shape_cast %get3A_7 : vector<1x1000x128xf32> to vector<1000x128xf32>
    %add3A = arith.addf %get3A_3, %get3A_8 : vector<1000x128xf32>
    %get3A_9 = arith.constant 0 : index
    %get3A_10 = arith.constant 0 : index
    %get3A_11 = vector.load %arg1[%get3A_9, %get3A_10] : memref<1000x128xf32, #tpu.memory_space<vmem>>, vector<1000x128xf32>
    %add3A_12 = arith.addf %add3A, %get3A_11 : vector<1000x128xf32>
    %get3A_13 = arith.constant 0 : index
    %get3A_14 = arith.constant 0 : index
    %get3A_15 = vector.load %arg4[%get3A_13, %get3A_14] : memref<128x128xf32, #tpu.memory_space<vmem>>, vector<128x128xf32>
    %dot_general3A = arith.constant dense<0.000000e+00> : vector<1000x128xf32>
    %dot_general3A_16 = tpu.matmul %add3A_12, %get3A_15, %dot_general3A {dimension_numbers = #tpu.dot_dimension_numbers<[1], [0], [0], [1], [0, 0, 1, 1], [], []>, transpose_lhs_hint = false} : vector<1000x128xf32>, vector<128x128xf32>, vector<1000x128xf32> -> vector<1000x128xf32>
    %get3A_17 = arith.constant 0 : index
    %get3A_18 = arith.constant 0 : index
    %get3A_19 = arith.constant 0 : index
    %get3A_20 = vector.load %arg3[%get3A_17, %get3A_18, %get3A_19] : memref<2x1000x128xf32, #tpu.memory_space<vmem>>, vector<1x1000x128xf32>
    %get3A_21 = vector.shape_cast %get3A_20 : vector<1x1000x128xf32> to vector<1000x128xf32>
    %get3A_22 = arith.constant 1 : index
    %get3A_23 = arith.constant 0 : index
    %get3A_24 = arith.constant 0 : index
    %get3A_25 = vector.load %arg3[%get3A_22, %get3A_23, %get3A_24] : memref<2x1000x128xf32, #tpu.memory_space<vmem>>, vector<1x1000x128xf32>
    %get3A_26 = vector.shape_cast %get3A_25 : vector<1x1000x128xf32> to vector<1000x128xf32>
    %add3A_27 = arith.addf %get3A_21, %get3A_26 : vector<1000x128xf32>
    %get3A_28 = arith.constant 0 : index
    %get3A_29 = arith.constant 0 : index
    %get3A_30 = vector.load %arg5[%get3A_28, %get3A_29] : memref<128x128xf32, #tpu.memory_space<vmem>>, vector<128x128xf32>
    %dot_general3A_31 = arith.constant dense<0.000000e+00> : vector<1000x128xf32>
    %dot_general3A_32 = tpu.matmul %add3A_27, %get3A_30, %dot_general3A_31 {dimension_numbers = #tpu.dot_dimension_numbers<[1], [0], [0], [1], [0, 0, 1, 1], [], []>, transpose_lhs_hint = false} : vector<1000x128xf32>, vector<128x128xf32>, vector<1000x128xf32> -> vector<1000x128xf32>
    %add3A_33 = arith.addf %dot_general3A_16, %dot_general3A_32 : vector<1000x128xf32>
    %get3A_34 = arith.constant 0 : index
    %get3A_35 = arith.constant 0 : index
    %get3A_36 = vector.load %arg6[%get3A_34, %get3A_35] : memref<3x128xf32, #tpu.memory_space<vmem>>, vector<1x128xf32>
    %add3A_37 = vector.broadcast %get3A_36 : vector<1x128xf32> to vector<1000x128xf32>
    %add3A_38 = arith.addf %add3A_33, %add3A_37 : vector<1000x128xf32>
    %get3A_39 = arith.constant 1 : index
    %get3A_40 = arith.constant 0 : index
    %get3A_41 = vector.load %arg6[%get3A_39, %get3A_40] : memref<3x128xf32, #tpu.memory_space<vmem>>, vector<1x128xf32>
    %mul3A = vector.broadcast %get3A_41 : vector<1x128xf32> to vector<1000x128xf32>
    %mul3A_42 = arith.mulf %add3A_38, %mul3A : vector<1000x128xf32>
    %get3A_43 = arith.constant 2 : index
    %get3A_44 = arith.constant 0 : index
    %get3A_45 = vector.load %arg6[%get3A_43, %get3A_44] : memref<3x128xf32, #tpu.memory_space<vmem>>, vector<1x128xf32>
    %add3A_46 = vector.broadcast %get3A_45 : vector<1x128xf32> to vector<1000x128xf32>
    %add3A_47 = arith.addf %mul3A_42, %add3A_46 : vector<1000x128xf32>
    %swap3A = arith.constant 0 : index
    %swap3A_48 = arith.constant 0 : index
    %swap3A_49 = vector.load %arg7[%swap3A, %swap3A_48] : memref<1000x128xf32, #tpu.memory_space<vmem>>, vector<1000x128xf32>
    tpu.vector_store %arg7[%swap3A, %swap3A_48], %add3A_47 {strides = array<i32>} : memref<1000x128xf32, #tpu.memory_space<vmem>>, vector<1000x128xf32>,
    return
  }
  func.func @transform_0(%arg0: i32) -> (i32, i32) {
    %c0_i32 = arith.constant 0 : i32
    %c0_i32_0 = arith.constant 0 : i32
    return %arg0, %c0_i32 : i32, i32
  }
  func.func @transform_1(%arg0: i32) -> (i32, i32, i32) {
    %c0_i32 = arith.constant 0 : i32
    %c0_i32_0 = arith.constant 0 : i32
    %c0_i32_1 = arith.constant 0 : i32
    return %c0_i32, %arg0, %c0_i32_0 : i32, i32, i32
  }
  func.func @transform_2(%arg0: i32) -> (i32, i32, i32) {
    %c0_i32 = arith.constant 0 : i32
    %c0_i32_0 = arith.constant 0 : i32
    %c0_i32_1 = arith.constant 0 : i32
    return %c0_i32, %arg0, %c0_i32_0 : i32, i32, i32
  }
  func.func @transform_3(%arg0: i32) -> (i32, i32) {
    %c0_i32 = arith.constant 0 : i32
    %c0_i32_0 = arith.constant 0 : i32
    %c0_i32_1 = arith.constant 0 : i32
    return %c0_i32, %c0_i32_0 : i32, i32
  }
  func.func @transform_4(%arg0: i32) -> (i32, i32) {
    %c0_i32 = arith.constant 0 : i32
    %c0_i32_0 = arith.constant 0 : i32
    %c0_i32_1 = arith.constant 0 : i32
    return %c0_i32, %c0_i32_0 : i32, i32
  }
  func.func @transform_5(%arg0: i32) -> (i32, i32) {
    %c0_i32 = arith.constant 0 : i32
    %c0_i32_0 = arith.constant 0 : i32
    %c0_i32_1 = arith.constant 0 : i32
    return %c0_i32, %c0_i32_0 : i32, i32
  }
  func.func @transform_6(%arg0: i32) -> (i32, i32) {
    %c0_i32 = arith.constant 0 : i32
    %c0_i32_0 = arith.constant 0 : i32
    return %arg0, %c0_i32 : i32, i32
  }
}

module attributes {stable_mosaic.version = 14 : i64} {
  func.func @_pool_body(%arg0: i32, %arg1: memref<1000x1xi32, #tpu.memory_space<vmem>>, %arg2: memref<1000x128xf32, #tpu.memory_space<vmem>>, %arg3: memref<128x512xf32, #tpu.memory_space<vmem>>, %arg4: memref<1x512xf32, #tpu.memory_space<vmem>>, %arg5: memref<128x512xf32, #tpu.memory_space<vmem>>, %arg6: memref<128x128xf32, #tpu.memory_space<vmem>>, %arg7: memref<128x128xf32, #tpu.memory_space<vmem>>) attributes {dimension_semantics = [#tpu.dimension_semantics<arbitrary>], iteration_bounds = array<i64: 10>, scalar_prefetch = 0 : i64, scratch_operands = 2 : i64, tpu.core_type = #tpu.core_type<tc>, window_params = [{transform_indices = @transform_0, window_bounds = array<i64: 1000, 1>}, {transform_indices = @transform_1, window_bounds = array<i64: 1000, 128>}, {pipeline_mode = #tpu.pipeline_mode<synchronous>, transform_indices = @transform_2, window_bounds = array<i64: 128, 512>}, {pipeline_mode = #tpu.pipeline_mode<synchronous>, transform_indices = @transform_3, window_bounds = array<i64: 1, 512>}, {pipeline_mode = #tpu.pipeline_mode<synchronous>, transform_indices = @transform_4, window_bounds = array<i64: 128, 512>}]} {
    %eq3A = arith.constant 0 : i32
    %eq3A_0 = arith.cmpi eq, %arg0, %eq3A : i32
    %convert_element_type3A = arith.extui %eq3A_0 : i1 to i32
    %cond3A = arith.constant 0 : i32
    %cond3A_1 = arith.cmpi ne, %convert_element_type3A, %cond3A : i32
    scf.if %cond3A_1 {
      %broadcast_in_dim3A_32 = arith.constant 0.000000e+00 : f32
      %broadcast_in_dim3A_33 = vector.broadcast %broadcast_in_dim3A_32 : f32 to vector<128x128xf32>
      %swap3A_34 = arith.constant 0 : index
      %swap3A_35 = arith.constant 0 : index
      %swap3A_36 = vector.load %arg6[%swap3A_34, %swap3A_35] : memref<128x128xf32, #tpu.memory_space<vmem>>, vector<128x128xf32>
      tpu.vector_store %arg6[%swap3A_34, %swap3A_35], %broadcast_in_dim3A_33 {strides = array<i32>} : memref<128x128xf32, #tpu.memory_space<vmem>>, vector<128x128xf32>,
      %broadcast_in_dim3A_37 = arith.constant 0.000000e+00 : f32
      %broadcast_in_dim3A_38 = vector.broadcast %broadcast_in_dim3A_37 : f32 to vector<128x128xf32>
      %swap3A_39 = arith.constant 0 : index
      %swap3A_40 = arith.constant 0 : index
      %swap3A_41 = vector.load %arg7[%swap3A_39, %swap3A_40] : memref<128x128xf32, #tpu.memory_space<vmem>>, vector<128x128xf32>
      tpu.vector_store %arg7[%swap3A_39, %swap3A_40], %broadcast_in_dim3A_38 {strides = array<i32>} : memref<128x128xf32, #tpu.memory_space<vmem>>, vector<128x128xf32>,
    } else {
    }
    %iota3A = tpu.iota {dimensions = array<i32: 1>} : vector<1000x128xi32>
    %get3A = arith.constant 0 : index
    %get3A_2 = arith.constant 0 : index
    %get3A_3 = vector.load %arg1[%get3A, %get3A_2] : memref<1000x1xi32, #tpu.memory_space<vmem>>, vector<1000x1xi32>
    %eq3A_4 = vector.broadcast %get3A_3 : vector<1000x1xi32> to vector<1000x128xi32>
    %eq3A_5 = arith.cmpi eq, %eq3A_4, %iota3A : vector<1000x128xi32>
    %convert_element_type3A_6 = arith.extui %eq3A_5 : vector<1000x128xi1> to vector<1000x128xi32>
    %convert_element_type3A_7 = arith.sitofp %convert_element_type3A_6 : vector<1000x128xi32> to vector<1000x128xf32>
    %get3A_8 = arith.constant 0 : index
    %get3A_9 = arith.constant 0 : index
    %get3A_10 = vector.load %arg6[%get3A_8, %get3A_9] : memref<128x128xf32, #tpu.memory_space<vmem>>, vector<128x128xf32>
    %get3A_11 = arith.constant 0 : index
    %get3A_12 = arith.constant 0 : index
    %get3A_13 = vector.load %arg2[%get3A_11, %get3A_12] : memref<1000x128xf32, #tpu.memory_space<vmem>>, vector<1000x128xf32>
    %dot_general3A = arith.constant dense<0.000000e+00> : vector<128x128xf32>
    %dot_general3A_14 = tpu.matmul %convert_element_type3A_7, %get3A_13, %dot_general3A {dimension_numbers = #tpu.dot_dimension_numbers<[0], [0], [1], [1], [0, 1, 1, 1], [], []>, transpose_lhs_hint = false} : vector<1000x128xf32>, vector<1000x128xf32>, vector<128x128xf32> -> vector<128x128xf32>
    %add3A = arith.addf %get3A_10, %dot_general3A_14 : vector<128x128xf32>
    %swap3A = arith.constant 0 : index
    %swap3A_15 = arith.constant 0 : index
    %swap3A_16 = vector.load %arg6[%swap3A, %swap3A_15] : memref<128x128xf32, #tpu.memory_space<vmem>>, vector<128x128xf32>
    tpu.vector_store %arg6[%swap3A, %swap3A_15], %add3A {strides = array<i32>} : memref<128x128xf32, #tpu.memory_space<vmem>>, vector<128x128xf32>,
    %get3A_17 = arith.constant 0 : index
    %get3A_18 = arith.constant 0 : index
    %get3A_19 = vector.load %arg7[%get3A_17, %get3A_18] : memref<128x128xf32, #tpu.memory_space<vmem>>, vector<128x128xf32>
    %broadcast_in_dim3A = arith.constant 1.000000e+00 : f32
    %broadcast_in_dim3A_20 = vector.broadcast %broadcast_in_dim3A : f32 to vector<1000x128xf32>
    %dot_general3A_21 = arith.constant dense<0.000000e+00> : vector<128x128xf32>
    %dot_general3A_22 = tpu.matmul %convert_element_type3A_7, %broadcast_in_dim3A_20, %dot_general3A_21 {dimension_numbers = #tpu.dot_dimension_numbers<[0], [0], [1], [1], [0, 1, 1, 1], [], []>, transpose_lhs_hint = false} : vector<1000x128xf32>, vector<1000x128xf32>, vector<128x128xf32> -> vector<128x128xf32>
    %add3A_23 = arith.addf %get3A_19, %dot_general3A_22 : vector<128x128xf32>
    %swap3A_24 = arith.constant 0 : index
    %swap3A_25 = arith.constant 0 : index
    %swap3A_26 = vector.load %arg7[%swap3A_24, %swap3A_25] : memref<128x128xf32, #tpu.memory_space<vmem>>, vector<128x128xf32>
    tpu.vector_store %arg7[%swap3A_24, %swap3A_25], %add3A_23 {strides = array<i32>} : memref<128x128xf32, #tpu.memory_space<vmem>>, vector<128x128xf32>,
    %eq3A_27 = arith.constant 9 : i32
    %eq3A_28 = arith.cmpi eq, %arg0, %eq3A_27 : i32
    %convert_element_type3A_29 = arith.extui %eq3A_28 : i1 to i32
    %cond3A_30 = arith.constant 0 : i32
    %cond3A_31 = arith.cmpi ne, %convert_element_type3A_29, %cond3A_30 : i32
    scf.if %cond3A_31 {
      %get3A_32 = arith.constant 0 : index
      %get3A_33 = arith.constant 0 : index
      %get3A_34 = vector.load %arg6[%get3A_32, %get3A_33] : memref<128x128xf32, #tpu.memory_space<vmem>>, vector<128x128xf32>
      %get3A_35 = arith.constant 0 : index
      %get3A_36 = arith.constant 0 : index
      %get3A_37 = vector.load %arg7[%get3A_35, %get3A_36] : memref<128x128xf32, #tpu.memory_space<vmem>>, vector<128x128xf32>
      %max3A = arith.constant 1.000000e+00 : f32
      %max3A_38 = vector.broadcast %max3A : f32 to vector<128x128xf32>
      %max3A_39 = arith.maximumf %get3A_37, %max3A_38 : vector<128x128xf32>
      %div3A = arith.divf %get3A_34, %max3A_39 : vector<128x128xf32>
      %get3A_40 = arith.constant 0 : index
      %get3A_41 = arith.constant 0 : index
      %get3A_42 = vector.load %arg3[%get3A_40, %get3A_41] : memref<128x512xf32, #tpu.memory_space<vmem>>, vector<128x512xf32>
      %dot_general3A_43 = arith.constant dense<0.000000e+00> : vector<128x512xf32>
      %dot_general3A_44 = tpu.matmul %div3A, %get3A_42, %dot_general3A_43 {dimension_numbers = #tpu.dot_dimension_numbers<[1], [0], [0], [1], [0, 0, 1, 1], [], []>, transpose_lhs_hint = false} : vector<128x128xf32>, vector<128x512xf32>, vector<128x512xf32> -> vector<128x512xf32>
      %get3A_45 = arith.constant 0 : index
      %get3A_46 = arith.constant 0 : index
      %get3A_47 = vector.load %arg4[%get3A_45, %get3A_46] : memref<1x512xf32, #tpu.memory_space<vmem>>, vector<1x512xf32>
      %add3A_48 = vector.broadcast %get3A_47 : vector<1x512xf32> to vector<128x512xf32>
      %add3A_49 = arith.addf %dot_general3A_44, %add3A_48 : vector<128x512xf32>
      %swap3A_50 = arith.constant 0 : index
      %swap3A_51 = arith.constant 0 : index
      %swap3A_52 = vector.load %arg5[%swap3A_50, %swap3A_51] : memref<128x512xf32, #tpu.memory_space<vmem>>, vector<128x512xf32>
      tpu.vector_store %arg5[%swap3A_50, %swap3A_51], %add3A_49 {strides = array<i32>} : memref<128x512xf32, #tpu.memory_space<vmem>>, vector<128x512xf32>,
    } else {
    }
    return
  }
  func.func @transform_0(%arg0: i32) -> (i32, i32) {
    %c0_i32 = arith.constant 0 : i32
    %c0_i32_0 = arith.constant 0 : i32
    return %arg0, %c0_i32 : i32, i32
  }
  func.func @transform_1(%arg0: i32) -> (i32, i32) {
    %c0_i32 = arith.constant 0 : i32
    %c0_i32_0 = arith.constant 0 : i32
    return %arg0, %c0_i32 : i32, i32
  }
  func.func @transform_2(%arg0: i32) -> (i32, i32) {
    %c0_i32 = arith.constant 0 : i32
    %c0_i32_0 = arith.constant 0 : i32
    %c0_i32_1 = arith.constant 0 : i32
    return %c0_i32, %c0_i32_0 : i32, i32
  }
  func.func @transform_3(%arg0: i32) -> (i32, i32) {
    %c0_i32 = arith.constant 0 : i32
    %c0_i32_0 = arith.constant 0 : i32
    %c0_i32_1 = arith.constant 0 : i32
    return %c0_i32, %c0_i32_0 : i32, i32
  }
  func.func @transform_4(%arg0: i32) -> (i32, i32) {
    %c0_i32 = arith.constant 0 : i32
    %c0_i32_0 = arith.constant 0 : i32
    %c0_i32_1 = arith.constant 0 : i32
    return %c0_i32, %c0_i32_0 : i32, i32
  }
}

</mosaic_0001>

<sc_bundles>
// kernel: kernel.15.cloned.1.call-start
scs
__scs_entry_jumppad:
0x0: {  	(pc) =	sbr.rel $0x88, $3  }
0x1: {  	(tag) =	ssettag $0x0;
	lr =	simm.s32 $0x1  }
0x2: {  	[smem:$0x3F93] =	sst lr;
	_ =	strace $0xD0000000  }
0x3: {  	_ = 	snop  }
0x4: {  	_ = 	snop  }
0x5: {  	_ = 	snop  }
0x6: {  	_ = 	snop  }
0x7: {  	_ = 	snop  }
__scs_overlays_trampoline_lowered:
0x8: {  	[smem:$0x3FA2] =	sst s0  }
0x9: {  	[smem:$0x3FA3] =	sst s1  }
0xa: {  	[smem:$0x3FA4] =	sst s2  }
0xb: {  	[smem:$0x3FA5] =	sst s3  }
0xc: {  	[smem:$0x3FA6] =	sst s4  }
0xd: {  	[smem:$0x3FA7] =	sst s5  }
0xe: {  	[smem:$0x3FA8] =	sst s6  }
0xf: {  	[smem:$0x3FA9] =	sst s7  }
0x10: {  	[smem:$0x3FAA] =	sst s8  }
0x11: {  	[smem:$0x3FAB] =	sst s9;
	s0 =	simm.s32 @!p0 $0x0  }
0x12: {  	s1 =	sld [smem:$0x3F91];
	s0 =	simm.s32 @p0 $0x1  }
0x13: {  	[smem:$0x3FAC] =	sst s0;
	s0 =	simm.s32 @!p1 $0x0  }
0x14: {  	s2 =	sld [smem:$0x3F90];
	s0 =	simm.s32 @p1 $0x1  }
0x15: {  	[smem:$0x3FAD] =	sst s0;
	s0 =	simm.s32 @!p2 $0x0  }
0x16: {  	s3 =	sld [smem:$0x3FDB];
	s0 =	simm.s32 @p2 $0x1  }
0x17: {  	s4 =	simm.s32 $0x1BF5;
	[smem:$0x3FAF] =	sst s0  }
0x18: {  	s0 =	sld [smem:$0x3F92];
	_ =	swait.ge [sflag:s4], $0x0  }
0x19: {  	s7 =	sld [smem:$0x3F93]  }
0x1a: {  	s8 =	sadd.s32 $0xFFFFE003, lr  }
0x1b: {  	s9 =	sadd.s32 $0xFFFFFEF7, lr;
	s5 =	simm.s32 $0xFFFFFFFF;
	p2 =	slt.u32 s8, $0xFFFFF086  }
0x1c: {  	p1 =	slt.u32 s9, $0xF7A;
	s5 =	simm.s32 @!p2 $0x0  }
0x1d: {  	s5 =	simm.s32 @p1 $0x1;
	p0 =	seq.s32 s7, s2  }
0x1e: {  	s7 =	smul.u32 @!p0 $0xF7A, s2;
	p2 =	seq.s32 @!p0 s5, $0x0  }
0x1f: {  	s9 =	smul.u32 $0xF7A, s1;
	s8 =	simm.s32 @!p0 $0x1BF5;
	p2 =	por !p2, p0  }
0x20: {  	[sflag:s8] =	ssyncset.s32 @!p0 $0xFFFFF086;
	s6 =	sadd.s32 @!p0 s3, s7;
	s7 =	simm.s32 @!p0 $0x108  }
0x21: {  	s3 =	sadd.s32 s3, s9;
	s6 =	sadd.s32 @!p0 $0x88, s6;
	s7 =	simm.s32 @p2 $0x1082  }
0x22: {  	[simem:s7], [sflag:s8] =	dma.local @!p0 [hbm:s6], $0xF7A  }
0x23: {  	s9 =	sor.u32 $0xD0000000, s2;
	s6 =	simm.s32 $0x108;
	_ =	swait.ge @!p0 [sflag:s8], $0x0  }
0x24: {  	s3 =	sadd.s32 $0x88, s3;
	s6 =	simm.s32 @!p1 $0x1082;
	[sflag:s4] =	ssyncset.s32 $0xFFFFF086  }
0x25: {  	[simem:s6], [sflag:s4] =	dma.local [hbm:s3], $0xF7A  }
0x26: {  	[smem:$0x3F93] =	sst s1;
	(tag) =	ssettag s2;
	_ =	strace s9  }
0x27: {  	s1 =	sld [smem:$0x3FA3]  }
0x28: {  	s2 =	sld [smem:$0x3FA4]  }
0x29: {  	s4 =	sld [smem:$0x3FA6]  }
0x2a: {  	p0 =	seq.s32 s5, $0x0;
	s5 =	sld [smem:$0x3FA7]  }
0x2b: {  	s6 =	sld [smem:$0x3FA8]  }
0x2c: {  	s7 =	sld [smem:$0x3FA9]  }
0x2d: {  	s3 =	simm.s32 $0x108;
	s8 =	sld [smem:$0x3FAA]  }
0x2e: {  	s3 =	simm.s32 @!p0 $0x1082;
	s9 =	sld [smem:$0x3FAB]  }
0x2f: {  	lr =	sadd.s32 s0, s3;
	s0 =	sld [smem:$0x3FA2]  }
0x30: {  	s3 =	sld [smem:$0x3FA5]  }
0x31: {  	[smem:$0x3FAE] =	sst s10  }
0x32: {  	s10 =	sld [smem:$0x3FAC];
	_ =	sdelay $0x3  }
0x33: {  	p0 =	seq.s32 s10, $0x1;
	s10 =	sld [smem:$0x3FAE];
	_ =	sdelay $0x3  }
0x34: {  	[smem:$0x3FAE] =	sst s10  }
0x35: {  	s10 =	sld [smem:$0x3FAD];
	_ =	sdelay $0x3  }
0x36: {  	p1 =	seq.s32 s10, $0x1;
	s10 =	sld [smem:$0x3FAE];
	_ =	sdelay $0x3  }
0x37: {  	[smem:$0x3FAE] =	sst s10  }
0x38: {  	s10 =	sld [smem:$0x3FAF]  }
0x39: {  	_ = 	snop;
	(pc) =	sbr.ind lr, $3  }
0x3a: {  	_ = 	snop  }
0x3b: {  	_ = 	snop  }
0x3c: {  	p2 =	seq.s32 s10, $0x1;
	s10 =	sld [smem:$0x3FAE]  }
0x3d: {  	_ =	shalt  }
0x3e: {  	_ =	shalt  }
0x3f: {  	_ =	shalt  }
0x40: {  	_ =	shalt  }
0x41: {  	_ =	shalt  }
0x42: {  	_ =	shalt  }
0x43: {  	_ =	shalt  }
0x44: {  	_ =	shalt  }
0x45: {  	_ =	shalt  }
0x46: {  	_ =	shalt  }
0x47: {  	_ =	shalt  }
0x48: {  	_ =	shalt  }
0x49: {  	_ =	shalt  }
0x4a: {  	_ =	shalt  }
0x4b: {  	_ =	shalt  }
0x4c: {  	_ =	shalt  }
0x4d: {  	_ =	shalt  }
0x4e: {  	_ =	shalt  }
0x4f: {  	_ =	shalt  }
0x50: {  	_ =	shalt  }
0x51: {  	_ =	shalt  }
0x52: {  	_ =	shalt  }
0x53: {  	_ =	shalt  }
0x54: {  	_ =	shalt  }
0x55: {  	_ =	shalt  }
0x56: {  	_ =	shalt  }
0x57: {  	_ =	shalt  }
0x58: {  	_ =	shalt  }
0x59: {  	_ =	shalt  }
0x5a: {  	_ =	shalt  }
0x5b: {  	_ =	shalt  }
0x5c: {  	_ =	shalt  }
0x5d: {  	_ =	shalt  }
0x5e: {  	_ =	shalt  }
0x5f: {  	_ =	shalt  }
0x60: {  	_ =	shalt  }
0x61: {  	_ =	shalt  }
0x62: {  	_ =	shalt  }
0x63: {  	_ =	shalt  }
0x64: {  	_ =	shalt  }
0x65: {  	_ =	shalt  }
0x66: {  	_ =	shalt  }
0x67: {  	_ =	shalt  }
0x68: {  	_ =	shalt  }
0x69: {  	_ =	shalt  }
0x6a: {  	_ =	shalt  }
0x6b: {  	_ =	shalt  }
0x6c: {  	_ =	shalt  }
0x6d: {  	_ =	shalt  }
0x6e: {  	_ =	shalt  }
0x6f: {  	_ =	shalt  }
0x70: {  	_ =	shalt  }
0x71: {  	_ =	shalt  }
0x72: {  	_ =	shalt  }
0x73: {  	_ =	shalt  }
0x74: {  	_ =	shalt  }
0x75: {  	_ =	shalt  }
0x76: {  	_ =	shalt  }
0x77: {  	_ =	shalt  }
0x78: {  	_ =	shalt  }
0x79: {  	_ =	shalt  }
0x7a: {  	_ =	shalt  }
0x7b: {  	_ =	shalt  }
0x7c: {  	_ =	shalt  }
0x7d: {  	_ =	shalt  }
0x7e: {  	_ =	shalt  }
0x7f: {  	_ =	shalt  }
0x80: {  	_ =	shalt  }
0x81: {  	_ =	shalt  }
0x82: {  	_ =	shalt  }
0x83: {  	_ =	shalt  }
0x84: {  	_ =	shalt  }
0x85: {  	_ =	shalt  }
0x86: {  	_ =	shalt  }
0x87: {  	_ =	shalt  }
.Lfunc_end0:
.L_simem_size_0:
called_computation_lowered:
.L_overlay_start_0:
0x88: {  	s2 =	sld [smem:$0x3FD9]  }
0x89: {  	s3 =	sld [smem:$0x3FFE];
	_ =	sdelay $0x1  }
0x8a: {  	s1 =	srdreg.scid  }
0x8b: {  	s0 =	sand.u32 $0x1, s1  }
0x8c: {  	s17 =	sshll.u32 s0, $0xA;
	s2 =	sadd.s32 s3, s2  }
0x8d: {  	s2 =	sadd.s32 s2, s17  }
0x8e: {  	[smem:$0x3FBA] =	sst s2  }
0x8f: {  	_ = 	snop  }
0x90: {  	s18 =	sld [smem:$0x3FD0];
	(tm) =	ssettm $0x1  }
0x91: {  	s19 =	sld [smem:$0x3FFB];
	_ =	sdelay $0x3  }
0x92: {  	_ =	strace s19  }
0x93: {  	s2 =	sld [smem:$0x3FFC];
	_ =	sdelay $0x3  }
0x94: {  	_ =	strace s2  }
0x95: {  	s2 =	sld [smem:$0x3FFD];
	_ =	sdelay $0x3  }
0x96: {  	_ =	strace s2  }
0x97: {  	_ =	strace $0x8FFFFFFF  }
0x98: {  	s20 =	sld [smem:$0x3FDB];
	_ =	sdelay $0x1  }
0x99: {  	s4 =	simm.s32 $_scs_section_size  }
0x9a: {  	s5 =	simm.s32 $_size__tile_overlayer_lowered;
	s6 =	simm.s32 $_tile_overlayer_lowered  }
0x9b: {  	s7 =	simm.s32 $0x1BFF;
	s21 =	sshll.u32 s6, $0x1;
	s4 =	sadd.s32 s4, s20  }
0x9c: {  	s22 =	simm.s32 $0x0;
	s5 =	sshll.u32 s5, $0x1;
	s6 =	sadd.s32 s21, s4  }
0x9d: {  	[timem:s22], [sflag:s7] =	dma.local [hbm:s6], s5  }
0x9e: {  	_ =	swait.ge [sflag:s7], s5  }
0x9f: {  	s5 =	ssub.s32 $0x0, s5;
	[sflag:s7] =	ssyncset.done $0x0  }
0xa0: {  	[sflag:s7] =	ssyncadd.s32 s5;
	_ =	sdelay $0x1  }
0xa1: {  	s23 =	simm.s32 $0x1B8B  }
0xa2: {  	_ =	swait.ge [sflag:s23], $0x1  }
0xa3: {  	[sflag:s23] =	ssyncset.done $0x0  }
0xa4: {  	[sflag:s23] =	ssyncadd.s32 $0xFFFFFFFF  }
0xa5: {  	s5 =	sld [smem:$0x0]  }
0xa6: {  	s6 =	sand.u32 $0xFFFFFFFE, s1  }
0xa7: {  	p0 =	sne.s32 s1, s6  }
0xa8: {  	s6 =	sshll.u32 @p0 s6, $0xE  }
0xa9: {  	s6 =	sadd.s32 @p0 $0x11B8D, s6;
	s7 =	sshll.u32 @p0 s5, $0x11  }
0xaa: {  	s6 =	sor.u32 @p0 s7, s6  }
0xab: {  	[sflag:s6] =	ssyncadd.remote.s32 @p0 $0x1;
	_ =	sdelay $0x1  }
0xac: {  	s6 =	simm.s32 @p0 $0x1B8D  }
0xad: {  	_ =	swait.eq @p0 [sflag:s6], $0x1  }
0xae: {  	[sflag:s6] =	ssyncadd.s32 @p0 $0xFFFFFFFF  }
0xaf: {  	s7 =	sshll.u32 @!p0 s1, $0xE  }
0xb0: {  	s7 =	sor.u32 @!p0 $0x4000, s7;
	s6 =	simm.s32 @!p0 $0x1B8D  }
0xb1: {  	s5 =	sshll.u32 @!p0 s5, $0x11;
	s7 =	sadd.s32 @!p0 $0x11B8D, s7;
	_ =	swait.eq @!p0 [sflag:s6], $0x1  }
0xb2: {  	s5 =	sor.u32 @!p0 s5, s7;
	[sflag:s6] =	ssyncadd.s32 @!p0 $0xFFFFFFFF  }
0xb3: {  	s25 =	simm.s32 $0x1B8E;
	s24 =	sld [smem:$0x3FFE];
	[sflag:s5] =	ssyncadd.remote.s32 @!p0 $0x1  }
0xb4: {  	s26 =	simm.s32 $execute0_lowered;
	[smem:$0x3FD2] =	sst s25  }
0xb5: {  	s6 =	sshll.u32 s26, $0x1;
	_ =	strace $0x80000049;
	[dreg:$0x1] =	wrdreg $0xFFFFFFFF  }
0xb6: {  	s28 =	simm.s32 $_size_execute0_lowered;
	s4 =	sadd.s32 s4, s6;
	[dreg:$0x0] =	wrdreg $0x0  }
0xb7: {  	s6 =	sshll.u32 s28, $0x1;
	[dreg:$0x2] =	wrdreg s4  }
0xb8: {  	[dreg:$0x3] =	wrdreg s6  }
0xb9: {  	[dreg:$0x4] =	wrdreg $0xC0  }
0xba: {  	_ =	task [dreg:s22], $0x5FFFF  }
0xbb: {  	[dreg:$0x1] =	wrdreg $0xFFFFFFFF  }
0xbc: {  	[dreg:$0x0] =	wrdreg $0x60  }
0xbd: {  	[dreg:$0x2] =	wrdreg s18  }
0xbe: {  	[dreg:$0x3] =	wrdreg s24  }
0xbf: {  	[dreg:$0x4] =	wrdreg $0x90000  }
0xc0: {  	[dreg:$0x5] =	wrdreg $0x9  }
0xc1: {  	_ =	task.clear_ibuf [dreg:s22], $0x6FFFF;
	_ =	strace $0x90000049  }
0xc2: {  	s29 =	simm.s32 $0x9;
	_ =	strace $0x8000004B  }
0xc3: {  	_ =	swait.ge [sflag:s29], $0x1  }
0xc4: {  	[sflag:s29] =	ssyncadd.s32 $0xFFFFFFFF  }
0xc5: {  	_ =	strace $0x9000004B  }
0xc6: {  	_ =	sfence  }
0xc7: {  	s30 =	sld [smem:$0x0];
	_ =	sdelay $0x2  }
0xc8: {  	s31 =	sshll.u32 s1, $0xD;
	s1 =	sshrl.u32 s1, $0x2  }
0xc9: {  	s4 =	sand.u32 $0x4000, s31;
	s1 =	sadd.s32 s1, s30  }
0xca: {  	s0 =	sor.u32 s4, s0;
	s1 =	sshll.u32 s1, $0x11  }
0xcb: {  	s0 =	sor.u32 s1, s0  }
0xcc: {  	s0 =	sadd.s32 $0x8F2B, s0  }
0xcd: {  	[sflag:s0] =	ssyncadd.remote.s32 $0x1  }
0xce: {  	_ =	sfence.sel $0xFFFF  }
0xcf: {  	[dreg:$0x0] =	wrdreg $0xFFFFFFFF;
	(pc) =	sbr.abs _section_cstart, $3  }
0xd0: {  	[dreg:$0x1] =	wrdreg $0xFFFFFFFF  }
0xd1: {  	_ =	task.clear_ibuf [dreg:s22], $0x2FFFF;
	_ =	strace $0x9FFFFFFF  }
0xd2: {  	(tm) =	ssettm $0x7FFFFFFF  }
0xd3: {  	_ =	shalt  }
tec
execute0_lowered:
.L_overlay_start_1:
0x0: {  	(tag) =	ssettag $0x1  }
0x1: {  	s1 =	rddreg [dreg:$0x0]  }
0x2: {  	s2 =	srdreg.scid;
	s5 =	rddreg [dreg:$0x1]  }
0x3: {  	s0 =	stileid.u32;
	s3 =	rddreg [dreg:$0x2];
	s4 =	simm.s32 $0x0  }
0x4: {  	s14 =	simm.s32 $0x5000;
	s15 =	simm.s32 $0x1;
	s6 =	sand.u32 $0x1, s2  }
0x5: {  	s26 =	sshll.u32 s0, $0x1;
	s2 =	rddreg [dreg:$0x3];
	s16 =	smul.u32 $0x2800, s0  }
0x6: {  	[smem:$0x7FF] =	sst s4;
	s28 =	smul.u32 $0x50000, s0;
	s31 =	sshll.u32 s0, $0x6  }
0x7: {  	s7 =	sor.u32 s6, s26;
	_ =	strace $0x8000004A;
	s8 =	smul.u32 $0x28000, s6  }
0x8: {  	s6 =	ssub.s32 $0x2, s6;
	s7 =	smul.u32 $0x500, s7;
	s10 =	sadd.s32 s16, s5  }
0x9: {  	s29 =	sshrl.u32 s6, $0x1;
	s30 =	sshrl.u32 s28, $0x2;
	s11 =	sadd.s32 s8, s5  }
0xa: {  	s12 =	ssub.s32 s6, s29;
	s13 =	sadd.s32 s30, s3;
	s6 =	sor.u32 $0x1C02, s31  }
0xb: {  	s9 =	sadd.s32 s7, s5;
	s5 =	sadd.s32 $0x3FE00, s10;
	s17 =	sadd.s32 $0xC1E00, s11  }
0xc: {  	s10 =	sshrl.u32 s13, $0x3;
	s11 =	simm.s32 $0x2;
	s13 =	simm.s32 $0x80  }
0xd: {  	s7 =	sadd.s32 $0xB7E00, s9;
	s8 =	sadd.s32 $0x4C00, s9;
	s9 =	smax.u32 s12, $0x1  }
0xe: {  	s12 =	simm.s32 $0x2800;
	s16 =	sadd.s32 s16, s17;
	s17 =	simm.s32 $0x0  }
.LBB2_1:
0xf: {  	[spmem:s10], [sflag:s6] =	dma.local [hbm:s5], $0x2800  }
0x10: {  	_ =	swait.ge [sflag:s11], $0x2800  }
0x11: {  	[sflag:s11] =	ssyncset.done $0x0  }
0x12: {  	[sflag:s11] =	ssyncadd.s32 $0xFFFFD800  }
0x13: {  	[tilespmem:s4], [sflag:$0x2] =	stream.linear.gather [hbm4b:s7+s4], $0x2780, $0x38;
	[tilespmem:$0x1D000] =	vst v63  }
0x14: {  	_ =	swait.ge [sflag:s11], $0x2780  }
0x15: {  	[sflag:s11] =	ssyncset.done $0x0  }
0x16: {  	[sflag:s11] =	ssyncadd.s32 $0xFFFFD880  }
0x17: {  	[tilespmem:s12], [sflag:$0x2] =	stream.linear.gather [hbm4b:s8+s4], $0x2780, $0x38;
	[tilespmem:$0x1D000] =	vst v63  }
0x18: {  	_ =	swait.ge [sflag:s11], $0x2780  }
0x19: {  	[sflag:s11] =	ssyncset.done $0x0  }
0x1a: {  	[sflag:s11] =	ssyncadd.s32 $0xFFFFD880  }
0x1b: {  	s18 =	simm.s32 $0x0;
	[bflag:$0x0] =	sbarrier.arrive $0xFFFF  }
0x1c: {  	[tilespmem:s14], [sflag:$0x1] =	stream.indirect.gather [hbm4b:s1+s13], $0x80, s18, s13, $0xb8;
	[tilespmem:$0x1D000] =	vst v63  }
0x1d: {  	_ =	swait.ge [sflag:s15], $0x4000  }
0x1e: {  	[sflag:s15] =	ssyncset.done $0x0  }
0x1f: {  	s31 =	simm.s32 $0x2800;
	[sflag:s15] =	ssyncadd.s32 $0xFFFFC000  }
0x20: {  	[spmem:s3] =	stream.indirect.scatter.add.f32 [tilespmem:s14], [sflag:$0x2], $0x80, s31, s13, $0xb8;
	[tilespmem:$0x1D000] =	vst v63  }
0x21: {  	_ =	swait.ge [sflag:s11], $0x4000  }
0x22: {  	s19 =	simm.s32 $0x400;
	s18 =	simm.s32 $0x200;
	[sflag:s11] =	ssyncset.done $0x0  }
.LBB2_2:
0x23: {  	s20 =	sshra.s32 s18, $0x2  }
0x24: {  	[sflag:s11] =	ssyncadd.s32 $0xFFFFC000;
	s18 =	smov.u32 s19;
	s21 =	sadd.s32 $0x200, s19  }
0x25: {  	[tilespmem:s14], [sflag:$0x1] =	stream.indirect.gather [hbm4b:s1+s13], $0x80, s20, s13, $0xb8;
	[tilespmem:$0x1D000] =	vst v63  }
0x26: {  	p0 =	sne.s32 s19, $0x9C00;
	_ =	swait.ge [sflag:s15], $0x4000  }
.Ltmp0:
0x27: {  	[sflag:s15] =	ssyncset.done $0x0;
	(pc) =	sbr.rel @p0 .LBB2_2-.Ltmp0, $4  }
0x28: {  	s19 =	sadd.s32 $0x2800, s20;
	[sflag:s15] =	ssyncadd.s32 $0xFFFFC000  }
0x29: {  	[spmem:s3] =	stream.indirect.scatter.add.f32 [tilespmem:s14], [sflag:$0x2], $0x80, s19, s13, $0xb8;
	[tilespmem:$0x1D000] =	vst v63  }
0x2a: {  	_ =	swait.ge [sflag:s11], $0x4000  }
0x2b: {  	s19 =	smov.u32 s21;
	[sflag:s11] =	ssyncset.done $0x0  }
0x2c: {  	s18 =	sshra.s32 s18, $0x2;
	[sflag:s11] =	ssyncadd.s32 $0xFFFFC000  }
0x2d: {  	[tilespmem:s14], [sflag:$0x1] =	stream.indirect.gather [hbm4b:s1+s13], $0x80, s18, s13, $0xb8;
	[tilespmem:$0x1D000] =	vst v63  }
0x2e: {  	_ =	swait.ge [sflag:s15], $0x4000  }
0x2f: {  	[sflag:s15] =	ssyncset.done $0x0  }
0x30: {  	s18 =	sadd.s32 $0x2800, s18;
	[sflag:s15] =	ssyncadd.s32 $0xFFFFC000  }
0x31: {  	[spmem:s3] =	stream.indirect.scatter.add.f32 [tilespmem:s14], [sflag:$0x2], $0x80, s18, s13, $0xb8;
	[tilespmem:$0x1D000] =	vst v63  }
0x32: {  	_ =	swait.ge [sflag:s11], $0x4000  }
0x33: {  	s17 =	sadd.s32 $0x1, s17;
	[sflag:s11] =	ssyncset.done $0x0  }
0x34: {  	p0 =	sne.s32 s17, s9;
	[sflag:s11] =	ssyncadd.s32 $0xFFFFC000  }
.Ltmp1:
0x35: {  	[bflag:$0x0] =	sbarrier.arrive $0xFFFF;
	(pc) =	sbr.rel @p0 .LBB2_1-.Ltmp1, $4  }
0x36: {  	[hbm:s16], [sflag:s6] =	dma.local [spmem:s10], $0x2800  }
0x37: {  	_ =	swait.ge [sflag:s11], $0x2800  }
0x38: {  	[sflag:s11] =	ssyncset.done $0x0  }
0x39: {  	[sflag:s11] =	ssyncadd.s32 $0xFFFFD800  }
0x3a: {  	_ =	sfence.sel $0x180000  }
0x3b: {  	[bflag:$0x0] =	sbarrier.arrive $0xFFFF  }
0x3c: {  	p0 =	sne.s32 s0, $0x0;
	_ =	strace $0x9000004A  }
0x3d: {  	s0 =	sadd.s32 @!p0 $0x100000, s2;
	[bflag:$0x2] =	sbarrier.arrive $0xFFFF  }
0x3e: {  	[sflag:s0] =	ssyncadd.tile.s32 @!p0 $0x1;
	_ =	shalt  }
.Lfunc_end2:
_tile_overlayer_lowered:
.L_overlay_start_2:
0x3f: {  	(tag) =	ssettag $0x2  }
0x40: {  	s0 =	rddreg [dreg:$0x0];
	s2 =	stileid.u32  }
0x41: {  	s1 =	rddreg [dreg:$0x1];
	p0 =	sne.s32 s2, $0x0  }
0x42: {  	s3 =	rddreg [dreg:$0x2];
	[bflag:$0x3] =	sbarrier.arrive $0xFFFF;
	s2 =	simm.s32 @!p0 $0x1C02  }
0x43: {  	[timem:s3], [sflag:s2] =	dma.local @!p0 [hbm:s0], s1  }
0x44: {  	s0 =	simm.s32 @!p0 $0x2  }
0x45: {  	_ =	swait.ge @!p0 [sflag:s0], s1  }
0x46: {  	s1 =	ssub.s32 @!p0 $0x0, s1;
	[sflag:s0] =	ssyncset.done @!p0 $0x0  }
0x47: {  	[sflag:s0] =	ssyncadd.s32 @!p0 s1  }
0x48: {  	[bflag:$0x3] =	sbarrier.arrive $0xFFFF  }
0x49: {  	_ =	shalt  }

// kernel: kernel.18.cloned.1.call-start
scs
__scs_entry_jumppad:
0x0: {  	(pc) =	sbr.rel $0x88, $3  }
0x1: {  	(tag) =	ssettag $0x0;
	lr =	simm.s32 $0x1  }
0x2: {  	[smem:$0x3F93] =	sst lr;
	_ =	strace $0xD0000000  }
0x3: {  	_ = 	snop  }
0x4: {  	_ = 	snop  }
0x5: {  	_ = 	snop  }
0x6: {  	_ = 	snop  }
0x7: {  	_ = 	snop  }
__scs_overlays_trampoline_lowered:
0x8: {  	[smem:$0x3FA2] =	sst s0  }
0x9: {  	[smem:$0x3FA3] =	sst s1  }
0xa: {  	[smem:$0x3FA4] =	sst s2  }
0xb: {  	[smem:$0x3FA5] =	sst s3  }
0xc: {  	[smem:$0x3FA6] =	sst s4  }
0xd: {  	[smem:$0x3FA7] =	sst s5  }
0xe: {  	[smem:$0x3FA8] =	sst s6  }
0xf: {  	[smem:$0x3FA9] =	sst s7  }
0x10: {  	[smem:$0x3FAA] =	sst s8  }
0x11: {  	[smem:$0x3FAB] =	sst s9;
	s0 =	simm.s32 @!p0 $0x0  }
0x12: {  	s1 =	sld [smem:$0x3F91];
	s0 =	simm.s32 @p0 $0x1  }
0x13: {  	[smem:$0x3FAC] =	sst s0;
	s0 =	simm.s32 @!p1 $0x0  }
0x14: {  	s2 =	sld [smem:$0x3F90];
	s0 =	simm.s32 @p1 $0x1  }
0x15: {  	[smem:$0x3FAD] =	sst s0;
	s0 =	simm.s32 @!p2 $0x0  }
0x16: {  	s3 =	sld [smem:$0x3FDB];
	s0 =	simm.s32 @p2 $0x1  }
0x17: {  	s4 =	simm.s32 $0x1BF5;
	[smem:$0x3FAF] =	sst s0  }
0x18: {  	s0 =	sld [smem:$0x3F92];
	_ =	swait.ge [sflag:s4], $0x0  }
0x19: {  	s7 =	sld [smem:$0x3F93]  }
0x1a: {  	s8 =	sadd.s32 $0xFFFFE003, lr  }
0x1b: {  	s9 =	sadd.s32 $0xFFFFFEF7, lr;
	s5 =	simm.s32 $0xFFFFFFFF;
	p2 =	slt.u32 s8, $0xFFFFF086  }
0x1c: {  	p1 =	slt.u32 s9, $0xF7A;
	s5 =	simm.s32 @!p2 $0x0  }
0x1d: {  	s5 =	simm.s32 @p1 $0x1;
	p0 =	seq.s32 s7, s2  }
0x1e: {  	s7 =	smul.u32 @!p0 $0xF7A, s2;
	p2 =	seq.s32 @!p0 s5, $0x0  }
0x1f: {  	s9 =	smul.u32 $0xF7A, s1;
	s8 =	simm.s32 @!p0 $0x1BF5;
	p2 =	por !p2, p0  }
0x20: {  	[sflag:s8] =	ssyncset.s32 @!p0 $0xFFFFF086;
	s6 =	sadd.s32 @!p0 s3, s7;
	s7 =	simm.s32 @!p0 $0x108  }
0x21: {  	s3 =	sadd.s32 s3, s9;
	s6 =	sadd.s32 @!p0 $0x88, s6;
	s7 =	simm.s32 @p2 $0x1082  }
0x22: {  	[simem:s7], [sflag:s8] =	dma.local @!p0 [hbm:s6], $0xF7A  }
0x23: {  	s9 =	sor.u32 $0xD0000000, s2;
	s6 =	simm.s32 $0x108;
	_ =	swait.ge @!p0 [sflag:s8], $0x0  }
0x24: {  	s3 =	sadd.s32 $0x88, s3;
	s6 =	simm.s32 @!p1 $0x1082;
	[sflag:s4] =	ssyncset.s32 $0xFFFFF086  }
0x25: {  	[simem:s6], [sflag:s4] =	dma.local [hbm:s3], $0xF7A  }
0x26: {  	[smem:$0x3F93] =	sst s1;
	(tag) =	ssettag s2;
	_ =	strace s9  }
0x27: {  	s1 =	sld [smem:$0x3FA3]  }
0x28: {  	s2 =	sld [smem:$0x3FA4]  }
0x29: {  	s4 =	sld [smem:$0x3FA6]  }
0x2a: {  	p0 =	seq.s32 s5, $0x0;
	s5 =	sld [smem:$0x3FA7]  }
0x2b: {  	s6 =	sld [smem:$0x3FA8]  }
0x2c: {  	s7 =	sld [smem:$0x3FA9]  }
0x2d: {  	s3 =	simm.s32 $0x108;
	s8 =	sld [smem:$0x3FAA]  }
0x2e: {  	s3 =	simm.s32 @!p0 $0x1082;
	s9 =	sld [smem:$0x3FAB]  }
0x2f: {  	lr =	sadd.s32 s0, s3;
	s0 =	sld [smem:$0x3FA2]  }
0x30: {  	s3 =	sld [smem:$0x3FA5]  }
0x31: {  	[smem:$0x3FAE] =	sst s10  }
0x32: {  	s10 =	sld [smem:$0x3FAC];
	_ =	sdelay $0x3  }
0x33: {  	p0 =	seq.s32 s10, $0x1;
	s10 =	sld [smem:$0x3FAE];
	_ =	sdelay $0x3  }
0x34: {  	[smem:$0x3FAE] =	sst s10  }
0x35: {  	s10 =	sld [smem:$0x3FAD];
	_ =	sdelay $0x3  }
0x36: {  	p1 =	seq.s32 s10, $0x1;
	s10 =	sld [smem:$0x3FAE];
	_ =	sdelay $0x3  }
0x37: {  	[smem:$0x3FAE] =	sst s10  }
0x38: {  	s10 =	sld [smem:$0x3FAF]  }
0x39: {  	_ = 	snop;
	(pc) =	sbr.ind lr, $3  }
0x3a: {  	_ = 	snop  }
0x3b: {  	_ = 	snop  }
0x3c: {  	p2 =	seq.s32 s10, $0x1;
	s10 =	sld [smem:$0x3FAE]  }
0x3d: {  	_ =	shalt  }
0x3e: {  	_ =	shalt  }
0x3f: {  	_ =	shalt  }
0x40: {  	_ =	shalt  }
0x41: {  	_ =	shalt  }
0x42: {  	_ =	shalt  }
0x43: {  	_ =	shalt  }
0x44: {  	_ =	shalt  }
0x45: {  	_ =	shalt  }
0x46: {  	_ =	shalt  }
0x47: {  	_ =	shalt  }
0x48: {  	_ =	shalt  }
0x49: {  	_ =	shalt  }
0x4a: {  	_ =	shalt  }
0x4b: {  	_ =	shalt  }
0x4c: {  	_ =	shalt  }
0x4d: {  	_ =	shalt  }
0x4e: {  	_ =	shalt  }
0x4f: {  	_ =	shalt  }
0x50: {  	_ =	shalt  }
0x51: {  	_ =	shalt  }
0x52: {  	_ =	shalt  }
0x53: {  	_ =	shalt  }
0x54: {  	_ =	shalt  }
0x55: {  	_ =	shalt  }
0x56: {  	_ =	shalt  }
0x57: {  	_ =	shalt  }
0x58: {  	_ =	shalt  }
0x59: {  	_ =	shalt  }
0x5a: {  	_ =	shalt  }
0x5b: {  	_ =	shalt  }
0x5c: {  	_ =	shalt  }
0x5d: {  	_ =	shalt  }
0x5e: {  	_ =	shalt  }
0x5f: {  	_ =	shalt  }
0x60: {  	_ =	shalt  }
0x61: {  	_ =	shalt  }
0x62: {  	_ =	shalt  }
0x63: {  	_ =	shalt  }
0x64: {  	_ =	shalt  }
0x65: {  	_ =	shalt  }
0x66: {  	_ =	shalt  }
0x67: {  	_ =	shalt  }
0x68: {  	_ =	shalt  }
0x69: {  	_ =	shalt  }
0x6a: {  	_ =	shalt  }
0x6b: {  	_ =	shalt  }
0x6c: {  	_ =	shalt  }
0x6d: {  	_ =	shalt  }
0x6e: {  	_ =	shalt  }
0x6f: {  	_ =	shalt  }
0x70: {  	_ =	shalt  }
0x71: {  	_ =	shalt  }
0x72: {  	_ =	shalt  }
0x73: {  	_ =	shalt  }
0x74: {  	_ =	shalt  }
0x75: {  	_ =	shalt  }
0x76: {  	_ =	shalt  }
0x77: {  	_ =	shalt  }
0x78: {  	_ =	shalt  }
0x79: {  	_ =	shalt  }
0x7a: {  	_ =	shalt  }
0x7b: {  	_ =	shalt  }
0x7c: {  	_ =	shalt  }
0x7d: {  	_ =	shalt  }
0x7e: {  	_ =	shalt  }
0x7f: {  	_ =	shalt  }
0x80: {  	_ =	shalt  }
0x81: {  	_ =	shalt  }
0x82: {  	_ =	shalt  }
0x83: {  	_ =	shalt  }
0x84: {  	_ =	shalt  }
0x85: {  	_ =	shalt  }
0x86: {  	_ =	shalt  }
0x87: {  	_ =	shalt  }
.Lfunc_end0:
.L_simem_size_0:
called_computation.1_lowered:
.L_overlay_start_0:
0x88: {  	s2 =	sld [smem:$0x3FD9]  }
0x89: {  	s3 =	sld [smem:$0x3FFE];
	_ =	sdelay $0x1  }
0x8a: {  	s1 =	srdreg.scid  }
0x8b: {  	s0 =	sand.u32 $0x1, s1  }
0x8c: {  	s16 =	sshll.u32 s0, $0xA;
	s2 =	sadd.s32 s3, s2  }
0x8d: {  	s2 =	sadd.s32 s2, s16  }
0x8e: {  	[smem:$0x3FBA] =	sst s2  }
0x8f: {  	_ = 	snop  }
0x90: {  	(tm) =	ssettm $0x1  }
0x91: {  	s17 =	sld [smem:$0x3FFB];
	_ =	sdelay $0x3  }
0x92: {  	_ =	strace s17  }
0x93: {  	s2 =	sld [smem:$0x3FFC];
	_ =	sdelay $0x3  }
0x94: {  	_ =	strace s2  }
0x95: {  	s2 =	sld [smem:$0x3FFD];
	_ =	sdelay $0x3  }
0x96: {  	_ =	strace s2  }
0x97: {  	_ =	strace $0x8FFFFFFF  }
0x98: {  	s18 =	sld [smem:$0x3FDB];
	_ =	sdelay $0x1  }
0x99: {  	s19 =	simm.s32 $_scs_section_size  }
0x9a: {  	s4 =	simm.s32 $_size__tile_overlayer_lowered;
	s5 =	simm.s32 $_tile_overlayer_lowered  }
0x9b: {  	s22 =	simm.s32 $0x1BFF;
	s21 =	sshll.u32 s5, $0x1;
	s2 =	sadd.s32 s19, s18  }
0x9c: {  	s6 =	simm.s32 $0x0;
	s20 =	sshll.u32 s4, $0x1;
	s4 =	sadd.s32 s21, s2  }
0x9d: {  	[timem:s6], [sflag:s22] =	dma.local [hbm:s4], s20  }
0x9e: {  	_ =	swait.ge [sflag:s22], s20  }
0x9f: {  	s3 =	ssub.s32 $0x0, s20;
	[sflag:s22] =	ssyncset.done $0x0  }
0xa0: {  	[sflag:s22] =	ssyncadd.s32 s3;
	_ =	sdelay $0x1  }
0xa1: {  	s23 =	simm.s32 $0x1B8B  }
0xa2: {  	_ =	swait.ge [sflag:s23], $0x1  }
0xa3: {  	[sflag:s23] =	ssyncset.done $0x0  }
0xa4: {  	s25 =	simm.s32 $0x1B8E;
	s24 =	sld [smem:$0x3FFE];
	[sflag:s23] =	ssyncadd.s32 $0xFFFFFFFF  }
0xa5: {  	s26 =	simm.s32 $execute0_lowered;
	[smem:$0x3FD2] =	sst s25  }
0xa6: {  	s4 =	sshll.u32 s26, $0x1;
	_ =	strace $0x80000046;
	[dreg:$0x1] =	wrdreg $0xFFFFFFFF  }
0xa7: {  	s28 =	simm.s32 $_size_execute0_lowered;
	s2 =	sadd.s32 s2, s4;
	[dreg:$0x0] =	wrdreg $0x0  }
0xa8: {  	s4 =	sshll.u32 s28, $0x1;
	[dreg:$0x2] =	wrdreg s2  }
0xa9: {  	[dreg:$0x3] =	wrdreg s4  }
0xaa: {  	[dreg:$0x4] =	wrdreg $0xC0  }
0xab: {  	_ =	task [dreg:s6], $0x5FFFF  }
0xac: {  	[dreg:$0x1] =	wrdreg $0xFFFFFFFF  }
0xad: {  	[dreg:$0x0] =	wrdreg $0x60  }
0xae: {  	[dreg:$0x2] =	wrdreg s24  }
0xaf: {  	[dreg:$0x3] =	wrdreg $0x90000  }
0xb0: {  	[dreg:$0x4] =	wrdreg $0xA  }
0xb1: {  	_ =	task.clear_ibuf [dreg:s6], $0x5FFFF;
	_ =	strace $0x90000046  }
0xb2: {  	s29 =	simm.s32 $0xA;
	_ =	strace $0x80000048  }
0xb3: {  	_ =	swait.ge [sflag:s29], $0x1  }
0xb4: {  	[sflag:s29] =	ssyncadd.s32 $0xFFFFFFFF  }
0xb5: {  	_ =	strace $0x90000048  }
0xb6: {  	_ =	sfence  }
0xb7: {  	s30 =	sld [smem:$0x0];
	_ =	sdelay $0x2  }
0xb8: {  	s31 =	sshll.u32 s1, $0xD;
	s1 =	sshrl.u32 s1, $0x2  }
0xb9: {  	s3 =	sand.u32 $0x4000, s31;
	s1 =	sadd.s32 s1, s30  }
0xba: {  	s0 =	sor.u32 s3, s0;
	s1 =	sshll.u32 s1, $0x11  }
0xbb: {  	s0 =	sor.u32 s1, s0  }
0xbc: {  	s0 =	sadd.s32 $0x8F2B, s0  }
0xbd: {  	[sflag:s0] =	ssyncadd.remote.s32 $0x1  }
0xbe: {  	_ =	sfence.sel $0xFFFF  }
0xbf: {  	[dreg:$0x0] =	wrdreg $0xFFFFFFFF;
	(pc) =	sbr.abs _section_cstart, $3  }
0xc0: {  	[dreg:$0x1] =	wrdreg $0xFFFFFFFF  }
0xc1: {  	_ =	task.clear_ibuf [dreg:s6], $0x2FFFF;
	_ =	strace $0x9FFFFFFF  }
0xc2: {  	(tm) =	ssettm $0x7FFFFFFF  }
0xc3: {  	_ =	shalt  }
tec
execute0_lowered:
.L_overlay_start_1:
0x0: {  	(tag) =	ssettag $0x1  }
0x1: {  	s1 =	srdreg.scid  }
0x2: {  	s0 =	stileid.u32;
	s5 =	rddreg [dreg:$0x0]  }
0x3: {  	s2 =	rddreg [dreg:$0x1];
	s3 =	simm.s32 $0x0;
	s14 =	simm.s32 $0x5000  }
0x4: {  	s15 =	simm.s32 $0x1;
	s6 =	sand.u32 $0x1, s1;
	s1 =	rddreg [dreg:$0x2]  }
0x5: {  	s26 =	sshll.u32 s0, $0x1;
	[smem:$0x7FF] =	sst s3;
	s16 =	smul.u32 $0x2800, s0  }
0x6: {  	s28 =	smul.u32 $0x50000, s0;
	s31 =	sshll.u32 s0, $0x6;
	s4 =	sor.u32 s6, s26  }
0x7: {  	_ =	strace $0x80000047;
	s8 =	smul.u32 $0x28000, s6;
	s6 =	ssub.s32 $0x2, s6  }
0x8: {  	s7 =	smul.u32 $0x500, s4;
	s4 =	sadd.s32 $0x18C00, s5;
	s10 =	sadd.s32 s16, s5  }
0x9: {  	s29 =	sshrl.u32 s6, $0x1;
	s30 =	sshrl.u32 s28, $0x2;
	s11 =	sadd.s32 s8, s5  }
0xa: {  	s12 =	ssub.s32 s6, s29;
	s13 =	sadd.s32 s30, s2;
	s6 =	sor.u32 $0x1C02, s31  }
0xb: {  	s9 =	sadd.s32 s7, s5;
	s5 =	sadd.s32 $0x3FE00, s10;
	s17 =	sadd.s32 $0x67E00, s11  }
0xc: {  	s10 =	sshrl.u32 s13, $0x3;
	s11 =	simm.s32 $0x2;
	s13 =	simm.s32 $0x80  }
0xd: {  	s7 =	sadd.s32 $0xEC00, s9;
	s8 =	sadd.s32 $0x4C00, s9;
	s9 =	smax.u32 s12, $0x1  }
0xe: {  	s12 =	simm.s32 $0x2800;
	s16 =	sadd.s32 s16, s17;
	s17 =	simm.s32 $0x0  }
.LBB2_1:
0xf: {  	[spmem:s10], [sflag:s6] =	dma.local [hbm:s5], $0x2800  }
0x10: {  	_ =	swait.ge [sflag:s11], $0x2800  }
0x11: {  	[sflag:s11] =	ssyncset.done $0x0  }
0x12: {  	[sflag:s11] =	ssyncadd.s32 $0xFFFFD800  }
0x13: {  	[tilespmem:s3], [sflag:$0x2] =	stream.linear.gather [hbm4b:s7+s3], $0x2780, $0x38;
	[tilespmem:$0x1D000] =	vst v63  }
0x14: {  	_ =	swait.ge [sflag:s11], $0x2780  }
0x15: {  	[sflag:s11] =	ssyncset.done $0x0  }
0x16: {  	[sflag:s11] =	ssyncadd.s32 $0xFFFFD880  }
0x17: {  	[tilespmem:s12], [sflag:$0x2] =	stream.linear.gather [hbm4b:s8+s3], $0x2780, $0x38;
	[tilespmem:$0x1D000] =	vst v63  }
0x18: {  	_ =	swait.ge [sflag:s11], $0x2780  }
0x19: {  	[sflag:s11] =	ssyncset.done $0x0  }
0x1a: {  	[sflag:s11] =	ssyncadd.s32 $0xFFFFD880  }
0x1b: {  	s18 =	simm.s32 $0x0;
	[bflag:$0x0] =	sbarrier.arrive $0xFFFF  }
0x1c: {  	[tilespmem:s14], [sflag:$0x1] =	stream.indirect.gather [hbm4b:s4+s13], $0x80, s18, s13, $0xb8;
	[tilespmem:$0x1D000] =	vst v63  }
0x1d: {  	_ =	swait.ge [sflag:s15], $0x4000  }
0x1e: {  	[sflag:s15] =	ssyncset.done $0x0  }
0x1f: {  	s31 =	simm.s32 $0x2800;
	[sflag:s15] =	ssyncadd.s32 $0xFFFFC000  }
0x20: {  	[spmem:s2] =	stream.indirect.scatter.add.f32 [tilespmem:s14], [sflag:$0x2], $0x80, s31, s13, $0xb8;
	[tilespmem:$0x1D000] =	vst v63  }
0x21: {  	_ =	swait.ge [sflag:s11], $0x4000  }
0x22: {  	s19 =	simm.s32 $0x400;
	s18 =	simm.s32 $0x200;
	[sflag:s11] =	ssyncset.done $0x0  }
.LBB2_2:
0x23: {  	s20 =	sshra.s32 s18, $0x2  }
0x24: {  	[sflag:s11] =	ssyncadd.s32 $0xFFFFC000;
	s18 =	smov.u32 s19;
	s21 =	sadd.s32 $0x200, s19  }
0x25: {  	[tilespmem:s14], [sflag:$0x1] =	stream.indirect.gather [hbm4b:s4+s13], $0x80, s20, s13, $0xb8;
	[tilespmem:$0x1D000] =	vst v63  }
0x26: {  	p0 =	sne.s32 s19, $0x9C00;
	_ =	swait.ge [sflag:s15], $0x4000  }
.Ltmp0:
0x27: {  	[sflag:s15] =	ssyncset.done $0x0;
	(pc) =	sbr.rel @p0 .LBB2_2-.Ltmp0, $4  }
0x28: {  	s19 =	sadd.s32 $0x2800, s20;
	[sflag:s15] =	ssyncadd.s32 $0xFFFFC000  }
0x29: {  	[spmem:s2] =	stream.indirect.scatter.add.f32 [tilespmem:s14], [sflag:$0x2], $0x80, s19, s13, $0xb8;
	[tilespmem:$0x1D000] =	vst v63  }
0x2a: {  	_ =	swait.ge [sflag:s11], $0x4000  }
0x2b: {  	s19 =	smov.u32 s21;
	[sflag:s11] =	ssyncset.done $0x0  }
0x2c: {  	s18 =	sshra.s32 s18, $0x2;
	[sflag:s11] =	ssyncadd.s32 $0xFFFFC000  }
0x2d: {  	[tilespmem:s14], [sflag:$0x1] =	stream.indirect.gather [hbm4b:s4+s13], $0x80, s18, s13, $0xb8;
	[tilespmem:$0x1D000] =	vst v63  }
0x2e: {  	_ =	swait.ge [sflag:s15], $0x4000  }
0x2f: {  	[sflag:s15] =	ssyncset.done $0x0  }
0x30: {  	s18 =	sadd.s32 $0x2800, s18;
	[sflag:s15] =	ssyncadd.s32 $0xFFFFC000  }
0x31: {  	[spmem:s2] =	stream.indirect.scatter.add.f32 [tilespmem:s14], [sflag:$0x2], $0x80, s18, s13, $0xb8;
	[tilespmem:$0x1D000] =	vst v63  }
0x32: {  	_ =	swait.ge [sflag:s11], $0x4000  }
0x33: {  	s17 =	sadd.s32 $0x1, s17;
	[sflag:s11] =	ssyncset.done $0x0  }
0x34: {  	p0 =	sne.s32 s17, s9;
	[sflag:s11] =	ssyncadd.s32 $0xFFFFC000  }
.Ltmp1:
0x35: {  	[bflag:$0x0] =	sbarrier.arrive $0xFFFF;
	(pc) =	sbr.rel @p0 .LBB2_1-.Ltmp1, $4  }
0x36: {  	[hbm:s16], [sflag:s6] =	dma.local [spmem:s10], $0x2800  }
0x37: {  	_ =	swait.ge [sflag:s11], $0x2800  }
0x38: {  	[sflag:s11] =	ssyncset.done $0x0  }
0x39: {  	[sflag:s11] =	ssyncadd.s32 $0xFFFFD800  }
0x3a: {  	_ =	sfence.sel $0x180000  }
0x3b: {  	[bflag:$0x0] =	sbarrier.arrive $0xFFFF  }
0x3c: {  	p0 =	sne.s32 s0, $0x0;
	_ =	strace $0x90000047  }
0x3d: {  	s0 =	sadd.s32 @!p0 $0x100000, s1;
	[bflag:$0x2] =	sbarrier.arrive $0xFFFF  }
0x3e: {  	[sflag:s0] =	ssyncadd.tile.s32 @!p0 $0x1;
	_ =	shalt  }
.Lfunc_end2:
_tile_overlayer_lowered:
.L_overlay_start_2:
0x3f: {  	(tag) =	ssettag $0x2  }
0x40: {  	s0 =	rddreg [dreg:$0x0];
	s2 =	stileid.u32  }
0x41: {  	s1 =	rddreg [dreg:$0x1];
	p0 =	sne.s32 s2, $0x0  }
0x42: {  	s3 =	rddreg [dreg:$0x2];
	[bflag:$0x3] =	sbarrier.arrive $0xFFFF;
	s2 =	simm.s32 @!p0 $0x1C02  }
0x43: {  	[timem:s3], [sflag:s2] =	dma.local @!p0 [hbm:s0], s1  }
0x44: {  	s0 =	simm.s32 @!p0 $0x2  }
0x45: {  	_ =	swait.ge @!p0 [sflag:s0], s1  }
0x46: {  	s1 =	ssub.s32 @!p0 $0x0, s1;
	[sflag:s0] =	ssyncset.done @!p0 $0x0  }
0x47: {  	[sflag:s0] =	ssyncadd.s32 @!p0 s1  }
0x48: {  	[bflag:$0x3] =	sbarrier.arrive $0xFFFF  }
0x49: {  	_ =	shalt  }

// kernel: kernel.21.cloned.1.call-start
scs
__scs_entry_jumppad:
0x0: {  	(pc) =	sbr.rel $0x88, $3  }
0x1: {  	(tag) =	ssettag $0x0;
	lr =	simm.s32 $0x1  }
0x2: {  	[smem:$0x3F93] =	sst lr;
	_ =	strace $0xD0000000  }
0x3: {  	_ = 	snop  }
0x4: {  	_ = 	snop  }
0x5: {  	_ = 	snop  }
0x6: {  	_ = 	snop  }
0x7: {  	_ = 	snop  }
__scs_overlays_trampoline_lowered:
0x8: {  	[smem:$0x3FA2] =	sst s0  }
0x9: {  	[smem:$0x3FA3] =	sst s1  }
0xa: {  	[smem:$0x3FA4] =	sst s2  }
0xb: {  	[smem:$0x3FA5] =	sst s3  }
0xc: {  	[smem:$0x3FA6] =	sst s4  }
0xd: {  	[smem:$0x3FA7] =	sst s5  }
0xe: {  	[smem:$0x3FA8] =	sst s6  }
0xf: {  	[smem:$0x3FA9] =	sst s7  }
0x10: {  	[smem:$0x3FAA] =	sst s8  }
0x11: {  	[smem:$0x3FAB] =	sst s9;
	s0 =	simm.s32 @!p0 $0x0  }
0x12: {  	s1 =	sld [smem:$0x3F91];
	s0 =	simm.s32 @p0 $0x1  }
0x13: {  	[smem:$0x3FAC] =	sst s0;
	s0 =	simm.s32 @!p1 $0x0  }
0x14: {  	s2 =	sld [smem:$0x3F90];
	s0 =	simm.s32 @p1 $0x1  }
0x15: {  	[smem:$0x3FAD] =	sst s0;
	s0 =	simm.s32 @!p2 $0x0  }
0x16: {  	s3 =	sld [smem:$0x3FDB];
	s0 =	simm.s32 @p2 $0x1  }
0x17: {  	s4 =	simm.s32 $0x1BF5;
	[smem:$0x3FAF] =	sst s0  }
0x18: {  	s0 =	sld [smem:$0x3F92];
	_ =	swait.ge [sflag:s4], $0x0  }
0x19: {  	s7 =	sld [smem:$0x3F93]  }
0x1a: {  	s8 =	sadd.s32 $0xFFFFE003, lr  }
0x1b: {  	s9 =	sadd.s32 $0xFFFFFEF7, lr;
	s5 =	simm.s32 $0xFFFFFFFF;
	p2 =	slt.u32 s8, $0xFFFFF086  }
0x1c: {  	p1 =	slt.u32 s9, $0xF7A;
	s5 =	simm.s32 @!p2 $0x0  }
0x1d: {  	s5 =	simm.s32 @p1 $0x1;
	p0 =	seq.s32 s7, s2  }
0x1e: {  	s7 =	smul.u32 @!p0 $0xF7A, s2;
	p2 =	seq.s32 @!p0 s5, $0x0  }
0x1f: {  	s9 =	smul.u32 $0xF7A, s1;
	s8 =	simm.s32 @!p0 $0x1BF5;
	p2 =	por !p2, p0  }
0x20: {  	[sflag:s8] =	ssyncset.s32 @!p0 $0xFFFFF086;
	s6 =	sadd.s32 @!p0 s3, s7;
	s7 =	simm.s32 @!p0 $0x108  }
0x21: {  	s3 =	sadd.s32 s3, s9;
	s6 =	sadd.s32 @!p0 $0x88, s6;
	s7 =	simm.s32 @p2 $0x1082  }
0x22: {  	[simem:s7], [sflag:s8] =	dma.local @!p0 [hbm:s6], $0xF7A  }
0x23: {  	s9 =	sor.u32 $0xD0000000, s2;
	s6 =	simm.s32 $0x108;
	_ =	swait.ge @!p0 [sflag:s8], $0x0  }
0x24: {  	s3 =	sadd.s32 $0x88, s3;
	s6 =	simm.s32 @!p1 $0x1082;
	[sflag:s4] =	ssyncset.s32 $0xFFFFF086  }
0x25: {  	[simem:s6], [sflag:s4] =	dma.local [hbm:s3], $0xF7A  }
0x26: {  	[smem:$0x3F93] =	sst s1;
	(tag) =	ssettag s2;
	_ =	strace s9  }
0x27: {  	s1 =	sld [smem:$0x3FA3]  }
0x28: {  	s2 =	sld [smem:$0x3FA4]  }
0x29: {  	s4 =	sld [smem:$0x3FA6]  }
0x2a: {  	p0 =	seq.s32 s5, $0x0;
	s5 =	sld [smem:$0x3FA7]  }
0x2b: {  	s6 =	sld [smem:$0x3FA8]  }
0x2c: {  	s7 =	sld [smem:$0x3FA9]  }
0x2d: {  	s3 =	simm.s32 $0x108;
	s8 =	sld [smem:$0x3FAA]  }
0x2e: {  	s3 =	simm.s32 @!p0 $0x1082;
	s9 =	sld [smem:$0x3FAB]  }
0x2f: {  	lr =	sadd.s32 s0, s3;
	s0 =	sld [smem:$0x3FA2]  }
0x30: {  	s3 =	sld [smem:$0x3FA5]  }
0x31: {  	[smem:$0x3FAE] =	sst s10  }
0x32: {  	s10 =	sld [smem:$0x3FAC];
	_ =	sdelay $0x3  }
0x33: {  	p0 =	seq.s32 s10, $0x1;
	s10 =	sld [smem:$0x3FAE];
	_ =	sdelay $0x3  }
0x34: {  	[smem:$0x3FAE] =	sst s10  }
0x35: {  	s10 =	sld [smem:$0x3FAD];
	_ =	sdelay $0x3  }
0x36: {  	p1 =	seq.s32 s10, $0x1;
	s10 =	sld [smem:$0x3FAE];
	_ =	sdelay $0x3  }
0x37: {  	[smem:$0x3FAE] =	sst s10  }
0x38: {  	s10 =	sld [smem:$0x3FAF]  }
0x39: {  	_ = 	snop;
	(pc) =	sbr.ind lr, $3  }
0x3a: {  	_ = 	snop  }
0x3b: {  	_ = 	snop  }
0x3c: {  	p2 =	seq.s32 s10, $0x1;
	s10 =	sld [smem:$0x3FAE]  }
0x3d: {  	_ =	shalt  }
0x3e: {  	_ =	shalt  }
0x3f: {  	_ =	shalt  }
0x40: {  	_ =	shalt  }
0x41: {  	_ =	shalt  }
0x42: {  	_ =	shalt  }
0x43: {  	_ =	shalt  }
0x44: {  	_ =	shalt  }
0x45: {  	_ =	shalt  }
0x46: {  	_ =	shalt  }
0x47: {  	_ =	shalt  }
0x48: {  	_ =	shalt  }
0x49: {  	_ =	shalt  }
0x4a: {  	_ =	shalt  }
0x4b: {  	_ =	shalt  }
0x4c: {  	_ =	shalt  }
0x4d: {  	_ =	shalt  }
0x4e: {  	_ =	shalt  }
0x4f: {  	_ =	shalt  }
0x50: {  	_ =	shalt  }
0x51: {  	_ =	shalt  }
0x52: {  	_ =	shalt  }
0x53: {  	_ =	shalt  }
0x54: {  	_ =	shalt  }
0x55: {  	_ =	shalt  }
0x56: {  	_ =	shalt  }
0x57: {  	_ =	shalt  }
0x58: {  	_ =	shalt  }
0x59: {  	_ =	shalt  }
0x5a: {  	_ =	shalt  }
0x5b: {  	_ =	shalt  }
0x5c: {  	_ =	shalt  }
0x5d: {  	_ =	shalt  }
0x5e: {  	_ =	shalt  }
0x5f: {  	_ =	shalt  }
0x60: {  	_ =	shalt  }
0x61: {  	_ =	shalt  }
0x62: {  	_ =	shalt  }
0x63: {  	_ =	shalt  }
0x64: {  	_ =	shalt  }
0x65: {  	_ =	shalt  }
0x66: {  	_ =	shalt  }
0x67: {  	_ =	shalt  }
0x68: {  	_ =	shalt  }
0x69: {  	_ =	shalt  }
0x6a: {  	_ =	shalt  }
0x6b: {  	_ =	shalt  }
0x6c: {  	_ =	shalt  }
0x6d: {  	_ =	shalt  }
0x6e: {  	_ =	shalt  }
0x6f: {  	_ =	shalt  }
0x70: {  	_ =	shalt  }
0x71: {  	_ =	shalt  }
0x72: {  	_ =	shalt  }
0x73: {  	_ =	shalt  }
0x74: {  	_ =	shalt  }
0x75: {  	_ =	shalt  }
0x76: {  	_ =	shalt  }
0x77: {  	_ =	shalt  }
0x78: {  	_ =	shalt  }
0x79: {  	_ =	shalt  }
0x7a: {  	_ =	shalt  }
0x7b: {  	_ =	shalt  }
0x7c: {  	_ =	shalt  }
0x7d: {  	_ =	shalt  }
0x7e: {  	_ =	shalt  }
0x7f: {  	_ =	shalt  }
0x80: {  	_ =	shalt  }
0x81: {  	_ =	shalt  }
0x82: {  	_ =	shalt  }
0x83: {  	_ =	shalt  }
0x84: {  	_ =	shalt  }
0x85: {  	_ =	shalt  }
0x86: {  	_ =	shalt  }
0x87: {  	_ =	shalt  }
.Lfunc_end0:
.L_simem_size_0:
called_computation.2_lowered:
.L_overlay_start_0:
0x88: {  	s2 =	sld [smem:$0x3FD9]  }
0x89: {  	s3 =	sld [smem:$0x3FFE];
	_ =	sdelay $0x1  }
0x8a: {  	s1 =	srdreg.scid  }
0x8b: {  	s0 =	sand.u32 $0x1, s1  }
0x8c: {  	s16 =	sshll.u32 s0, $0xA;
	s2 =	sadd.s32 s3, s2  }
0x8d: {  	s2 =	sadd.s32 s2, s16  }
0x8e: {  	[smem:$0x3FBA] =	sst s2  }
0x8f: {  	_ = 	snop  }
0x90: {  	(tm) =	ssettm $0x1  }
0x91: {  	s17 =	sld [smem:$0x3FFB];
	_ =	sdelay $0x3  }
0x92: {  	_ =	strace s17  }
0x93: {  	s2 =	sld [smem:$0x3FFC];
	_ =	sdelay $0x3  }
0x94: {  	_ =	strace s2  }
0x95: {  	s2 =	sld [smem:$0x3FFD];
	_ =	sdelay $0x3  }
0x96: {  	_ =	strace s2  }
0x97: {  	_ =	strace $0x8FFFFFFF  }
0x98: {  	s18 =	sld [smem:$0x3FDB];
	_ =	sdelay $0x1  }
0x99: {  	s19 =	simm.s32 $_scs_section_size  }
0x9a: {  	s4 =	simm.s32 $_size__tile_overlayer_lowered;
	s5 =	simm.s32 $_tile_overlayer_lowered  }
0x9b: {  	s22 =	simm.s32 $0x1BFF;
	s21 =	sshll.u32 s5, $0x1;
	s2 =	sadd.s32 s19, s18  }
0x9c: {  	s6 =	simm.s32 $0x0;
	s20 =	sshll.u32 s4, $0x1;
	s4 =	sadd.s32 s21, s2  }
0x9d: {  	[timem:s6], [sflag:s22] =	dma.local [hbm:s4], s20  }
0x9e: {  	_ =	swait.ge [sflag:s22], s20  }
0x9f: {  	s3 =	ssub.s32 $0x0, s20;
	[sflag:s22] =	ssyncset.done $0x0  }
0xa0: {  	[sflag:s22] =	ssyncadd.s32 s3;
	_ =	sdelay $0x1  }
0xa1: {  	s23 =	simm.s32 $0x1B8B  }
0xa2: {  	_ =	swait.ge [sflag:s23], $0x1  }
0xa3: {  	[sflag:s23] =	ssyncset.done $0x0  }
0xa4: {  	s25 =	simm.s32 $0x1B8E;
	s24 =	sld [smem:$0x3FFE];
	[sflag:s23] =	ssyncadd.s32 $0xFFFFFFFF  }
0xa5: {  	s26 =	simm.s32 $execute0_lowered;
	[smem:$0x3FD2] =	sst s25  }
0xa6: {  	s4 =	sshll.u32 s26, $0x1;
	_ =	strace $0x8000004C;
	[dreg:$0x1] =	wrdreg $0xFFFFFFFF  }
0xa7: {  	s28 =	simm.s32 $_size_execute0_lowered;
	s2 =	sadd.s32 s2, s4;
	[dreg:$0x0] =	wrdreg $0x0  }
0xa8: {  	s4 =	sshll.u32 s28, $0x1;
	[dreg:$0x2] =	wrdreg s2  }
0xa9: {  	[dreg:$0x3] =	wrdreg s4  }
0xaa: {  	[dreg:$0x4] =	wrdreg $0xC0  }
0xab: {  	_ =	task [dreg:s6], $0x5FFFF  }
0xac: {  	[dreg:$0x1] =	wrdreg $0xFFFFFFFF  }
0xad: {  	[dreg:$0x0] =	wrdreg $0x60  }
0xae: {  	[dreg:$0x2] =	wrdreg s24  }
0xaf: {  	[dreg:$0x3] =	wrdreg $0x90000  }
0xb0: {  	[dreg:$0x4] =	wrdreg $0x9  }
0xb1: {  	_ =	task.clear_ibuf [dreg:s6], $0x5FFFF;
	_ =	strace $0x9000004C  }
0xb2: {  	s29 =	simm.s32 $0x9;
	_ =	strace $0x8000004E  }
0xb3: {  	_ =	swait.ge [sflag:s29], $0x1  }
0xb4: {  	[sflag:s29] =	ssyncadd.s32 $0xFFFFFFFF  }
0xb5: {  	_ =	strace $0x9000004E  }
0xb6: {  	_ =	sfence  }
0xb7: {  	s30 =	sld [smem:$0x0];
	_ =	sdelay $0x2  }
0xb8: {  	s31 =	sshll.u32 s1, $0xD;
	s1 =	sshrl.u32 s1, $0x2  }
0xb9: {  	s3 =	sand.u32 $0x4000, s31;
	s1 =	sadd.s32 s1, s30  }
0xba: {  	s0 =	sor.u32 s3, s0;
	s1 =	sshll.u32 s1, $0x11  }
0xbb: {  	s0 =	sor.u32 s1, s0  }
0xbc: {  	s0 =	sadd.s32 $0x8F2B, s0  }
0xbd: {  	[sflag:s0] =	ssyncadd.remote.s32 $0x1  }
0xbe: {  	_ =	sfence.sel $0xFFFF  }
0xbf: {  	[dreg:$0x0] =	wrdreg $0xFFFFFFFF;
	(pc) =	sbr.abs _section_cstart, $3  }
0xc0: {  	[dreg:$0x1] =	wrdreg $0xFFFFFFFF  }
0xc1: {  	_ =	task.clear_ibuf [dreg:s6], $0x2FFFF;
	_ =	strace $0x9FFFFFFF  }
0xc2: {  	(tm) =	ssettm $0x7FFFFFFF  }
0xc3: {  	_ =	shalt  }
tec
execute0_lowered:
.L_overlay_start_1:
0x0: {  	(tag) =	ssettag $0x1  }
0x1: {  	s1 =	srdreg.scid  }
0x2: {  	s0 =	stileid.u32;
	s5 =	rddreg [dreg:$0x0]  }
0x3: {  	s2 =	rddreg [dreg:$0x1];
	s3 =	simm.s32 $0x0;
	s14 =	simm.s32 $0x5000  }
0x4: {  	s15 =	simm.s32 $0x1;
	s6 =	sand.u32 $0x1, s1;
	s1 =	rddreg [dreg:$0x2]  }
0x5: {  	s26 =	sshll.u32 s0, $0x1;
	[smem:$0x7FF] =	sst s3;
	s16 =	smul.u32 $0x2800, s0  }
0x6: {  	s28 =	smul.u32 $0x50000, s0;
	s31 =	sshll.u32 s0, $0x6;
	s4 =	sor.u32 s6, s26  }
0x7: {  	_ =	strace $0x8000004D;
	s8 =	smul.u32 $0x28000, s6;
	s6 =	ssub.s32 $0x2, s6  }
0x8: {  	s7 =	smul.u32 $0x500, s4;
	s4 =	sadd.s32 $0x18C00, s5;
	s10 =	sadd.s32 s16, s5  }
0x9: {  	s29 =	sshrl.u32 s6, $0x1;
	s30 =	sshrl.u32 s28, $0x2;
	s11 =	sadd.s32 s8, s5  }
0xa: {  	s12 =	ssub.s32 s6, s29;
	s13 =	sadd.s32 s30, s2;
	s6 =	sor.u32 $0x1C02, s31  }
0xb: {  	s9 =	sadd.s32 s7, s5;
	s5 =	sadd.s32 $0x3FE00, s10;
	s17 =	sadd.s32 $0x67E00, s11  }
0xc: {  	s10 =	sshrl.u32 s13, $0x3;
	s11 =	simm.s32 $0x2;
	s13 =	simm.s32 $0x80  }
0xd: {  	s7 =	sadd.s32 $0xEC00, s9;
	s8 =	sadd.s32 $0x4C00, s9;
	s9 =	smax.u32 s12, $0x1  }
0xe: {  	s12 =	simm.s32 $0x2800;
	s16 =	sadd.s32 s16, s17;
	s17 =	simm.s32 $0x0  }
.LBB2_1:
0xf: {  	[spmem:s10], [sflag:s6] =	dma.local [hbm:s5], $0x2800  }
0x10: {  	_ =	swait.ge [sflag:s11], $0x2800  }
0x11: {  	[sflag:s11] =	ssyncset.done $0x0  }
0x12: {  	[sflag:s11] =	ssyncadd.s32 $0xFFFFD800  }
0x13: {  	[tilespmem:s3], [sflag:$0x2] =	stream.linear.gather [hbm4b:s7+s3], $0x2780, $0x38;
	[tilespmem:$0x1D000] =	vst v63  }
0x14: {  	_ =	swait.ge [sflag:s11], $0x2780  }
0x15: {  	[sflag:s11] =	ssyncset.done $0x0  }
0x16: {  	[sflag:s11] =	ssyncadd.s32 $0xFFFFD880  }
0x17: {  	[tilespmem:s12], [sflag:$0x2] =	stream.linear.gather [hbm4b:s8+s3], $0x2780, $0x38;
	[tilespmem:$0x1D000] =	vst v63  }
0x18: {  	_ =	swait.ge [sflag:s11], $0x2780  }
0x19: {  	[sflag:s11] =	ssyncset.done $0x0  }
0x1a: {  	[sflag:s11] =	ssyncadd.s32 $0xFFFFD880  }
0x1b: {  	s18 =	simm.s32 $0x0;
	[bflag:$0x0] =	sbarrier.arrive $0xFFFF  }
0x1c: {  	[tilespmem:s14], [sflag:$0x1] =	stream.indirect.gather [hbm4b:s4+s13], $0x80, s18, s13, $0xb8;
	[tilespmem:$0x1D000] =	vst v63  }
0x1d: {  	_ =	swait.ge [sflag:s15], $0x4000  }
0x1e: {  	[sflag:s15] =	ssyncset.done $0x0  }
0x1f: {  	s31 =	simm.s32 $0x2800;
	[sflag:s15] =	ssyncadd.s32 $0xFFFFC000  }
0x20: {  	[spmem:s2] =	stream.indirect.scatter.add.f32 [tilespmem:s14], [sflag:$0x2], $0x80, s31, s13, $0xb8;
	[tilespmem:$0x1D000] =	vst v63  }
0x21: {  	_ =	swait.ge [sflag:s11], $0x4000  }
0x22: {  	s19 =	simm.s32 $0x400;
	s18 =	simm.s32 $0x200;
	[sflag:s11] =	ssyncset.done $0x0  }
.LBB2_2:
0x23: {  	s20 =	sshra.s32 s18, $0x2  }
0x24: {  	[sflag:s11] =	ssyncadd.s32 $0xFFFFC000;
	s18 =	smov.u32 s19;
	s21 =	sadd.s32 $0x200, s19  }
0x25: {  	[tilespmem:s14], [sflag:$0x1] =	stream.indirect.gather [hbm4b:s4+s13], $0x80, s20, s13, $0xb8;
	[tilespmem:$0x1D000] =	vst v63  }
0x26: {  	p0 =	sne.s32 s19, $0x9C00;
	_ =	swait.ge [sflag:s15], $0x4000  }
.Ltmp0:
0x27: {  	[sflag:s15] =	ssyncset.done $0x0;
	(pc) =	sbr.rel @p0 .LBB2_2-.Ltmp0, $4  }
0x28: {  	s19 =	sadd.s32 $0x2800, s20;
	[sflag:s15] =	ssyncadd.s32 $0xFFFFC000  }
0x29: {  	[spmem:s2] =	stream.indirect.scatter.add.f32 [tilespmem:s14], [sflag:$0x2], $0x80, s19, s13, $0xb8;
	[tilespmem:$0x1D000] =	vst v63  }
0x2a: {  	_ =	swait.ge [sflag:s11], $0x4000  }
0x2b: {  	s19 =	smov.u32 s21;
	[sflag:s11] =	ssyncset.done $0x0  }
0x2c: {  	s18 =	sshra.s32 s18, $0x2;
	[sflag:s11] =	ssyncadd.s32 $0xFFFFC000  }
0x2d: {  	[tilespmem:s14], [sflag:$0x1] =	stream.indirect.gather [hbm4b:s4+s13], $0x80, s18, s13, $0xb8;
	[tilespmem:$0x1D000] =	vst v63  }
0x2e: {  	_ =	swait.ge [sflag:s15], $0x4000  }
0x2f: {  	[sflag:s15] =	ssyncset.done $0x0  }
0x30: {  	s18 =	sadd.s32 $0x2800, s18;
	[sflag:s15] =	ssyncadd.s32 $0xFFFFC000  }
0x31: {  	[spmem:s2] =	stream.indirect.scatter.add.f32 [tilespmem:s14], [sflag:$0x2], $0x80, s18, s13, $0xb8;
	[tilespmem:$0x1D000] =	vst v63  }
0x32: {  	_ =	swait.ge [sflag:s11], $0x4000  }
0x33: {  	s17 =	sadd.s32 $0x1, s17;
	[sflag:s11] =	ssyncset.done $0x0  }
0x34: {  	p0 =	sne.s32 s17, s9;
	[sflag:s11] =	ssyncadd.s32 $0xFFFFC000  }
.Ltmp1:
0x35: {  	[bflag:$0x0] =	sbarrier.arrive $0xFFFF;
	(pc) =	sbr.rel @p0 .LBB2_1-.Ltmp1, $4  }
0x36: {  	[hbm:s16], [sflag:s6] =	dma.local [spmem:s10], $0x2800  }
0x37: {  	_ =	swait.ge [sflag:s11], $0x2800  }
0x38: {  	[sflag:s11] =	ssyncset.done $0x0  }
0x39: {  	[sflag:s11] =	ssyncadd.s32 $0xFFFFD800  }
0x3a: {  	_ =	sfence.sel $0x180000  }
0x3b: {  	[bflag:$0x0] =	sbarrier.arrive $0xFFFF  }
0x3c: {  	p0 =	sne.s32 s0, $0x0;
	_ =	strace $0x9000004D  }
0x3d: {  	s0 =	sadd.s32 @!p0 $0x100000, s1;
	[bflag:$0x2] =	sbarrier.arrive $0xFFFF  }
0x3e: {  	[sflag:s0] =	ssyncadd.tile.s32 @!p0 $0x1;
	_ =	shalt  }
.Lfunc_end2:
_tile_overlayer_lowered:
.L_overlay_start_2:
0x3f: {  	(tag) =	ssettag $0x2  }
0x40: {  	s0 =	rddreg [dreg:$0x0];
	s2 =	stileid.u32  }
0x41: {  	s1 =	rddreg [dreg:$0x1];
	p0 =	sne.s32 s2, $0x0  }
0x42: {  	s3 =	rddreg [dreg:$0x2];
	[bflag:$0x3] =	sbarrier.arrive $0xFFFF;
	s2 =	simm.s32 @!p0 $0x1C02  }
0x43: {  	[timem:s3], [sflag:s2] =	dma.local @!p0 [hbm:s0], s1  }
0x44: {  	s0 =	simm.s32 @!p0 $0x2  }
0x45: {  	_ =	swait.ge @!p0 [sflag:s0], s1  }
0x46: {  	s1 =	ssub.s32 @!p0 $0x0, s1;
	[sflag:s0] =	ssyncset.done @!p0 $0x0  }
0x47: {  	[sflag:s0] =	ssyncadd.s32 @!p0 s1  }
0x48: {  	[bflag:$0x3] =	sbarrier.arrive $0xFFFF  }
0x49: {  	_ =	shalt  }

// kernel: kernel.24.cloned.1.call-start
scs
__scs_entry_jumppad:
0x0: {  	(pc) =	sbr.rel $0x88, $3  }
0x1: {  	(tag) =	ssettag $0x0;
	lr =	simm.s32 $0x1  }
0x2: {  	[smem:$0x3F93] =	sst lr;
	_ =	strace $0xD0000000  }
0x3: {  	_ = 	snop  }
0x4: {  	_ = 	snop  }
0x5: {  	_ = 	snop  }
0x6: {  	_ = 	snop  }
0x7: {  	_ = 	snop  }
__scs_overlays_trampoline_lowered:
0x8: {  	[smem:$0x3FA2] =	sst s0  }
0x9: {  	[smem:$0x3FA3] =	sst s1  }
0xa: {  	[smem:$0x3FA4] =	sst s2  }
0xb: {  	[smem:$0x3FA5] =	sst s3  }
0xc: {  	[smem:$0x3FA6] =	sst s4  }
0xd: {  	[smem:$0x3FA7] =	sst s5  }
0xe: {  	[smem:$0x3FA8] =	sst s6  }
0xf: {  	[smem:$0x3FA9] =	sst s7  }
0x10: {  	[smem:$0x3FAA] =	sst s8  }
0x11: {  	[smem:$0x3FAB] =	sst s9;
	s0 =	simm.s32 @!p0 $0x0  }
0x12: {  	s1 =	sld [smem:$0x3F91];
	s0 =	simm.s32 @p0 $0x1  }
0x13: {  	[smem:$0x3FAC] =	sst s0;
	s0 =	simm.s32 @!p1 $0x0  }
0x14: {  	s2 =	sld [smem:$0x3F90];
	s0 =	simm.s32 @p1 $0x1  }
0x15: {  	[smem:$0x3FAD] =	sst s0;
	s0 =	simm.s32 @!p2 $0x0  }
0x16: {  	s3 =	sld [smem:$0x3FDB];
	s0 =	simm.s32 @p2 $0x1  }
0x17: {  	s4 =	simm.s32 $0x1BF5;
	[smem:$0x3FAF] =	sst s0  }
0x18: {  	s0 =	sld [smem:$0x3F92];
	_ =	swait.ge [sflag:s4], $0x0  }
0x19: {  	s7 =	sld [smem:$0x3F93]  }
0x1a: {  	s8 =	sadd.s32 $0xFFFFE003, lr  }
0x1b: {  	s9 =	sadd.s32 $0xFFFFFEF7, lr;
	s5 =	simm.s32 $0xFFFFFFFF;
	p2 =	slt.u32 s8, $0xFFFFF086  }
0x1c: {  	p1 =	slt.u32 s9, $0xF7A;
	s5 =	simm.s32 @!p2 $0x0  }
0x1d: {  	s5 =	simm.s32 @p1 $0x1;
	p0 =	seq.s32 s7, s2  }
0x1e: {  	s7 =	smul.u32 @!p0 $0xF7A, s2;
	p2 =	seq.s32 @!p0 s5, $0x0  }
0x1f: {  	s9 =	smul.u32 $0xF7A, s1;
	s8 =	simm.s32 @!p0 $0x1BF5;
	p2 =	por !p2, p0  }
0x20: {  	[sflag:s8] =	ssyncset.s32 @!p0 $0xFFFFF086;
	s6 =	sadd.s32 @!p0 s3, s7;
	s7 =	simm.s32 @!p0 $0x108  }
0x21: {  	s3 =	sadd.s32 s3, s9;
	s6 =	sadd.s32 @!p0 $0x88, s6;
	s7 =	simm.s32 @p2 $0x1082  }
0x22: {  	[simem:s7], [sflag:s8] =	dma.local @!p0 [hbm:s6], $0xF7A  }
0x23: {  	s9 =	sor.u32 $0xD0000000, s2;
	s6 =	simm.s32 $0x108;
	_ =	swait.ge @!p0 [sflag:s8], $0x0  }
0x24: {  	s3 =	sadd.s32 $0x88, s3;
	s6 =	simm.s32 @!p1 $0x1082;
	[sflag:s4] =	ssyncset.s32 $0xFFFFF086  }
0x25: {  	[simem:s6], [sflag:s4] =	dma.local [hbm:s3], $0xF7A  }
0x26: {  	[smem:$0x3F93] =	sst s1;
	(tag) =	ssettag s2;
	_ =	strace s9  }
0x27: {  	s1 =	sld [smem:$0x3FA3]  }
0x28: {  	s2 =	sld [smem:$0x3FA4]  }
0x29: {  	s4 =	sld [smem:$0x3FA6]  }
0x2a: {  	p0 =	seq.s32 s5, $0x0;
	s5 =	sld [smem:$0x3FA7]  }
0x2b: {  	s6 =	sld [smem:$0x3FA8]  }
0x2c: {  	s7 =	sld [smem:$0x3FA9]  }
0x2d: {  	s3 =	simm.s32 $0x108;
	s8 =	sld [smem:$0x3FAA]  }
0x2e: {  	s3 =	simm.s32 @!p0 $0x1082;
	s9 =	sld [smem:$0x3FAB]  }
0x2f: {  	lr =	sadd.s32 s0, s3;
	s0 =	sld [smem:$0x3FA2]  }
0x30: {  	s3 =	sld [smem:$0x3FA5]  }
0x31: {  	[smem:$0x3FAE] =	sst s10  }
0x32: {  	s10 =	sld [smem:$0x3FAC];
	_ =	sdelay $0x3  }
0x33: {  	p0 =	seq.s32 s10, $0x1;
	s10 =	sld [smem:$0x3FAE];
	_ =	sdelay $0x3  }
0x34: {  	[smem:$0x3FAE] =	sst s10  }
0x35: {  	s10 =	sld [smem:$0x3FAD];
	_ =	sdelay $0x3  }
0x36: {  	p1 =	seq.s32 s10, $0x1;
	s10 =	sld [smem:$0x3FAE];
	_ =	sdelay $0x3  }
0x37: {  	[smem:$0x3FAE] =	sst s10  }
0x38: {  	s10 =	sld [smem:$0x3FAF]  }
0x39: {  	_ = 	snop;
	(pc) =	sbr.ind lr, $3  }
0x3a: {  	_ = 	snop  }
0x3b: {  	_ = 	snop  }
0x3c: {  	p2 =	seq.s32 s10, $0x1;
	s10 =	sld [smem:$0x3FAE]  }
0x3d: {  	_ =	shalt  }
0x3e: {  	_ =	shalt  }
0x3f: {  	_ =	shalt  }
0x40: {  	_ =	shalt  }
0x41: {  	_ =	shalt  }
0x42: {  	_ =	shalt  }
0x43: {  	_ =	shalt  }
0x44: {  	_ =	shalt  }
0x45: {  	_ =	shalt  }
0x46: {  	_ =	shalt  }
0x47: {  	_ =	shalt  }
0x48: {  	_ =	shalt  }
0x49: {  	_ =	shalt  }
0x4a: {  	_ =	shalt  }
0x4b: {  	_ =	shalt  }
0x4c: {  	_ =	shalt  }
0x4d: {  	_ =	shalt  }
0x4e: {  	_ =	shalt  }
0x4f: {  	_ =	shalt  }
0x50: {  	_ =	shalt  }
0x51: {  	_ =	shalt  }
0x52: {  	_ =	shalt  }
0x53: {  	_ =	shalt  }
0x54: {  	_ =	shalt  }
0x55: {  	_ =	shalt  }
0x56: {  	_ =	shalt  }
0x57: {  	_ =	shalt  }
0x58: {  	_ =	shalt  }
0x59: {  	_ =	shalt  }
0x5a: {  	_ =	shalt  }
0x5b: {  	_ =	shalt  }
0x5c: {  	_ =	shalt  }
0x5d: {  	_ =	shalt  }
0x5e: {  	_ =	shalt  }
0x5f: {  	_ =	shalt  }
0x60: {  	_ =	shalt  }
0x61: {  	_ =	shalt  }
0x62: {  	_ =	shalt  }
0x63: {  	_ =	shalt  }
0x64: {  	_ =	shalt  }
0x65: {  	_ =	shalt  }
0x66: {  	_ =	shalt  }
0x67: {  	_ =	shalt  }
0x68: {  	_ =	shalt  }
0x69: {  	_ =	shalt  }
0x6a: {  	_ =	shalt  }
0x6b: {  	_ =	shalt  }
0x6c: {  	_ =	shalt  }
0x6d: {  	_ =	shalt  }
0x6e: {  	_ =	shalt  }
0x6f: {  	_ =	shalt  }
0x70: {  	_ =	shalt  }
0x71: {  	_ =	shalt  }
0x72: {  	_ =	shalt  }
0x73: {  	_ =	shalt  }
0x74: {  	_ =	shalt  }
0x75: {  	_ =	shalt  }
0x76: {  	_ =	shalt  }
0x77: {  	_ =	shalt  }
0x78: {  	_ =	shalt  }
0x79: {  	_ =	shalt  }
0x7a: {  	_ =	shalt  }
0x7b: {  	_ =	shalt  }
0x7c: {  	_ =	shalt  }
0x7d: {  	_ =	shalt  }
0x7e: {  	_ =	shalt  }
0x7f: {  	_ =	shalt  }
0x80: {  	_ =	shalt  }
0x81: {  	_ =	shalt  }
0x82: {  	_ =	shalt  }
0x83: {  	_ =	shalt  }
0x84: {  	_ =	shalt  }
0x85: {  	_ =	shalt  }
0x86: {  	_ =	shalt  }
0x87: {  	_ =	shalt  }
.Lfunc_end0:
.L_simem_size_0:
called_computation.3_lowered:
.L_overlay_start_0:
0x88: {  	s2 =	sld [smem:$0x3FD9]  }
0x89: {  	s3 =	sld [smem:$0x3FFE];
	_ =	sdelay $0x1  }
0x8a: {  	s1 =	srdreg.scid  }
0x8b: {  	s0 =	sand.u32 $0x1, s1  }
0x8c: {  	s16 =	sshll.u32 s0, $0xA;
	s2 =	sadd.s32 s3, s2  }
0x8d: {  	s2 =	sadd.s32 s2, s16  }
0x8e: {  	[smem:$0x3FBA] =	sst s2  }
0x8f: {  	_ = 	snop  }
0x90: {  	(tm) =	ssettm $0x1  }
0x91: {  	s17 =	sld [smem:$0x3FFB];
	_ =	sdelay $0x3  }
0x92: {  	_ =	strace s17  }
0x93: {  	s2 =	sld [smem:$0x3FFC];
	_ =	sdelay $0x3  }
0x94: {  	_ =	strace s2  }
0x95: {  	s2 =	sld [smem:$0x3FFD];
	_ =	sdelay $0x3  }
0x96: {  	_ =	strace s2  }
0x97: {  	_ =	strace $0x8FFFFFFF  }
0x98: {  	s18 =	sld [smem:$0x3FDB];
	_ =	sdelay $0x1  }
0x99: {  	s19 =	simm.s32 $_scs_section_size  }
0x9a: {  	s4 =	simm.s32 $_size__tile_overlayer_lowered;
	s5 =	simm.s32 $_tile_overlayer_lowered  }
0x9b: {  	s22 =	simm.s32 $0x1BFF;
	s21 =	sshll.u32 s5, $0x1;
	s2 =	sadd.s32 s19, s18  }
0x9c: {  	s6 =	simm.s32 $0x0;
	s20 =	sshll.u32 s4, $0x1;
	s4 =	sadd.s32 s21, s2  }
0x9d: {  	[timem:s6], [sflag:s22] =	dma.local [hbm:s4], s20  }
0x9e: {  	_ =	swait.ge [sflag:s22], s20  }
0x9f: {  	s3 =	ssub.s32 $0x0, s20;
	[sflag:s22] =	ssyncset.done $0x0  }
0xa0: {  	[sflag:s22] =	ssyncadd.s32 s3;
	_ =	sdelay $0x1  }
0xa1: {  	s23 =	simm.s32 $0x1B8B  }
0xa2: {  	_ =	swait.ge [sflag:s23], $0x1  }
0xa3: {  	[sflag:s23] =	ssyncset.done $0x0  }
0xa4: {  	s25 =	simm.s32 $0x1B8E;
	s24 =	sld [smem:$0x3FFE];
	[sflag:s23] =	ssyncadd.s32 $0xFFFFFFFF  }
0xa5: {  	s26 =	simm.s32 $execute0_lowered;
	[smem:$0x3FD2] =	sst s25  }
0xa6: {  	s4 =	sshll.u32 s26, $0x1;
	_ =	strace $0x8000004F;
	[dreg:$0x1] =	wrdreg $0xFFFFFFFF  }
0xa7: {  	s28 =	simm.s32 $_size_execute0_lowered;
	s2 =	sadd.s32 s2, s4;
	[dreg:$0x0] =	wrdreg $0x0  }
0xa8: {  	s4 =	sshll.u32 s28, $0x1;
	[dreg:$0x2] =	wrdreg s2  }
0xa9: {  	[dreg:$0x3] =	wrdreg s4  }
0xaa: {  	[dreg:$0x4] =	wrdreg $0xC0  }
0xab: {  	_ =	task [dreg:s6], $0x5FFFF  }
0xac: {  	[dreg:$0x1] =	wrdreg $0xFFFFFFFF  }
0xad: {  	[dreg:$0x0] =	wrdreg $0x60  }
0xae: {  	[dreg:$0x2] =	wrdreg s24  }
0xaf: {  	[dreg:$0x3] =	wrdreg $0x90000  }
0xb0: {  	[dreg:$0x4] =	wrdreg $0x9  }
0xb1: {  	_ =	task.clear_ibuf [dreg:s6], $0x5FFFF;
	_ =	strace $0x9000004F  }
0xb2: {  	s29 =	simm.s32 $0x9;
	_ =	strace $0x80000051  }
0xb3: {  	_ =	swait.ge [sflag:s29], $0x1  }
0xb4: {  	[sflag:s29] =	ssyncadd.s32 $0xFFFFFFFF  }
0xb5: {  	_ =	strace $0x90000051  }
0xb6: {  	_ =	sfence  }
0xb7: {  	s30 =	sld [smem:$0x0];
	_ =	sdelay $0x2  }
0xb8: {  	s31 =	sshll.u32 s1, $0xD;
	s1 =	sshrl.u32 s1, $0x2  }
0xb9: {  	s3 =	sand.u32 $0x4000, s31;
	s1 =	sadd.s32 s1, s30  }
0xba: {  	s0 =	sor.u32 s3, s0;
	s1 =	sshll.u32 s1, $0x11  }
0xbb: {  	s0 =	sor.u32 s1, s0  }
0xbc: {  	s0 =	sadd.s32 $0x8F2B, s0  }
0xbd: {  	[sflag:s0] =	ssyncadd.remote.s32 $0x1  }
0xbe: {  	_ =	sfence.sel $0xFFFF  }
0xbf: {  	[dreg:$0x0] =	wrdreg $0xFFFFFFFF;
	(pc) =	sbr.abs _section_cstart, $3  }
0xc0: {  	[dreg:$0x1] =	wrdreg $0xFFFFFFFF  }
0xc1: {  	_ =	task.clear_ibuf [dreg:s6], $0x2FFFF;
	_ =	strace $0x9FFFFFFF  }
0xc2: {  	(tm) =	ssettm $0x7FFFFFFF  }
0xc3: {  	_ =	shalt  }
tec
execute0_lowered:
.L_overlay_start_1:
0x0: {  	(tag) =	ssettag $0x1  }
0x1: {  	s1 =	srdreg.scid  }
0x2: {  	s0 =	stileid.u32;
	s5 =	rddreg [dreg:$0x0]  }
0x3: {  	s2 =	rddreg [dreg:$0x1];
	s3 =	simm.s32 $0x0;
	s14 =	simm.s32 $0x5000  }
0x4: {  	s15 =	simm.s32 $0x1;
	s6 =	sand.u32 $0x1, s1;
	s1 =	rddreg [dreg:$0x2]  }
0x5: {  	s26 =	sshll.u32 s0, $0x1;
	[smem:$0x7FF] =	sst s3;
	s16 =	smul.u32 $0x2800, s0  }
0x6: {  	s28 =	smul.u32 $0x50000, s0;
	s31 =	sshll.u32 s0, $0x6;
	s4 =	sor.u32 s6, s26  }
0x7: {  	_ =	strace $0x80000050;
	s8 =	smul.u32 $0x28000, s6;
	s6 =	ssub.s32 $0x2, s6  }
0x8: {  	s7 =	smul.u32 $0x500, s4;
	s4 =	sadd.s32 $0x18C00, s5;
	s10 =	sadd.s32 s16, s5  }
0x9: {  	s29 =	sshrl.u32 s6, $0x1;
	s30 =	sshrl.u32 s28, $0x2;
	s11 =	sadd.s32 s8, s5  }
0xa: {  	s12 =	ssub.s32 s6, s29;
	s13 =	sadd.s32 s30, s2;
	s6 =	sor.u32 $0x1C02, s31  }
0xb: {  	s9 =	sadd.s32 s7, s5;
	s5 =	sadd.s32 $0x3FE00, s10;
	s17 =	sadd.s32 $0x67E00, s11  }
0xc: {  	s10 =	sshrl.u32 s13, $0x3;
	s11 =	simm.s32 $0x2;
	s13 =	simm.s32 $0x80  }
0xd: {  	s7 =	sadd.s32 $0xEC00, s9;
	s8 =	sadd.s32 $0x4C00, s9;
	s9 =	smax.u32 s12, $0x1  }
0xe: {  	s12 =	simm.s32 $0x2800;
	s16 =	sadd.s32 s16, s17;
	s17 =	simm.s32 $0x0  }
.LBB2_1:
0xf: {  	[spmem:s10], [sflag:s6] =	dma.local [hbm:s5], $0x2800  }
0x10: {  	_ =	swait.ge [sflag:s11], $0x2800  }
0x11: {  	[sflag:s11] =	ssyncset.done $0x0  }
0x12: {  	[sflag:s11] =	ssyncadd.s32 $0xFFFFD800  }
0x13: {  	[tilespmem:s3], [sflag:$0x2] =	stream.linear.gather [hbm4b:s7+s3], $0x2780, $0x38;
	[tilespmem:$0x1D000] =	vst v63  }
0x14: {  	_ =	swait.ge [sflag:s11], $0x2780  }
0x15: {  	[sflag:s11] =	ssyncset.done $0x0  }
0x16: {  	[sflag:s11] =	ssyncadd.s32 $0xFFFFD880  }
0x17: {  	[tilespmem:s12], [sflag:$0x2] =	stream.linear.gather [hbm4b:s8+s3], $0x2780, $0x38;
	[tilespmem:$0x1D000] =	vst v63  }
0x18: {  	_ =	swait.ge [sflag:s11], $0x2780  }
0x19: {  	[sflag:s11] =	ssyncset.done $0x0  }
0x1a: {  	[sflag:s11] =	ssyncadd.s32 $0xFFFFD880  }
0x1b: {  	s18 =	simm.s32 $0x0;
	[bflag:$0x0] =	sbarrier.arrive $0xFFFF  }
0x1c: {  	[tilespmem:s14], [sflag:$0x1] =	stream.indirect.gather [hbm4b:s4+s13], $0x80, s18, s13, $0xb8;
	[tilespmem:$0x1D000] =	vst v63  }
0x1d: {  	_ =	swait.ge [sflag:s15], $0x4000  }
0x1e: {  	[sflag:s15] =	ssyncset.done $0x0  }
0x1f: {  	s31 =	simm.s32 $0x2800;
	[sflag:s15] =	ssyncadd.s32 $0xFFFFC000  }
0x20: {  	[spmem:s2] =	stream.indirect.scatter.add.f32 [tilespmem:s14], [sflag:$0x2], $0x80, s31, s13, $0xb8;
	[tilespmem:$0x1D000] =	vst v63  }
0x21: {  	_ =	swait.ge [sflag:s11], $0x4000  }
0x22: {  	s19 =	simm.s32 $0x400;
	s18 =	simm.s32 $0x200;
	[sflag:s11] =	ssyncset.done $0x0  }
.LBB2_2:
0x23: {  	s20 =	sshra.s32 s18, $0x2  }
0x24: {  	[sflag:s11] =	ssyncadd.s32 $0xFFFFC000;
	s18 =	smov.u32 s19;
	s21 =	sadd.s32 $0x200, s19  }
0x25: {  	[tilespmem:s14], [sflag:$0x1] =	stream.indirect.gather [hbm4b:s4+s13], $0x80, s20, s13, $0xb8;
	[tilespmem:$0x1D000] =	vst v63  }
0x26: {  	p0 =	sne.s32 s19, $0x9C00;
	_ =	swait.ge [sflag:s15], $0x4000  }
.Ltmp0:
0x27: {  	[sflag:s15] =	ssyncset.done $0x0;
	(pc) =	sbr.rel @p0 .LBB2_2-.Ltmp0, $4  }
0x28: {  	s19 =	sadd.s32 $0x2800, s20;
	[sflag:s15] =	ssyncadd.s32 $0xFFFFC000  }
0x29: {  	[spmem:s2] =	stream.indirect.scatter.add.f32 [tilespmem:s14], [sflag:$0x2], $0x80, s19, s13, $0xb8;
	[tilespmem:$0x1D000] =	vst v63  }
0x2a: {  	_ =	swait.ge [sflag:s11], $0x4000  }
0x2b: {  	s19 =	smov.u32 s21;
	[sflag:s11] =	ssyncset.done $0x0  }
0x2c: {  	s18 =	sshra.s32 s18, $0x2;
	[sflag:s11] =	ssyncadd.s32 $0xFFFFC000  }
0x2d: {  	[tilespmem:s14], [sflag:$0x1] =	stream.indirect.gather [hbm4b:s4+s13], $0x80, s18, s13, $0xb8;
	[tilespmem:$0x1D000] =	vst v63  }
0x2e: {  	_ =	swait.ge [sflag:s15], $0x4000  }
0x2f: {  	[sflag:s15] =	ssyncset.done $0x0  }
0x30: {  	s18 =	sadd.s32 $0x2800, s18;
	[sflag:s15] =	ssyncadd.s32 $0xFFFFC000  }
0x31: {  	[spmem:s2] =	stream.indirect.scatter.add.f32 [tilespmem:s14], [sflag:$0x2], $0x80, s18, s13, $0xb8;
	[tilespmem:$0x1D000] =	vst v63  }
0x32: {  	_ =	swait.ge [sflag:s11], $0x4000  }
0x33: {  	s17 =	sadd.s32 $0x1, s17;
	[sflag:s11] =	ssyncset.done $0x0  }
0x34: {  	p0 =	sne.s32 s17, s9;
	[sflag:s11] =	ssyncadd.s32 $0xFFFFC000  }
.Ltmp1:
0x35: {  	[bflag:$0x0] =	sbarrier.arrive $0xFFFF;
	(pc) =	sbr.rel @p0 .LBB2_1-.Ltmp1, $4  }
0x36: {  	[hbm:s16], [sflag:s6] =	dma.local [spmem:s10], $0x2800  }
0x37: {  	_ =	swait.ge [sflag:s11], $0x2800  }
0x38: {  	[sflag:s11] =	ssyncset.done $0x0  }
0x39: {  	[sflag:s11] =	ssyncadd.s32 $0xFFFFD800  }
0x3a: {  	_ =	sfence.sel $0x180000  }
0x3b: {  	[bflag:$0x0] =	sbarrier.arrive $0xFFFF  }
0x3c: {  	p0 =	sne.s32 s0, $0x0;
	_ =	strace $0x90000050  }
0x3d: {  	s0 =	sadd.s32 @!p0 $0x100000, s1;
	[bflag:$0x2] =	sbarrier.arrive $0xFFFF  }
0x3e: {  	[sflag:s0] =	ssyncadd.tile.s32 @!p0 $0x1;
	_ =	shalt  }
.Lfunc_end2:
_tile_overlayer_lowered:
.L_overlay_start_2:
0x3f: {  	(tag) =	ssettag $0x2  }
0x40: {  	s0 =	rddreg [dreg:$0x0];
	s2 =	stileid.u32  }
0x41: {  	s1 =	rddreg [dreg:$0x1];
	p0 =	sne.s32 s2, $0x0  }
0x42: {  	s3 =	rddreg [dreg:$0x2];
	[bflag:$0x3] =	sbarrier.arrive $0xFFFF;
	s2 =	simm.s32 @!p0 $0x1C02  }
0x43: {  	[timem:s3], [sflag:s2] =	dma.local @!p0 [hbm:s0], s1  }
0x44: {  	s0 =	simm.s32 @!p0 $0x2  }
0x45: {  	_ =	swait.ge @!p0 [sflag:s0], s1  }
0x46: {  	s1 =	ssub.s32 @!p0 $0x0, s1;
	[sflag:s0] =	ssyncset.done @!p0 $0x0  }
0x47: {  	[sflag:s0] =	ssyncadd.s32 @!p0 s1  }
0x48: {  	[bflag:$0x3] =	sbarrier.arrive $0xFFFF  }
0x49: {  	_ =	shalt  }

// kernel: kernel.27.cloned.1.call-start
scs
__scs_entry_jumppad:
0x0: {  	(pc) =	sbr.rel $0x88, $3  }
0x1: {  	(tag) =	ssettag $0x0;
	lr =	simm.s32 $0x1  }
0x2: {  	[smem:$0x3F93] =	sst lr;
	_ =	strace $0xD0000000  }
0x3: {  	_ = 	snop  }
0x4: {  	_ = 	snop  }
0x5: {  	_ = 	snop  }
0x6: {  	_ = 	snop  }
0x7: {  	_ = 	snop  }
__scs_overlays_trampoline_lowered:
0x8: {  	[smem:$0x3FA2] =	sst s0  }
0x9: {  	[smem:$0x3FA3] =	sst s1  }
0xa: {  	[smem:$0x3FA4] =	sst s2  }
0xb: {  	[smem:$0x3FA5] =	sst s3  }
0xc: {  	[smem:$0x3FA6] =	sst s4  }
0xd: {  	[smem:$0x3FA7] =	sst s5  }
0xe: {  	[smem:$0x3FA8] =	sst s6  }
0xf: {  	[smem:$0x3FA9] =	sst s7  }
0x10: {  	[smem:$0x3FAA] =	sst s8  }
0x11: {  	[smem:$0x3FAB] =	sst s9;
	s0 =	simm.s32 @!p0 $0x0  }
0x12: {  	s1 =	sld [smem:$0x3F91];
	s0 =	simm.s32 @p0 $0x1  }
0x13: {  	[smem:$0x3FAC] =	sst s0;
	s0 =	simm.s32 @!p1 $0x0  }
0x14: {  	s2 =	sld [smem:$0x3F90];
	s0 =	simm.s32 @p1 $0x1  }
0x15: {  	[smem:$0x3FAD] =	sst s0;
	s0 =	simm.s32 @!p2 $0x0  }
0x16: {  	s3 =	sld [smem:$0x3FDB];
	s0 =	simm.s32 @p2 $0x1  }
0x17: {  	s4 =	simm.s32 $0x1BF5;
	[smem:$0x3FAF] =	sst s0  }
0x18: {  	s0 =	sld [smem:$0x3F92];
	_ =	swait.ge [sflag:s4], $0x0  }
0x19: {  	s7 =	sld [smem:$0x3F93]  }
0x1a: {  	s8 =	sadd.s32 $0xFFFFE003, lr  }
0x1b: {  	s9 =	sadd.s32 $0xFFFFFEF7, lr;
	s5 =	simm.s32 $0xFFFFFFFF;
	p2 =	slt.u32 s8, $0xFFFFF086  }
0x1c: {  	p1 =	slt.u32 s9, $0xF7A;
	s5 =	simm.s32 @!p2 $0x0  }
0x1d: {  	s5 =	simm.s32 @p1 $0x1;
	p0 =	seq.s32 s7, s2  }
0x1e: {  	s7 =	smul.u32 @!p0 $0xF7A, s2;
	p2 =	seq.s32 @!p0 s5, $0x0  }
0x1f: {  	s9 =	smul.u32 $0xF7A, s1;
	s8 =	simm.s32 @!p0 $0x1BF5;
	p2 =	por !p2, p0  }
0x20: {  	[sflag:s8] =	ssyncset.s32 @!p0 $0xFFFFF086;
	s6 =	sadd.s32 @!p0 s3, s7;
	s7 =	simm.s32 @!p0 $0x108  }
0x21: {  	s3 =	sadd.s32 s3, s9;
	s6 =	sadd.s32 @!p0 $0x88, s6;
	s7 =	simm.s32 @p2 $0x1082  }
0x22: {  	[simem:s7], [sflag:s8] =	dma.local @!p0 [hbm:s6], $0xF7A  }
0x23: {  	s9 =	sor.u32 $0xD0000000, s2;
	s6 =	simm.s32 $0x108;
	_ =	swait.ge @!p0 [sflag:s8], $0x0  }
0x24: {  	s3 =	sadd.s32 $0x88, s3;
	s6 =	simm.s32 @!p1 $0x1082;
	[sflag:s4] =	ssyncset.s32 $0xFFFFF086  }
0x25: {  	[simem:s6], [sflag:s4] =	dma.local [hbm:s3], $0xF7A  }
0x26: {  	[smem:$0x3F93] =	sst s1;
	(tag) =	ssettag s2;
	_ =	strace s9  }
0x27: {  	s1 =	sld [smem:$0x3FA3]  }
0x28: {  	s2 =	sld [smem:$0x3FA4]  }
0x29: {  	s4 =	sld [smem:$0x3FA6]  }
0x2a: {  	p0 =	seq.s32 s5, $0x0;
	s5 =	sld [smem:$0x3FA7]  }
0x2b: {  	s6 =	sld [smem:$0x3FA8]  }
0x2c: {  	s7 =	sld [smem:$0x3FA9]  }
0x2d: {  	s3 =	simm.s32 $0x108;
	s8 =	sld [smem:$0x3FAA]  }
0x2e: {  	s3 =	simm.s32 @!p0 $0x1082;
	s9 =	sld [smem:$0x3FAB]  }
0x2f: {  	lr =	sadd.s32 s0, s3;
	s0 =	sld [smem:$0x3FA2]  }
0x30: {  	s3 =	sld [smem:$0x3FA5]  }
0x31: {  	[smem:$0x3FAE] =	sst s10  }
0x32: {  	s10 =	sld [smem:$0x3FAC];
	_ =	sdelay $0x3  }
0x33: {  	p0 =	seq.s32 s10, $0x1;
	s10 =	sld [smem:$0x3FAE];
	_ =	sdelay $0x3  }
0x34: {  	[smem:$0x3FAE] =	sst s10  }
0x35: {  	s10 =	sld [smem:$0x3FAD];
	_ =	sdelay $0x3  }
0x36: {  	p1 =	seq.s32 s10, $0x1;
	s10 =	sld [smem:$0x3FAE];
	_ =	sdelay $0x3  }
0x37: {  	[smem:$0x3FAE] =	sst s10  }
0x38: {  	s10 =	sld [smem:$0x3FAF]  }
0x39: {  	_ = 	snop;
	(pc) =	sbr.ind lr, $3  }
0x3a: {  	_ = 	snop  }
0x3b: {  	_ = 	snop  }
0x3c: {  	p2 =	seq.s32 s10, $0x1;
	s10 =	sld [smem:$0x3FAE]  }
0x3d: {  	_ =	shalt  }
0x3e: {  	_ =	shalt  }
0x3f: {  	_ =	shalt  }
0x40: {  	_ =	shalt  }
0x41: {  	_ =	shalt  }
0x42: {  	_ =	shalt  }
0x43: {  	_ =	shalt  }
0x44: {  	_ =	shalt  }
0x45: {  	_ =	shalt  }
0x46: {  	_ =	shalt  }
0x47: {  	_ =	shalt  }
0x48: {  	_ =	shalt  }
0x49: {  	_ =	shalt  }
0x4a: {  	_ =	shalt  }
0x4b: {  	_ =	shalt  }
0x4c: {  	_ =	shalt  }
0x4d: {  	_ =	shalt  }
0x4e: {  	_ =	shalt  }
0x4f: {  	_ =	shalt  }
0x50: {  	_ =	shalt  }
0x51: {  	_ =	shalt  }
0x52: {  	_ =	shalt  }
0x53: {  	_ =	shalt  }
0x54: {  	_ =	shalt  }
0x55: {  	_ =	shalt  }
0x56: {  	_ =	shalt  }
0x57: {  	_ =	shalt  }
0x58: {  	_ =	shalt  }
0x59: {  	_ =	shalt  }
0x5a: {  	_ =	shalt  }
0x5b: {  	_ =	shalt  }
0x5c: {  	_ =	shalt  }
0x5d: {  	_ =	shalt  }
0x5e: {  	_ =	shalt  }
0x5f: {  	_ =	shalt  }
0x60: {  	_ =	shalt  }
0x61: {  	_ =	shalt  }
0x62: {  	_ =	shalt  }
0x63: {  	_ =	shalt  }
0x64: {  	_ =	shalt  }
0x65: {  	_ =	shalt  }
0x66: {  	_ =	shalt  }
0x67: {  	_ =	shalt  }
0x68: {  	_ =	shalt  }
0x69: {  	_ =	shalt  }
0x6a: {  	_ =	shalt  }
0x6b: {  	_ =	shalt  }
0x6c: {  	_ =	shalt  }
0x6d: {  	_ =	shalt  }
0x6e: {  	_ =	shalt  }
0x6f: {  	_ =	shalt  }
0x70: {  	_ =	shalt  }
0x71: {  	_ =	shalt  }
0x72: {  	_ =	shalt  }
0x73: {  	_ =	shalt  }
0x74: {  	_ =	shalt  }
0x75: {  	_ =	shalt  }
0x76: {  	_ =	shalt  }
0x77: {  	_ =	shalt  }
0x78: {  	_ =	shalt  }
0x79: {  	_ =	shalt  }
0x7a: {  	_ =	shalt  }
0x7b: {  	_ =	shalt  }
0x7c: {  	_ =	shalt  }
0x7d: {  	_ =	shalt  }
0x7e: {  	_ =	shalt  }
0x7f: {  	_ =	shalt  }
0x80: {  	_ =	shalt  }
0x81: {  	_ =	shalt  }
0x82: {  	_ =	shalt  }
0x83: {  	_ =	shalt  }
0x84: {  	_ =	shalt  }
0x85: {  	_ =	shalt  }
0x86: {  	_ =	shalt  }
0x87: {  	_ =	shalt  }
.Lfunc_end0:
.L_simem_size_0:
called_computation.4_lowered:
.L_overlay_start_0:
0x88: {  	s2 =	sld [smem:$0x3FD9]  }
0x89: {  	s3 =	sld [smem:$0x3FFE];
	_ =	sdelay $0x1  }
0x8a: {  	s1 =	srdreg.scid  }
0x8b: {  	s0 =	sand.u32 $0x1, s1  }
0x8c: {  	s16 =	sshll.u32 s0, $0xA;
	s2 =	sadd.s32 s3, s2  }
0x8d: {  	s2 =	sadd.s32 s2, s16  }
0x8e: {  	[smem:$0x3FBA] =	sst s2  }
0x8f: {  	_ = 	snop  }
0x90: {  	(tm) =	ssettm $0x1  }
0x91: {  	s17 =	sld [smem:$0x3FFB];
	_ =	sdelay $0x3  }
0x92: {  	_ =	strace s17  }
0x93: {  	s2 =	sld [smem:$0x3FFC];
	_ =	sdelay $0x3  }
0x94: {  	_ =	strace s2  }
0x95: {  	s2 =	sld [smem:$0x3FFD];
	_ =	sdelay $0x3  }
0x96: {  	_ =	strace s2  }
0x97: {  	_ =	strace $0x8FFFFFFF  }
0x98: {  	s18 =	sld [smem:$0x3FDB];
	_ =	sdelay $0x1  }
0x99: {  	s19 =	simm.s32 $_scs_section_size  }
0x9a: {  	s4 =	simm.s32 $_size__tile_overlayer_lowered;
	s5 =	simm.s32 $_tile_overlayer_lowered  }
0x9b: {  	s22 =	simm.s32 $0x1BFF;
	s21 =	sshll.u32 s5, $0x1;
	s2 =	sadd.s32 s19, s18  }
0x9c: {  	s6 =	simm.s32 $0x0;
	s20 =	sshll.u32 s4, $0x1;
	s4 =	sadd.s32 s21, s2  }
0x9d: {  	[timem:s6], [sflag:s22] =	dma.local [hbm:s4], s20  }
0x9e: {  	_ =	swait.ge [sflag:s22], s20  }
0x9f: {  	s3 =	ssub.s32 $0x0, s20;
	[sflag:s22] =	ssyncset.done $0x0  }
0xa0: {  	[sflag:s22] =	ssyncadd.s32 s3;
	_ =	sdelay $0x1  }
0xa1: {  	s23 =	simm.s32 $0x1B8B  }
0xa2: {  	_ =	swait.ge [sflag:s23], $0x1  }
0xa3: {  	[sflag:s23] =	ssyncset.done $0x0  }
0xa4: {  	s25 =	simm.s32 $0x1B8E;
	s24 =	sld [smem:$0x3FFE];
	[sflag:s23] =	ssyncadd.s32 $0xFFFFFFFF  }
0xa5: {  	s26 =	simm.s32 $execute0_lowered;
	[smem:$0x3FD2] =	sst s25  }
0xa6: {  	s4 =	sshll.u32 s26, $0x1;
	_ =	strace $0x80000052;
	[dreg:$0x1] =	wrdreg $0xFFFFFFFF  }
0xa7: {  	s28 =	simm.s32 $_size_execute0_lowered;
	s2 =	sadd.s32 s2, s4;
	[dreg:$0x0] =	wrdreg $0x0  }
0xa8: {  	s4 =	sshll.u32 s28, $0x1;
	[dreg:$0x2] =	wrdreg s2  }
0xa9: {  	[dreg:$0x3] =	wrdreg s4  }
0xaa: {  	[dreg:$0x4] =	wrdreg $0xC0  }
0xab: {  	_ =	task [dreg:s6], $0x5FFFF  }
0xac: {  	[dreg:$0x1] =	wrdreg $0xFFFFFFFF  }
0xad: {  	[dreg:$0x0] =	wrdreg $0x60  }
0xae: {  	[dreg:$0x2] =	wrdreg s24  }
0xaf: {  	[dreg:$0x3] =	wrdreg $0x90000  }
0xb0: {  	[dreg:$0x4] =	wrdreg $0x9  }
0xb1: {  	_ =	task.clear_ibuf [dreg:s6], $0x5FFFF;
	_ =	strace $0x90000052  }
0xb2: {  	s29 =	simm.s32 $0x9;
	_ =	strace $0x80000054  }
0xb3: {  	_ =	swait.ge [sflag:s29], $0x1  }
0xb4: {  	[sflag:s29] =	ssyncadd.s32 $0xFFFFFFFF  }
0xb5: {  	_ =	strace $0x90000054  }
0xb6: {  	_ =	sfence  }
0xb7: {  	s30 =	sld [smem:$0x0];
	_ =	sdelay $0x2  }
0xb8: {  	s31 =	sshll.u32 s1, $0xD;
	s1 =	sshrl.u32 s1, $0x2  }
0xb9: {  	s3 =	sand.u32 $0x4000, s31;
	s1 =	sadd.s32 s1, s30  }
0xba: {  	s0 =	sor.u32 s3, s0;
	s1 =	sshll.u32 s1, $0x11  }
0xbb: {  	s0 =	sor.u32 s1, s0  }
0xbc: {  	s0 =	sadd.s32 $0x8F2B, s0  }
0xbd: {  	[sflag:s0] =	ssyncadd.remote.s32 $0x1  }
0xbe: {  	_ =	sfence.sel $0xFFFF  }
0xbf: {  	[dreg:$0x0] =	wrdreg $0xFFFFFFFF;
	(pc) =	sbr.abs _section_cstart, $3  }
0xc0: {  	[dreg:$0x1] =	wrdreg $0xFFFFFFFF  }
0xc1: {  	_ =	task.clear_ibuf [dreg:s6], $0x2FFFF;
	_ =	strace $0x9FFFFFFF  }
0xc2: {  	(tm) =	ssettm $0x7FFFFFFF  }
0xc3: {  	_ =	shalt  }
tec
execute0_lowered:
.L_overlay_start_1:
0x0: {  	(tag) =	ssettag $0x1  }
0x1: {  	s1 =	srdreg.scid  }
0x2: {  	s0 =	stileid.u32;
	s5 =	rddreg [dreg:$0x0]  }
0x3: {  	s2 =	rddreg [dreg:$0x1];
	s3 =	simm.s32 $0x0;
	s14 =	simm.s32 $0x5000  }
0x4: {  	s15 =	simm.s32 $0x1;
	s6 =	sand.u32 $0x1, s1;
	s1 =	rddreg [dreg:$0x2]  }
0x5: {  	s26 =	sshll.u32 s0, $0x1;
	[smem:$0x7FF] =	sst s3;
	s16 =	smul.u32 $0x2800, s0  }
0x6: {  	s28 =	smul.u32 $0x50000, s0;
	s31 =	sshll.u32 s0, $0x6;
	s4 =	sor.u32 s6, s26  }
0x7: {  	_ =	strace $0x80000053;
	s8 =	smul.u32 $0x28000, s6;
	s6 =	ssub.s32 $0x2, s6  }
0x8: {  	s7 =	smul.u32 $0x500, s4;
	s4 =	sadd.s32 $0x18C00, s5;
	s10 =	sadd.s32 s16, s5  }
0x9: {  	s29 =	sshrl.u32 s6, $0x1;
	s30 =	sshrl.u32 s28, $0x2;
	s11 =	sadd.s32 s8, s5  }
0xa: {  	s12 =	ssub.s32 s6, s29;
	s13 =	sadd.s32 s30, s2;
	s6 =	sor.u32 $0x1C02, s31  }
0xb: {  	s9 =	sadd.s32 s7, s5;
	s5 =	sadd.s32 $0x3FE00, s10;
	s17 =	sadd.s32 $0x67E00, s11  }
0xc: {  	s10 =	sshrl.u32 s13, $0x3;
	s11 =	simm.s32 $0x2;
	s13 =	simm.s32 $0x80  }
0xd: {  	s7 =	sadd.s32 $0xEC00, s9;
	s8 =	sadd.s32 $0x4C00, s9;
	s9 =	smax.u32 s12, $0x1  }
0xe: {  	s12 =	simm.s32 $0x2800;
	s16 =	sadd.s32 s16, s17;
	s17 =	simm.s32 $0x0  }
.LBB2_1:
0xf: {  	[spmem:s10], [sflag:s6] =	dma.local [hbm:s5], $0x2800  }
0x10: {  	_ =	swait.ge [sflag:s11], $0x2800  }
0x11: {  	[sflag:s11] =	ssyncset.done $0x0  }
0x12: {  	[sflag:s11] =	ssyncadd.s32 $0xFFFFD800  }
0x13: {  	[tilespmem:s3], [sflag:$0x2] =	stream.linear.gather [hbm4b:s7+s3], $0x2780, $0x38;
	[tilespmem:$0x1D000] =	vst v63  }
0x14: {  	_ =	swait.ge [sflag:s11], $0x2780  }
0x15: {  	[sflag:s11] =	ssyncset.done $0x0  }
0x16: {  	[sflag:s11] =	ssyncadd.s32 $0xFFFFD880  }
0x17: {  	[tilespmem:s12], [sflag:$0x2] =	stream.linear.gather [hbm4b:s8+s3], $0x2780, $0x38;
	[tilespmem:$0x1D000] =	vst v63  }
0x18: {  	_ =	swait.ge [sflag:s11], $0x2780  }
0x19: {  	[sflag:s11] =	ssyncset.done $0x0  }
0x1a: {  	[sflag:s11] =	ssyncadd.s32 $0xFFFFD880  }
0x1b: {  	s18 =	simm.s32 $0x0;
	[bflag:$0x0] =	sbarrier.arrive $0xFFFF  }
0x1c: {  	[tilespmem:s14], [sflag:$0x1] =	stream.indirect.gather [hbm4b:s4+s13], $0x80, s18, s13, $0xb8;
	[tilespmem:$0x1D000] =	vst v63  }
0x1d: {  	_ =	swait.ge [sflag:s15], $0x4000  }
0x1e: {  	[sflag:s15] =	ssyncset.done $0x0  }
0x1f: {  	s31 =	simm.s32 $0x2800;
	[sflag:s15] =	ssyncadd.s32 $0xFFFFC000  }
0x20: {  	[spmem:s2] =	stream.indirect.scatter.add.f32 [tilespmem:s14], [sflag:$0x2], $0x80, s31, s13, $0xb8;
	[tilespmem:$0x1D000] =	vst v63  }
0x21: {  	_ =	swait.ge [sflag:s11], $0x4000  }
0x22: {  	s19 =	simm.s32 $0x400;
	s18 =	simm.s32 $0x200;
	[sflag:s11] =	ssyncset.done $0x0  }
.LBB2_2:
0x23: {  	s20 =	sshra.s32 s18, $0x2  }
0x24: {  	[sflag:s11] =	ssyncadd.s32 $0xFFFFC000;
	s18 =	smov.u32 s19;
	s21 =	sadd.s32 $0x200, s19  }
0x25: {  	[tilespmem:s14], [sflag:$0x1] =	stream.indirect.gather [hbm4b:s4+s13], $0x80, s20, s13, $0xb8;
	[tilespmem:$0x1D000] =	vst v63  }
0x26: {  	p0 =	sne.s32 s19, $0x9C00;
	_ =	swait.ge [sflag:s15], $0x4000  }
.Ltmp0:
0x27: {  	[sflag:s15] =	ssyncset.done $0x0;
	(pc) =	sbr.rel @p0 .LBB2_2-.Ltmp0, $4  }
0x28: {  	s19 =	sadd.s32 $0x2800, s20;
	[sflag:s15] =	ssyncadd.s32 $0xFFFFC000  }
0x29: {  	[spmem:s2] =	stream.indirect.scatter.add.f32 [tilespmem:s14], [sflag:$0x2], $0x80, s19, s13, $0xb8;
	[tilespmem:$0x1D000] =	vst v63  }
0x2a: {  	_ =	swait.ge [sflag:s11], $0x4000  }
0x2b: {  	s19 =	smov.u32 s21;
	[sflag:s11] =	ssyncset.done $0x0  }
0x2c: {  	s18 =	sshra.s32 s18, $0x2;
	[sflag:s11] =	ssyncadd.s32 $0xFFFFC000  }
0x2d: {  	[tilespmem:s14], [sflag:$0x1] =	stream.indirect.gather [hbm4b:s4+s13], $0x80, s18, s13, $0xb8;
	[tilespmem:$0x1D000] =	vst v63  }
0x2e: {  	_ =	swait.ge [sflag:s15], $0x4000  }
0x2f: {  	[sflag:s15] =	ssyncset.done $0x0  }
0x30: {  	s18 =	sadd.s32 $0x2800, s18;
	[sflag:s15] =	ssyncadd.s32 $0xFFFFC000  }
0x31: {  	[spmem:s2] =	stream.indirect.scatter.add.f32 [tilespmem:s14], [sflag:$0x2], $0x80, s18, s13, $0xb8;
	[tilespmem:$0x1D000] =	vst v63  }
0x32: {  	_ =	swait.ge [sflag:s11], $0x4000  }
0x33: {  	s17 =	sadd.s32 $0x1, s17;
	[sflag:s11] =	ssyncset.done $0x0  }
0x34: {  	p0 =	sne.s32 s17, s9;
	[sflag:s11] =	ssyncadd.s32 $0xFFFFC000  }
.Ltmp1:
0x35: {  	[bflag:$0x0] =	sbarrier.arrive $0xFFFF;
	(pc) =	sbr.rel @p0 .LBB2_1-.Ltmp1, $4  }
0x36: {  	[hbm:s16], [sflag:s6] =	dma.local [spmem:s10], $0x2800  }
0x37: {  	_ =	swait.ge [sflag:s11], $0x2800  }
0x38: {  	[sflag:s11] =	ssyncset.done $0x0  }
0x39: {  	[sflag:s11] =	ssyncadd.s32 $0xFFFFD800  }
0x3a: {  	_ =	sfence.sel $0x180000  }
0x3b: {  	[bflag:$0x0] =	sbarrier.arrive $0xFFFF  }
0x3c: {  	p0 =	sne.s32 s0, $0x0;
	_ =	strace $0x90000053  }
0x3d: {  	s0 =	sadd.s32 @!p0 $0x100000, s1;
	[bflag:$0x2] =	sbarrier.arrive $0xFFFF  }
0x3e: {  	[sflag:s0] =	ssyncadd.tile.s32 @!p0 $0x1;
	_ =	shalt  }
.Lfunc_end2:
_tile_overlayer_lowered:
.L_overlay_start_2:
0x3f: {  	(tag) =	ssettag $0x2  }
0x40: {  	s0 =	rddreg [dreg:$0x0];
	s2 =	stileid.u32  }
0x41: {  	s1 =	rddreg [dreg:$0x1];
	p0 =	sne.s32 s2, $0x0  }
0x42: {  	s3 =	rddreg [dreg:$0x2];
	[bflag:$0x3] =	sbarrier.arrive $0xFFFF;
	s2 =	simm.s32 @!p0 $0x1C02  }
0x43: {  	[timem:s3], [sflag:s2] =	dma.local @!p0 [hbm:s0], s1  }
0x44: {  	s0 =	simm.s32 @!p0 $0x2  }
0x45: {  	_ =	swait.ge @!p0 [sflag:s0], s1  }
0x46: {  	s1 =	ssub.s32 @!p0 $0x0, s1;
	[sflag:s0] =	ssyncset.done @!p0 $0x0  }
0x47: {  	[sflag:s0] =	ssyncadd.s32 @!p0 s1  }
0x48: {  	[bflag:$0x3] =	sbarrier.arrive $0xFFFF  }
0x49: {  	_ =	shalt  }

// kernel: kernel.30.cloned.1.call-start
scs
__scs_entry_jumppad:
0x0: {  	(pc) =	sbr.rel $0x88, $3  }
0x1: {  	(tag) =	ssettag $0x0;
	lr =	simm.s32 $0x1  }
0x2: {  	[smem:$0x3F93] =	sst lr;
	_ =	strace $0xD0000000  }
0x3: {  	_ = 	snop  }
0x4: {  	_ = 	snop  }
0x5: {  	_ = 	snop  }
0x6: {  	_ = 	snop  }
0x7: {  	_ = 	snop  }
__scs_overlays_trampoline_lowered:
0x8: {  	[smem:$0x3FA2] =	sst s0  }
0x9: {  	[smem:$0x3FA3] =	sst s1  }
0xa: {  	[smem:$0x3FA4] =	sst s2  }
0xb: {  	[smem:$0x3FA5] =	sst s3  }
0xc: {  	[smem:$0x3FA6] =	sst s4  }
0xd: {  	[smem:$0x3FA7] =	sst s5  }
0xe: {  	[smem:$0x3FA8] =	sst s6  }
0xf: {  	[smem:$0x3FA9] =	sst s7  }
0x10: {  	[smem:$0x3FAA] =	sst s8  }
0x11: {  	[smem:$0x3FAB] =	sst s9;
	s0 =	simm.s32 @!p0 $0x0  }
0x12: {  	s1 =	sld [smem:$0x3F91];
	s0 =	simm.s32 @p0 $0x1  }
0x13: {  	[smem:$0x3FAC] =	sst s0;
	s0 =	simm.s32 @!p1 $0x0  }
0x14: {  	s2 =	sld [smem:$0x3F90];
	s0 =	simm.s32 @p1 $0x1  }
0x15: {  	[smem:$0x3FAD] =	sst s0;
	s0 =	simm.s32 @!p2 $0x0  }
0x16: {  	s3 =	sld [smem:$0x3FDB];
	s0 =	simm.s32 @p2 $0x1  }
0x17: {  	s4 =	simm.s32 $0x1BF5;
	[smem:$0x3FAF] =	sst s0  }
0x18: {  	s0 =	sld [smem:$0x3F92];
	_ =	swait.ge [sflag:s4], $0x0  }
0x19: {  	s7 =	sld [smem:$0x3F93]  }
0x1a: {  	s8 =	sadd.s32 $0xFFFFE003, lr  }
0x1b: {  	s9 =	sadd.s32 $0xFFFFFEF7, lr;
	s5 =	simm.s32 $0xFFFFFFFF;
	p2 =	slt.u32 s8, $0xFFFFF086  }
0x1c: {  	p1 =	slt.u32 s9, $0xF7A;
	s5 =	simm.s32 @!p2 $0x0  }
0x1d: {  	s5 =	simm.s32 @p1 $0x1;
	p0 =	seq.s32 s7, s2  }
0x1e: {  	s7 =	smul.u32 @!p0 $0xF7A, s2;
	p2 =	seq.s32 @!p0 s5, $0x0  }
0x1f: {  	s9 =	smul.u32 $0xF7A, s1;
	s8 =	simm.s32 @!p0 $0x1BF5;
	p2 =	por !p2, p0  }
0x20: {  	[sflag:s8] =	ssyncset.s32 @!p0 $0xFFFFF086;
	s6 =	sadd.s32 @!p0 s3, s7;
	s7 =	simm.s32 @!p0 $0x108  }
0x21: {  	s3 =	sadd.s32 s3, s9;
	s6 =	sadd.s32 @!p0 $0x88, s6;
	s7 =	simm.s32 @p2 $0x1082  }
0x22: {  	[simem:s7], [sflag:s8] =	dma.local @!p0 [hbm:s6], $0xF7A  }
0x23: {  	s9 =	sor.u32 $0xD0000000, s2;
	s6 =	simm.s32 $0x108;
	_ =	swait.ge @!p0 [sflag:s8], $0x0  }
0x24: {  	s3 =	sadd.s32 $0x88, s3;
	s6 =	simm.s32 @!p1 $0x1082;
	[sflag:s4] =	ssyncset.s32 $0xFFFFF086  }
0x25: {  	[simem:s6], [sflag:s4] =	dma.local [hbm:s3], $0xF7A  }
0x26: {  	[smem:$0x3F93] =	sst s1;
	(tag) =	ssettag s2;
	_ =	strace s9  }
0x27: {  	s1 =	sld [smem:$0x3FA3]  }
0x28: {  	s2 =	sld [smem:$0x3FA4]  }
0x29: {  	s4 =	sld [smem:$0x3FA6]  }
0x2a: {  	p0 =	seq.s32 s5, $0x0;
	s5 =	sld [smem:$0x3FA7]  }
0x2b: {  	s6 =	sld [smem:$0x3FA8]  }
0x2c: {  	s7 =	sld [smem:$0x3FA9]  }
0x2d: {  	s3 =	simm.s32 $0x108;
	s8 =	sld [smem:$0x3FAA]  }
0x2e: {  	s3 =	simm.s32 @!p0 $0x1082;
	s9 =	sld [smem:$0x3FAB]  }
0x2f: {  	lr =	sadd.s32 s0, s3;
	s0 =	sld [smem:$0x3FA2]  }
0x30: {  	s3 =	sld [smem:$0x3FA5]  }
0x31: {  	[smem:$0x3FAE] =	sst s10  }
0x32: {  	s10 =	sld [smem:$0x3FAC];
	_ =	sdelay $0x3  }
0x33: {  	p0 =	seq.s32 s10, $0x1;
	s10 =	sld [smem:$0x3FAE];
	_ =	sdelay $0x3  }
0x34: {  	[smem:$0x3FAE] =	sst s10  }
0x35: {  	s10 =	sld [smem:$0x3FAD];
	_ =	sdelay $0x3  }
0x36: {  	p1 =	seq.s32 s10, $0x1;
	s10 =	sld [smem:$0x3FAE];
	_ =	sdelay $0x3  }
0x37: {  	[smem:$0x3FAE] =	sst s10  }
0x38: {  	s10 =	sld [smem:$0x3FAF]  }
0x39: {  	_ = 	snop;
	(pc) =	sbr.ind lr, $3  }
0x3a: {  	_ = 	snop  }
0x3b: {  	_ = 	snop  }
0x3c: {  	p2 =	seq.s32 s10, $0x1;
	s10 =	sld [smem:$0x3FAE]  }
0x3d: {  	_ =	shalt  }
0x3e: {  	_ =	shalt  }
0x3f: {  	_ =	shalt  }
0x40: {  	_ =	shalt  }
0x41: {  	_ =	shalt  }
0x42: {  	_ =	shalt  }
0x43: {  	_ =	shalt  }
0x44: {  	_ =	shalt  }
0x45: {  	_ =	shalt  }
0x46: {  	_ =	shalt  }
0x47: {  	_ =	shalt  }
0x48: {  	_ =	shalt  }
0x49: {  	_ =	shalt  }
0x4a: {  	_ =	shalt  }
0x4b: {  	_ =	shalt  }
0x4c: {  	_ =	shalt  }
0x4d: {  	_ =	shalt  }
0x4e: {  	_ =	shalt  }
0x4f: {  	_ =	shalt  }
0x50: {  	_ =	shalt  }
0x51: {  	_ =	shalt  }
0x52: {  	_ =	shalt  }
0x53: {  	_ =	shalt  }
0x54: {  	_ =	shalt  }
0x55: {  	_ =	shalt  }
0x56: {  	_ =	shalt  }
0x57: {  	_ =	shalt  }
0x58: {  	_ =	shalt  }
0x59: {  	_ =	shalt  }
0x5a: {  	_ =	shalt  }
0x5b: {  	_ =	shalt  }
0x5c: {  	_ =	shalt  }
0x5d: {  	_ =	shalt  }
0x5e: {  	_ =	shalt  }
0x5f: {  	_ =	shalt  }
0x60: {  	_ =	shalt  }
0x61: {  	_ =	shalt  }
0x62: {  	_ =	shalt  }
0x63: {  	_ =	shalt  }
0x64: {  	_ =	shalt  }
0x65: {  	_ =	shalt  }
0x66: {  	_ =	shalt  }
0x67: {  	_ =	shalt  }
0x68: {  	_ =	shalt  }
0x69: {  	_ =	shalt  }
0x6a: {  	_ =	shalt  }
0x6b: {  	_ =	shalt  }
0x6c: {  	_ =	shalt  }
0x6d: {  	_ =	shalt  }
0x6e: {  	_ =	shalt  }
0x6f: {  	_ =	shalt  }
0x70: {  	_ =	shalt  }
0x71: {  	_ =	shalt  }
0x72: {  	_ =	shalt  }
0x73: {  	_ =	shalt  }
0x74: {  	_ =	shalt  }
0x75: {  	_ =	shalt  }
0x76: {  	_ =	shalt  }
0x77: {  	_ =	shalt  }
0x78: {  	_ =	shalt  }
0x79: {  	_ =	shalt  }
0x7a: {  	_ =	shalt  }
0x7b: {  	_ =	shalt  }
0x7c: {  	_ =	shalt  }
0x7d: {  	_ =	shalt  }
0x7e: {  	_ =	shalt  }
0x7f: {  	_ =	shalt  }
0x80: {  	_ =	shalt  }
0x81: {  	_ =	shalt  }
0x82: {  	_ =	shalt  }
0x83: {  	_ =	shalt  }
0x84: {  	_ =	shalt  }
0x85: {  	_ =	shalt  }
0x86: {  	_ =	shalt  }
0x87: {  	_ =	shalt  }
.Lfunc_end0:
.L_simem_size_0:
called_computation.5_lowered:
.L_overlay_start_0:
0x88: {  	s2 =	sld [smem:$0x3FD9]  }
0x89: {  	s3 =	sld [smem:$0x3FFE];
	_ =	sdelay $0x1  }
0x8a: {  	s1 =	srdreg.scid  }
0x8b: {  	s0 =	sand.u32 $0x1, s1  }
0x8c: {  	s16 =	sshll.u32 s0, $0xA;
	s2 =	sadd.s32 s3, s2  }
0x8d: {  	s2 =	sadd.s32 s2, s16  }
0x8e: {  	[smem:$0x3FBA] =	sst s2  }
0x8f: {  	_ = 	snop  }
0x90: {  	(tm) =	ssettm $0x1  }
0x91: {  	s17 =	sld [smem:$0x3FFB];
	_ =	sdelay $0x3  }
0x92: {  	_ =	strace s17  }
0x93: {  	s2 =	sld [smem:$0x3FFC];
	_ =	sdelay $0x3  }
0x94: {  	_ =	strace s2  }
0x95: {  	s2 =	sld [smem:$0x3FFD];
	_ =	sdelay $0x3  }
0x96: {  	_ =	strace s2  }
0x97: {  	_ =	strace $0x8FFFFFFF  }
0x98: {  	s18 =	sld [smem:$0x3FDB];
	_ =	sdelay $0x1  }
0x99: {  	s19 =	simm.s32 $_scs_section_size  }
0x9a: {  	s4 =	simm.s32 $_size__tile_overlayer_lowered;
	s5 =	simm.s32 $_tile_overlayer_lowered  }
0x9b: {  	s22 =	simm.s32 $0x1BFF;
	s21 =	sshll.u32 s5, $0x1;
	s2 =	sadd.s32 s19, s18  }
0x9c: {  	s6 =	simm.s32 $0x0;
	s20 =	sshll.u32 s4, $0x1;
	s4 =	sadd.s32 s21, s2  }
0x9d: {  	[timem:s6], [sflag:s22] =	dma.local [hbm:s4], s20  }
0x9e: {  	_ =	swait.ge [sflag:s22], s20  }
0x9f: {  	s3 =	ssub.s32 $0x0, s20;
	[sflag:s22] =	ssyncset.done $0x0  }
0xa0: {  	[sflag:s22] =	ssyncadd.s32 s3;
	_ =	sdelay $0x1  }
0xa1: {  	s23 =	simm.s32 $0x1B8B  }
0xa2: {  	_ =	swait.ge [sflag:s23], $0x1  }
0xa3: {  	[sflag:s23] =	ssyncset.done $0x0  }
0xa4: {  	s25 =	simm.s32 $0x1B8E;
	s24 =	sld [smem:$0x3FFE];
	[sflag:s23] =	ssyncadd.s32 $0xFFFFFFFF  }
0xa5: {  	s26 =	simm.s32 $execute0_lowered;
	[smem:$0x3FD2] =	sst s25  }
0xa6: {  	s4 =	sshll.u32 s26, $0x1;
	_ =	strace $0x80000055;
	[dreg:$0x1] =	wrdreg $0xFFFFFFFF  }
0xa7: {  	s28 =	simm.s32 $_size_execute0_lowered;
	s2 =	sadd.s32 s2, s4;
	[dreg:$0x0] =	wrdreg $0x0  }
0xa8: {  	s4 =	sshll.u32 s28, $0x1;
	[dreg:$0x2] =	wrdreg s2  }
0xa9: {  	[dreg:$0x3] =	wrdreg s4  }
0xaa: {  	[dreg:$0x4] =	wrdreg $0xC0  }
0xab: {  	_ =	task [dreg:s6], $0x5FFFF  }
0xac: {  	[dreg:$0x1] =	wrdreg $0xFFFFFFFF  }
0xad: {  	[dreg:$0x0] =	wrdreg $0x60  }
0xae: {  	[dreg:$0x2] =	wrdreg s24  }
0xaf: {  	[dreg:$0x3] =	wrdreg $0x90000  }
0xb0: {  	[dreg:$0x4] =	wrdreg $0x9  }
0xb1: {  	_ =	task.clear_ibuf [dreg:s6], $0x5FFFF;
	_ =	strace $0x90000055  }
0xb2: {  	s29 =	simm.s32 $0x9;
	_ =	strace $0x80000057  }
0xb3: {  	_ =	swait.ge [sflag:s29], $0x1  }
0xb4: {  	[sflag:s29] =	ssyncadd.s32 $0xFFFFFFFF  }
0xb5: {  	_ =	strace $0x90000057  }
0xb6: {  	_ =	sfence  }
0xb7: {  	s30 =	sld [smem:$0x0];
	_ =	sdelay $0x2  }
0xb8: {  	s31 =	sshll.u32 s1, $0xD;
	s1 =	sshrl.u32 s1, $0x2  }
0xb9: {  	s3 =	sand.u32 $0x4000, s31;
	s1 =	sadd.s32 s1, s30  }
0xba: {  	s0 =	sor.u32 s3, s0;
	s1 =	sshll.u32 s1, $0x11  }
0xbb: {  	s0 =	sor.u32 s1, s0  }
0xbc: {  	s0 =	sadd.s32 $0x8F2B, s0  }
0xbd: {  	[sflag:s0] =	ssyncadd.remote.s32 $0x1  }
0xbe: {  	_ =	sfence.sel $0xFFFF  }
0xbf: {  	[dreg:$0x0] =	wrdreg $0xFFFFFFFF;
	(pc) =	sbr.abs _section_cstart, $3  }
0xc0: {  	[dreg:$0x1] =	wrdreg $0xFFFFFFFF  }
0xc1: {  	_ =	task.clear_ibuf [dreg:s6], $0x2FFFF;
	_ =	strace $0x9FFFFFFF  }
0xc2: {  	(tm) =	ssettm $0x7FFFFFFF  }
0xc3: {  	_ =	shalt  }
tec
execute0_lowered:
.L_overlay_start_1:
0x0: {  	(tag) =	ssettag $0x1  }
0x1: {  	s1 =	srdreg.scid  }
0x2: {  	s0 =	stileid.u32;
	s5 =	rddreg [dreg:$0x0]  }
0x3: {  	s2 =	rddreg [dreg:$0x1];
	s3 =	simm.s32 $0x0;
	s14 =	simm.s32 $0x5000  }
0x4: {  	s15 =	simm.s32 $0x1;
	s6 =	sand.u32 $0x1, s1;
	s1 =	rddreg [dreg:$0x2]  }
0x5: {  	s26 =	sshll.u32 s0, $0x1;
	[smem:$0x7FF] =	sst s3;
	s16 =	smul.u32 $0x2800, s0  }
0x6: {  	s28 =	smul.u32 $0x50000, s0;
	s31 =	sshll.u32 s0, $0x6;
	s4 =	sor.u32 s6, s26  }
0x7: {  	_ =	strace $0x80000056;
	s8 =	smul.u32 $0x28000, s6;
	s6 =	ssub.s32 $0x2, s6  }
0x8: {  	s7 =	smul.u32 $0x500, s4;
	s4 =	sadd.s32 $0x18C00, s5;
	s10 =	sadd.s32 s16, s5  }
0x9: {  	s29 =	sshrl.u32 s6, $0x1;
	s30 =	sshrl.u32 s28, $0x2;
	s11 =	sadd.s32 s8, s5  }
0xa: {  	s12 =	ssub.s32 s6, s29;
	s13 =	sadd.s32 s30, s2;
	s6 =	sor.u32 $0x1C02, s31  }
0xb: {  	s9 =	sadd.s32 s7, s5;
	s5 =	sadd.s32 $0x3FE00, s10;
	s17 =	sadd.s32 $0x67E00, s11  }
0xc: {  	s10 =	sshrl.u32 s13, $0x3;
	s11 =	simm.s32 $0x2;
	s13 =	simm.s32 $0x80  }
0xd: {  	s7 =	sadd.s32 $0xEC00, s9;
	s8 =	sadd.s32 $0x4C00, s9;
	s9 =	smax.u32 s12, $0x1  }
0xe: {  	s12 =	simm.s32 $0x2800;
	s16 =	sadd.s32 s16, s17;
	s17 =	simm.s32 $0x0  }
.LBB2_1:
0xf: {  	[spmem:s10], [sflag:s6] =	dma.local [hbm:s5], $0x2800  }
0x10: {  	_ =	swait.ge [sflag:s11], $0x2800  }
0x11: {  	[sflag:s11] =	ssyncset.done $0x0  }
0x12: {  	[sflag:s11] =	ssyncadd.s32 $0xFFFFD800  }
0x13: {  	[tilespmem:s3], [sflag:$0x2] =	stream.linear.gather [hbm4b:s7+s3], $0x2780, $0x38;
	[tilespmem:$0x1D000] =	vst v63  }
0x14: {  	_ =	swait.ge [sflag:s11], $0x2780  }
0x15: {  	[sflag:s11] =	ssyncset.done $0x0  }
0x16: {  	[sflag:s11] =	ssyncadd.s32 $0xFFFFD880  }
0x17: {  	[tilespmem:s12], [sflag:$0x2] =	stream.linear.gather [hbm4b:s8+s3], $0x2780, $0x38;
	[tilespmem:$0x1D000] =	vst v63  }
0x18: {  	_ =	swait.ge [sflag:s11], $0x2780  }
0x19: {  	[sflag:s11] =	ssyncset.done $0x0  }
0x1a: {  	[sflag:s11] =	ssyncadd.s32 $0xFFFFD880  }
0x1b: {  	s18 =	simm.s32 $0x0;
	[bflag:$0x0] =	sbarrier.arrive $0xFFFF  }
0x1c: {  	[tilespmem:s14], [sflag:$0x1] =	stream.indirect.gather [hbm4b:s4+s13], $0x80, s18, s13, $0xb8;
	[tilespmem:$0x1D000] =	vst v63  }
0x1d: {  	_ =	swait.ge [sflag:s15], $0x4000  }
0x1e: {  	[sflag:s15] =	ssyncset.done $0x0  }
0x1f: {  	s31 =	simm.s32 $0x2800;
	[sflag:s15] =	ssyncadd.s32 $0xFFFFC000  }
0x20: {  	[spmem:s2] =	stream.indirect.scatter.add.f32 [tilespmem:s14], [sflag:$0x2], $0x80, s31, s13, $0xb8;
	[tilespmem:$0x1D000] =	vst v63  }
0x21: {  	_ =	swait.ge [sflag:s11], $0x4000  }
0x22: {  	s19 =	simm.s32 $0x400;
	s18 =	simm.s32 $0x200;
	[sflag:s11] =	ssyncset.done $0x0  }
.LBB2_2:
0x23: {  	s20 =	sshra.s32 s18, $0x2  }
0x24: {  	[sflag:s11] =	ssyncadd.s32 $0xFFFFC000;
	s18 =	smov.u32 s19;
	s21 =	sadd.s32 $0x200, s19  }
0x25: {  	[tilespmem:s14], [sflag:$0x1] =	stream.indirect.gather [hbm4b:s4+s13], $0x80, s20, s13, $0xb8;
	[tilespmem:$0x1D000] =	vst v63  }
0x26: {  	p0 =	sne.s32 s19, $0x9C00;
	_ =	swait.ge [sflag:s15], $0x4000  }
.Ltmp0:
0x27: {  	[sflag:s15] =	ssyncset.done $0x0;
	(pc) =	sbr.rel @p0 .LBB2_2-.Ltmp0, $4  }
0x28: {  	s19 =	sadd.s32 $0x2800, s20;
	[sflag:s15] =	ssyncadd.s32 $0xFFFFC000  }
0x29: {  	[spmem:s2] =	stream.indirect.scatter.add.f32 [tilespmem:s14], [sflag:$0x2], $0x80, s19, s13, $0xb8;
	[tilespmem:$0x1D000] =	vst v63  }
0x2a: {  	_ =	swait.ge [sflag:s11], $0x4000  }
0x2b: {  	s19 =	smov.u32 s21;
	[sflag:s11] =	ssyncset.done $0x0  }
0x2c: {  	s18 =	sshra.s32 s18, $0x2;
	[sflag:s11] =	ssyncadd.s32 $0xFFFFC000  }
0x2d: {  	[tilespmem:s14], [sflag:$0x1] =	stream.indirect.gather [hbm4b:s4+s13], $0x80, s18, s13, $0xb8;
	[tilespmem:$0x1D000] =	vst v63  }
0x2e: {  	_ =	swait.ge [sflag:s15], $0x4000  }
0x2f: {  	[sflag:s15] =	ssyncset.done $0x0  }
0x30: {  	s18 =	sadd.s32 $0x2800, s18;
	[sflag:s15] =	ssyncadd.s32 $0xFFFFC000  }
0x31: {  	[spmem:s2] =	stream.indirect.scatter.add.f32 [tilespmem:s14], [sflag:$0x2], $0x80, s18, s13, $0xb8;
	[tilespmem:$0x1D000] =	vst v63  }
0x32: {  	_ =	swait.ge [sflag:s11], $0x4000  }
0x33: {  	s17 =	sadd.s32 $0x1, s17;
	[sflag:s11] =	ssyncset.done $0x0  }
0x34: {  	p0 =	sne.s32 s17, s9;
	[sflag:s11] =	ssyncadd.s32 $0xFFFFC000  }
.Ltmp1:
0x35: {  	[bflag:$0x0] =	sbarrier.arrive $0xFFFF;
	(pc) =	sbr.rel @p0 .LBB2_1-.Ltmp1, $4  }
0x36: {  	[hbm:s16], [sflag:s6] =	dma.local [spmem:s10], $0x2800  }
0x37: {  	_ =	swait.ge [sflag:s11], $0x2800  }
0x38: {  	[sflag:s11] =	ssyncset.done $0x0  }
0x39: {  	[sflag:s11] =	ssyncadd.s32 $0xFFFFD800  }
0x3a: {  	_ =	sfence.sel $0x180000  }
0x3b: {  	[bflag:$0x0] =	sbarrier.arrive $0xFFFF  }
0x3c: {  	p0 =	sne.s32 s0, $0x0;
	_ =	strace $0x90000056  }
0x3d: {  	s0 =	sadd.s32 @!p0 $0x100000, s1;
	[bflag:$0x2] =	sbarrier.arrive $0xFFFF  }
0x3e: {  	[sflag:s0] =	ssyncadd.tile.s32 @!p0 $0x1;
	_ =	shalt  }
.Lfunc_end2:
_tile_overlayer_lowered:
.L_overlay_start_2:
0x3f: {  	(tag) =	ssettag $0x2  }
0x40: {  	s0 =	rddreg [dreg:$0x0];
	s2 =	stileid.u32  }
0x41: {  	s1 =	rddreg [dreg:$0x1];
	p0 =	sne.s32 s2, $0x0  }
0x42: {  	s3 =	rddreg [dreg:$0x2];
	[bflag:$0x3] =	sbarrier.arrive $0xFFFF;
	s2 =	simm.s32 @!p0 $0x1C02  }
0x43: {  	[timem:s3], [sflag:s2] =	dma.local @!p0 [hbm:s0], s1  }
0x44: {  	s0 =	simm.s32 @!p0 $0x2  }
0x45: {  	_ =	swait.ge @!p0 [sflag:s0], s1  }
0x46: {  	s1 =	ssub.s32 @!p0 $0x0, s1;
	[sflag:s0] =	ssyncset.done @!p0 $0x0  }
0x47: {  	[sflag:s0] =	ssyncadd.s32 @!p0 s1  }
0x48: {  	[bflag:$0x3] =	sbarrier.arrive $0xFFFF  }
0x49: {  	_ =	shalt  }

</sc_bundles>
